<compile_context>
chip_gen: v7x
topology: tpu7x:2x2x1
jax: 0.10.2.dev20260603
libtpu: 0.0.44.dev20260713+nightly
codegen_flags: <defaults>
</compile_context>

<pallas_src>
import functools

import jax
import jax.numpy as jnp
from jax import lax
from jax.experimental import pallas as pl
from jax.experimental.pallas import tpu as pltpu
from jax.experimental.pallas import tpu_sc as plsc

BATCH = 16384
NENT = 1000000
DIM = 64
HALF = DIM // 2
LANES = 16
NREL = 230
NW = 32
RANGE = 31232
ALIGNED_END = 999936
NTAIL = NENT - ALIGNED_END
E = 768
NCHUNK = 42
MAXSTART = ALIGNED_END - E
LISTCAP = 1600
PACK = 64
NSTAGE = 2 * BATCH
STAGE = NSTAGE + PACK

BPW = BATCH // NW
NCH2 = 2
CH2 = BPW // NCH2
GROUPS2 = CH2 // LANES

_mesh = plsc.VectorSubcoreMesh(core_axis_name="c", subcore_axis_name="s")


@functools.partial(
    pl.kernel,
    mesh=_mesh,
    out_type=jax.ShapeDtypeStruct((STAGE, 2 * DIM), jnp.float32),
    scratch_types=[
        pltpu.VMEM((2048,), jnp.int32),
        pltpu.VMEM((LISTCAP,), jnp.int32),
        pltpu.VMEM((LISTCAP,), jnp.int32),
        [pltpu.VMEM((DIM, E), jnp.float32)] * 2,
        [pltpu.VMEM((PACK, 2 * DIM), jnp.float32)] * 2,
        [pltpu.VMEM((PACK,), jnp.int32)] * 2,
        pltpu.VMEM((PACK,), jnp.int32),
        pltpu.VMEM((NTAIL, DIM), jnp.float32),
        [pltpu.SemaphoreType.DMA] * 2,
        [pltpu.SemaphoreType.DMA] * 2,
    ],
    compiler_params=pltpu.CompilerParams(needs_layout_passes=False),
)
def _phase1(entT_hbm, tail_hbm, hidx_hbm, tidx_hbm, stage_hbm,
            piece, entlist, poslist, bufs, packs, poss, hitent, tailtab,
            semS, semW):
    wid = lax.axis_index("s") * 2 + lax.axis_index("c")
    lo = wid * RANGE
    hi = jnp.where(wid == NW - 1, NENT, lo + RANGE)
    lane_iota = lax.iota(jnp.int32, LANES)

    def chunk_start(c):
        return jnp.minimum(lo + c * E, MAXSTART)

    for k in range(2):
        pltpu.async_copy(
            entT_hbm.at[:, pl.ds(chunk_start(k), E)], bufs[k], semS[k])
    pltpu.sync_copy(tail_hbm, tailtab)

    def init_list(i, carry):
        entlist[pl.ds(i * LANES, LANES)] = jnp.full((LANES,), -1, jnp.int32)
        return carry
    lax.fori_loop(0, LISTCAP // LANES, init_list, 0)

    def scan_src(arr_hbm, pos0, cnt_in):
        def piece_body(p, cnt):
            pltpu.sync_copy(arr_hbm.at[pl.ds(p * 2048, 2048)], piece)

            def vec_body(i, cnt):
                v = piece[pl.ds(i * LANES, LANES)]
                m = (v >= lo) & (v < hi)
                cc = jnp.minimum(cnt, LISTCAP - LANES)
                plsc.store_compressed(entlist.at[pl.ds(cc, LANES)], v, mask=m)
                pos = pos0 + p * 2048 + i * LANES + lane_iota
                plsc.store_compressed(poslist.at[pl.ds(cc, LANES)], pos, mask=m)
                npop = plsc.all_reduce_population_count(m)
                return cnt + npop[0]

            return lax.fori_loop(0, 2048 // LANES, vec_body, cnt)
        return lax.fori_loop(0, BATCH // 2048, piece_body, cnt_in)

    cnt = scan_src(hidx_hbm, 0, jnp.int32(0))
    cnt = scan_src(tidx_hbm, BATCH, cnt)
    nvec = jnp.minimum((cnt + LANES - 1) // LANES, LISTCAP // LANES)

    def drain_stream(sem, buf):
        pltpu.make_async_copy(
            entT_hbm.at[:, pl.ds(0, E)], buf, sem).wait()

    def drain_scatter(sem, pack):
        pltpu.make_async_copy(
            stage_hbm.at[pl.ds(0, PACK), :], pack, sem).wait()

    def extract_chunk(e0, e1, col_of, src_gather, pack, posb, semWX):
        for q in range(PACK // LANES):
            posb[pl.ds(q * LANES, LANES)] = (
                NSTAGE + q * LANES + lane_iota)

        def list_body(i, hcnt):
            ev = entlist[pl.ds(i * LANES, LANES)]
            m = (ev >= e0) & (ev < e1)
            pv = poslist[pl.ds(i * LANES, LANES)]
            hc = jnp.minimum(hcnt, PACK - LANES)
            plsc.store_compressed(hitent.at[pl.ds(hc, LANES)], ev, mask=m)
            plsc.store_compressed(posb.at[pl.ds(hc, LANES)], pv, mask=m)
            return hcnt + plsc.all_reduce_population_count(m)[0]

        hcnt = lax.fori_loop(0, nvec, list_body, jnp.int32(0))
        hcnt = jnp.minimum(hcnt, PACK)

        def member_body(j, carry):
            jsplat = jnp.broadcast_to(j, (LANES,))
            e = plsc.load_gather(hitent, [jsplat])[0]
            col = col_of(e)
            for q in range(DIM // LANES):
                seg = src_gather(q, col)
                plsc.store_scatter(
                    pack, [jsplat, q * LANES + lane_iota], seg)
            return carry

        lax.fori_loop(0, hcnt, member_body, 0)
        pltpu.async_copy(pack, stage_hbm.at[posb], semWX)

    def pair_body(j, carry):
        for k in range(2):
            c = 2 * j + k
            e0 = lo + c * E
            s0 = chunk_start(c)
            drain_stream(semS[k], bufs[k])

            @pl.when(j > 0)
            def _():
                drain_scatter(semW[k], packs[k])

            def gk(q, col, _buf=bufs[k]):
                return plsc.load_gather(
                    _buf,
                    [q * LANES + lane_iota, jnp.broadcast_to(col, (LANES,))])

            extract_chunk(e0, jnp.minimum(e0 + E, ALIGNED_END),
                          lambda e: e - s0, gk,
                          packs[k], poss[k], semW[k])
            pltpu.async_copy(
                entT_hbm.at[:, pl.ds(chunk_start(c + 2), E)],
                bufs[k], semS[k])
        return carry

    lax.fori_loop(0, NCHUNK // 2, pair_body, 0)

    drain_scatter(semW[0], packs[0])

    def gatherT(q, row):
        return plsc.load_gather(
            tailtab, [jnp.broadcast_to(row, (LANES,)), q * LANES + lane_iota])

    extract_chunk(ALIGNED_END, NENT, lambda e: e - ALIGNED_END, gatherT,
                  packs[0], poss[0], semW[0])

    drain_scatter(semW[0], packs[0])
    drain_scatter(semW[1], packs[1])
    for k in range(2):
        drain_stream(semS[k], bufs[k])


@functools.partial(
    pl.kernel,
    mesh=_mesh,
    out_type=jax.ShapeDtypeStruct((BATCH,), jnp.float32),
    scratch_types=[
        pltpu.VMEM((BPW,), jnp.int32),
        pltpu.VMEM((CH2, 2 * DIM), jnp.float32),
        pltpu.VMEM((CH2, 2 * DIM), jnp.float32),
        pltpu.VMEM((NREL, DIM), jnp.float32),
        pltpu.VMEM((BPW,), jnp.float32),
        pltpu.SemaphoreType.DMA,
    ],
    compiler_params=pltpu.CompilerParams(needs_layout_passes=False),
)
def _phase2(stage_hbm, rel_hbm, ridx_hbm, out_hbm,
            ridx_v, hrow, trow, rtab, outv, sem):
    wid = lax.axis_index("s") * 2 + lax.axis_index("c")
    base = wid * BPW

    pltpu.sync_copy(ridx_hbm.at[pl.ds(base, BPW)], ridx_v)
    pltpu.sync_copy(rel_hbm, rtab)

    lane_iota = lax.iota(jnp.int32, LANES)

    for c in range(NCH2):
        cbase = c * CH2
        cph = pltpu.async_copy(
            stage_hbm.at[pl.ds(base + cbase, CH2), :], hrow, sem)
        cpt = pltpu.async_copy(
            stage_hbm.at[pl.ds(BATCH + base + cbase, CH2), :], trow, sem)
        cph.wait()
        cpt.wait()

        def group_body(g, carry):
            rows = g * LANES + lane_iota
            rrows = ridx_v[pl.ds(cbase + g * LANES, LANES)]

            def dim_body(d, acc):
                cre = jnp.broadcast_to(d, (LANES,))
                cim = cre + HALF
                re_h = plsc.load_gather(hrow, [rows, cre])
                im_h = plsc.load_gather(hrow, [rows, cim])
                re_r = plsc.load_gather(rtab, [rrows, cre])
                im_r = plsc.load_gather(rtab, [rrows, cim])
                re_t = plsc.load_gather(trow, [rows, cre])
                im_t = plsc.load_gather(trow, [rows, cim])
                return acc + (re_h * (re_r * re_t + im_r * im_t)
                              + im_h * (re_r * im_t - im_r * re_t))

            acc = lax.fori_loop(0, HALF, dim_body,
                                jnp.zeros((LANES,), jnp.float32), unroll=4)
            outv[pl.ds(cbase + g * LANES, LANES)] = acc
            return carry

        lax.fori_loop(0, GROUPS2, group_body, 0)

    pltpu.sync_copy(outv, out_hbm.at[pl.ds(base, BPW)])


def kernel(head_index, relation_index, tail_index, time_index,
           entity_embedding, relation_embedding, time_embedding,
           aux_embedding):
    del time_index, time_embedding, aux_embedding
    hidx = head_index.astype(jnp.int32)
    tidx = tail_index.astype(jnp.int32)
    ridx = relation_index.astype(jnp.int32)
    tail_tbl = entity_embedding[ALIGNED_END:, :]
    staging = _phase1(entity_embedding.T, tail_tbl, hidx, tidx)
    return _phase2(staging, relation_embedding, ridx)

# --- scband reference (transcript-rebuilt; emitter-appended) ---
"""Pipeline reference for scband-kgemodel-68624987456282 (READ-ONLY COPY).

The authoritative reference and input builder live on the scoring server;
editing this copy changes nothing except your own understanding.
"""

import jax, jax.numpy as jnp
import numpy as np

NENTITY = 1000000
NRELATION = 230
NTIME = 4017
DIM = 64
BATCH = 16384
EMB_RANGE = 0.01


def setup_inputs(seed: int = 0) -> dict:
    key = jax.random.key(seed)
    ks = jax.random.split(key, 8)
    head_index = jax.random.randint(ks[0], (BATCH,), 0, NENTITY, dtype=jnp.int32).astype(jnp.int64) if False else jax.random.randint(ks[0], (BATCH,), 0, NENTITY)
    relation_index = jax.random.randint(ks[1], (BATCH,), 0, NRELATION)
    tail_index = jax.random.randint(ks[2], (BATCH,), 0, NENTITY)
    time_index = jax.random.randint(ks[3], (BATCH,), 0, NTIME)
    # parameters, uniform init in [-embedding_range, embedding_range] per init_embedding('uniform')
    entity_embedding = jax.random.uniform(ks[4], (NENTITY, DIM), minval=-EMB_RANGE, maxval=EMB_RANGE, dtype=jnp.float32)
    relation_embedding = jax.random.uniform(ks[5], (NRELATION, DIM), minval=-EMB_RANGE, maxval=EMB_RANGE, dtype=jnp.float32)
    time_embedding = jax.random.uniform(ks[6], (NTIME, DIM), minval=-EMB_RANGE, maxval=EMB_RANGE, dtype=jnp.float32)
    aux_embedding = jax.random.uniform(ks[7], (NRELATION, DIM), minval=-EMB_RANGE, maxval=EMB_RANGE, dtype=jnp.float32)
    return {
        "head_index": head_index,
        "relation_index": relation_index,
        "tail_index": tail_index,
        "time_index": time_index,
        "entity_embedding": entity_embedding,
        "relation_embedding": relation_embedding,
        "time_embedding": time_embedding,
        "aux_embedding": aux_embedding,
    }


def reference(head_index, relation_index, tail_index, time_index,
              entity_embedding, relation_embedding, time_embedding, aux_embedding):
    # forward(sample, mode='single') with shareInverseRelation=False, dropout p=0.0 (identity)
    head = jnp.take(entity_embedding, head_index, axis=0)
    relation = jnp.take(relation_embedding, relation_index, axis=0)
    tail = jnp.take(entity_embedding, tail_index, axis=0)
    time = jnp.take(time_embedding, time_index, axis=0)          # looked up in forward (unused by ComplEx score)
    aux = jnp.take(aux_embedding, relation_index, axis=0)        # looked up in forward (unused by ComplEx score)
    # ComplEx scoring, mode='single': score[b] = sum_d Re(<h, r, conj(t)>)
    re_h, im_h = jnp.split(head, 2, axis=-1)
    re_r, im_r = jnp.split(relation, 2, axis=-1)
    re_t, im_t = jnp.split(tail, 2, axis=-1)
    score = jnp.sum(re_h * re_r * re_t + re_h * im_r * im_t + im_h * re_r * im_t - im_h * im_r * re_t, axis=-1)
    return score

if __name__ == "__main__":
    import jax
    _d = setup_inputs()
    print(jax.jit(kernel)(*tuple(_d.values())))

</pallas_src>

<mosaic_0001>
#map = affine_map<(d0, d1) -> (0, 0)>
#map1 = affine_map<(d0, d1) -> (0)>
module attributes {stable_mosaic.version = 14 : i64} {
  func.func @_phase1(%arg0: i32, %arg1: i32, %arg2: memref<64x1000000xf32, #tpu.memory_space<hbm>>, %arg3: memref<64x64xf32, #tpu.memory_space<hbm>>, %arg4: memref<16384xi32, #tpu.memory_space<hbm>>, %arg5: memref<16384xi32, #tpu.memory_space<hbm>>, %arg6: memref<32832x128xf32, #tpu.memory_space<hbm>>, %arg7: memref<2048xi32, #tpu.memory_space<vmem>>, %arg8: memref<1600xi32, #tpu.memory_space<vmem>>, %arg9: memref<1600xi32, #tpu.memory_space<vmem>>, %arg10: memref<64x768xf32, #tpu.memory_space<vmem>>, %arg11: memref<64x768xf32, #tpu.memory_space<vmem>>, %arg12: memref<64x128xf32, #tpu.memory_space<vmem>>, %arg13: memref<64x128xf32, #tpu.memory_space<vmem>>, %arg14: memref<64xi32, #tpu.memory_space<vmem>>, %arg15: memref<64xi32, #tpu.memory_space<vmem>>, %arg16: memref<64xi32, #tpu.memory_space<vmem>>, %arg17: memref<64x64xf32, #tpu.memory_space<vmem>>, %arg18: memref<!tpu.dma_semaphore, #tpu.memory_space<semaphore_mem>>, %arg19: memref<!tpu.dma_semaphore, #tpu.memory_space<semaphore_mem>>, %arg20: memref<!tpu.dma_semaphore, #tpu.memory_space<semaphore_mem>>, %arg21: memref<!tpu.dma_semaphore, #tpu.memory_space<semaphore_mem>>) attributes {dimension_semantics = [#tpu.dimension_semantics<core_parallel>, #tpu.dimension_semantics<subcore_parallel>], iteration_bounds = array<i64: 2, 16>, scalar_prefetch = 0 : i64, scratch_operands = 15 : i64, tpu.core_type = #tpu.core_type<sc_vector_subcore>, window_params = [{transform_indices = #map}, {transform_indices = #map}, {transform_indices = #map1}, {transform_indices = #map1}, {transform_indices = #map}]} {
    %mul3A = arith.constant 2 : i32
    %mul3A_0 = arith.muli %arg1, %mul3A : i32
    %add3A = arith.addi %mul3A_0, %arg0 : i32
    %mul3A_1 = arith.constant 31232 : i32
    %mul3A_2 = arith.muli %add3A, %mul3A_1 : i32
    %eq3A = arith.constant 31 : i32
    %eq3A_3 = arith.cmpi eq, %add3A, %eq3A : i32
    %add3A_4 = arith.constant 31232 : i32
    %add3A_5 = arith.addi %mul3A_2, %add3A_4 : i32
    %jit3A = arith.constant 1000000 : i32
    %select_n3A = arith.select %eq3A_3, %jit3A, %add3A_5 : i32
    %iota3A = tpu.iota {dimensions = array<i32: 0>} : vector<16xi32>
    %add3A_6 = arith.constant 0 : i32
    %add3A_7 = arith.addi %mul3A_2, %add3A_6 : i32
    %min3A = arith.constant 999168 : i32
    %min3A_8 = arith.minsi %add3A_7, %min3A : i32
    %dma_start3A = arith.constant 0 : i32
    %dma_start3A_9 = tpu.memref_slice %arg2[%dma_start3A, %min3A_8] : memref<64x1000000xf32, #tpu.memory_space<hbm>> -> memref<64x768xf32, #tpu.memory_space<hbm>>
    %dma_start3A_10 = arith.constant 0 : i32
    %dma_start3A_11 = tpu.memref_slice %arg2[%dma_start3A_10, %min3A_8] : memref<64x1000000xf32, #tpu.memory_space<hbm>> -> memref<64x768xf32, #tpu.memory_space<hbm>>
    tpu.enqueue_dma source(%dma_start3A_11 : memref<64x768xf32, #tpu.memory_space<hbm>>) target(%arg10 : memref<64x768xf32, #tpu.memory_space<vmem>>) target_semaphore(%arg18 : memref<!tpu.dma_semaphore, #tpu.memory_space<semaphore_mem>>)
    %add3A_12 = arith.constant 768 : i32
    %add3A_13 = arith.addi %mul3A_2, %add3A_12 : i32
    %min3A_14 = arith.constant 999168 : i32
    %min3A_15 = arith.minsi %add3A_13, %min3A_14 : i32
    %dma_start3A_16 = arith.constant 0 : i32
    %dma_start3A_17 = tpu.memref_slice %arg2[%dma_start3A_16, %min3A_15] : memref<64x1000000xf32, #tpu.memory_space<hbm>> -> memref<64x768xf32, #tpu.memory_space<hbm>>
    %dma_start3A_18 = arith.constant 0 : i32
    %dma_start3A_19 = tpu.memref_slice %arg2[%dma_start3A_18, %min3A_15] : memref<64x1000000xf32, #tpu.memory_space<hbm>> -> memref<64x768xf32, #tpu.memory_space<hbm>>
    tpu.enqueue_dma source(%dma_start3A_19 : memref<64x768xf32, #tpu.memory_space<hbm>>) target(%arg11 : memref<64x768xf32, #tpu.memory_space<vmem>>) target_semaphore(%arg19 : memref<!tpu.dma_semaphore, #tpu.memory_space<semaphore_mem>>)
    "tpu.region"() ({
      %run_scoped3A = tpu.sem_alloc : memref<!tpu.dma_semaphore, #tpu.memory_space<semaphore_mem>>
      tpu.enqueue_dma source(%arg3 : memref<64x64xf32, #tpu.memory_space<hbm>>) target(%arg17 : memref<64x64xf32, #tpu.memory_space<vmem>>) target_semaphore(%run_scoped3A : memref<!tpu.dma_semaphore, #tpu.memory_space<semaphore_mem>>)
      tpu.wait_dma2 semaphore(%run_scoped3A : memref<!tpu.dma_semaphore, #tpu.memory_space<semaphore_mem>>) src(%arg3 : memref<64x64xf32, #tpu.memory_space<hbm>>) dst(%arg17 : memref<64x64xf32, #tpu.memory_space<vmem>>)
      tpu.yield
    }) : () -> ()
    %scan3A = arith.constant 0 : i32
    %scan3A_20 = arith.constant 0 : i32
    %scan3A_21 = arith.constant 100 : i32
    %scan3A_22 = arith.addi %scan3A_20, %scan3A_21 : i32
    %scan3A_23 = arith.constant 1 : i32
    scf.for %scan3A_142 = %scan3A_20 to %scan3A_22 step %scan3A_23  : i32 {
      %broadcast_in_dim3A = arith.constant -1 : i32
      %broadcast_in_dim3A_143 = vector.broadcast %broadcast_in_dim3A : i32 to vector<16xi32>
      %mul3A_144 = arith.constant 16 : i32
      %mul3A_145 = arith.muli %scan3A_142, %mul3A_144 : i32
      %swap3A_146 = arith.index_cast %mul3A_145 : i32 to index
      %swap3A_147 = tpu.vector_load %arg8[%swap3A_146] {strides = array<i32>} : memref<1600xi32, #tpu.memory_space<vmem>>, vector<16xi32>,
      tpu.vector_store %arg8[%swap3A_146], %broadcast_in_dim3A_143 {strides = array<i32>} : memref<1600xi32, #tpu.memory_space<vmem>>, vector<16xi32>,
    }
    %scan3A_24 = arith.constant 100 : i32
    %scan3A_25 = arith.constant 0 : i32
    %scan3A_26 = arith.constant 0 : i32
    %scan3A_27 = arith.constant 8 : i32
    %scan3A_28 = arith.addi %scan3A_26, %scan3A_27 : i32
    %scan3A_29 = arith.constant 1 : i32
    %scan3A_30 = scf.for %scan3A_142 = %scan3A_26 to %scan3A_28 step %scan3A_29 iter_args(%scan3A_143 = %scan3A_25) -> (i32)  : i32 {
      %mul3A_144 = arith.constant 2048 : i32
      %mul3A_145 = arith.muli %scan3A_142, %mul3A_144 : i32
      "tpu.region"() ({
        %run_scoped3A = tpu.sem_alloc : memref<!tpu.dma_semaphore, #tpu.memory_space<semaphore_mem>>
        %dma_start3A_152 = tpu.memref_slice %arg4[%mul3A_145] : memref<16384xi32, #tpu.memory_space<hbm>> -> memref<2048xi32, #tpu.memory_space<hbm>>
        %dma_start3A_153 = tpu.memref_slice %arg4[%mul3A_145] : memref<16384xi32, #tpu.memory_space<hbm>> -> memref<2048xi32, #tpu.memory_space<hbm>>
        tpu.enqueue_dma source(%dma_start3A_153 : memref<2048xi32, #tpu.memory_space<hbm>>) target(%arg7 : memref<2048xi32, #tpu.memory_space<vmem>>) target_semaphore(%run_scoped3A : memref<!tpu.dma_semaphore, #tpu.memory_space<semaphore_mem>>)
        %dma_wait3A_154 = tpu.memref_slice %arg4[%mul3A_145] : memref<16384xi32, #tpu.memory_space<hbm>> -> memref<2048xi32, #tpu.memory_space<hbm>>
        %dma_wait3A_155 = tpu.memref_slice %arg4[%mul3A_145] : memref<16384xi32, #tpu.memory_space<hbm>> -> memref<2048xi32, #tpu.memory_space<hbm>>
        tpu.wait_dma2 semaphore(%run_scoped3A : memref<!tpu.dma_semaphore, #tpu.memory_space<semaphore_mem>>) src(%dma_wait3A_155 : memref<2048xi32, #tpu.memory_space<hbm>>) dst(%arg7 : memref<2048xi32, #tpu.memory_space<vmem>>)
        tpu.yield
      }) : () -> ()
      %scan3A_146 = arith.constant 0 : i32
      %scan3A_147 = arith.constant 128 : i32
      %scan3A_148 = arith.addi %scan3A_146, %scan3A_147 : i32
      %scan3A_149 = arith.constant 1 : i32
      %scan3A_150 = scf.for %scan3A_152 = %scan3A_146 to %scan3A_148 step %scan3A_149 iter_args(%scan3A_153 = %scan3A_143) -> (i32)  : i32 {
        %mul3A_154 = arith.constant 16 : i32
        %mul3A_155 = arith.muli %scan3A_152, %mul3A_154 : i32
        %get3A = arith.index_cast %mul3A_155 : i32 to index
        %get3A_156 = tpu.vector_load %arg7[%get3A] {strides = array<i32>} : memref<2048xi32, #tpu.memory_space<vmem>>, vector<16xi32>,
        %ge3A = vector.broadcast %mul3A_2 : i32 to vector<16xi32>
        %ge3A_157 = arith.cmpi sge, %get3A_156, %ge3A : vector<16xi32>
        %lt3A = vector.broadcast %select_n3A : i32 to vector<16xi32>
        %lt3A_158 = arith.cmpi slt, %get3A_156, %lt3A : vector<16xi32>
        %and3A_159 = arith.andi %ge3A_157, %lt3A_158 : vector<16xi1>
        %min3A_160 = arith.constant 1584 : i32
        %min3A_161 = arith.minsi %scan3A_153, %min3A_160 : i32
        %swap3A_162 = arith.index_cast %min3A_161 : i32 to index
        %swap3A_163 = tpu.vector_load %arg8[%swap3A_162] masked %and3A_159 {strides = array<i32>} : memref<1600xi32, #tpu.memory_space<vmem>>, vector<16xi32>, vector<16xi1>
        tpu.vector_store %arg8[%swap3A_162], %get3A_156 masked %and3A_159 {strides = array<i32>} : memref<1600xi32, #tpu.memory_space<vmem>>, vector<16xi32>, vector<16xi1>
        %mul3A_164 = arith.constant 2048 : i32
        %mul3A_165 = arith.muli %scan3A_142, %mul3A_164 : i32
        %add3A_166 = arith.constant 0 : i32
        %add3A_167 = arith.addi %add3A_166, %mul3A_165 : i32
        %mul3A_168 = arith.constant 16 : i32
        %mul3A_169 = arith.muli %scan3A_152, %mul3A_168 : i32
        %add3A_170 = arith.addi %add3A_167, %mul3A_169 : i32
        %add3A_171 = vector.broadcast %add3A_170 : i32 to vector<16xi32>
        %add3A_172 = arith.addi %add3A_171, %iota3A : vector<16xi32>
        %swap3A_173 = arith.index_cast %min3A_161 : i32 to index
        %swap3A_174 = tpu.vector_load %arg9[%swap3A_173] masked %and3A_159 {strides = array<i32>} : memref<1600xi32, #tpu.memory_space<vmem>>, vector<16xi32>, vector<16xi1>
        tpu.vector_store %arg9[%swap3A_173], %add3A_172 masked %and3A_159 {strides = array<i32>} : memref<1600xi32, #tpu.memory_space<vmem>>, vector<16xi32>, vector<16xi1>
        %all_reduce_population_count3A = tpu.all_reduce %and3A_159 {dim = 0 : i64, kind = #tpu.reduction_kind<sum>} : vector<16xi1> -> vector<16xi32>
        %slice3A = vector.extract_strided_slice %all_reduce_population_count3A {offsets = [0], sizes = [1], strides = [1]} : vector<16xi32> to vector<1xi32>
        %squeeze3A = vector.extract %slice3A[0] : i32 from vector<1xi32>
        %add3A_175 = arith.addi %scan3A_153, %squeeze3A : i32
        scf.yield %add3A_175 : i32
      }
      %scan3A_151 = arith.constant 128 : i32
      scf.yield %scan3A_150 : i32
    }
    %scan3A_31 = arith.constant 8 : i32
    %scan3A_32 = arith.constant 0 : i32
    %scan3A_33 = arith.constant 8 : i32
    %scan3A_34 = arith.addi %scan3A_32, %scan3A_33 : i32
    %scan3A_35 = arith.constant 1 : i32
    %scan3A_36 = scf.for %scan3A_142 = %scan3A_32 to %scan3A_34 step %scan3A_35 iter_args(%scan3A_143 = %scan3A_30) -> (i32)  : i32 {
      %mul3A_144 = arith.constant 2048 : i32
      %mul3A_145 = arith.muli %scan3A_142, %mul3A_144 : i32
      "tpu.region"() ({
        %run_scoped3A = tpu.sem_alloc : memref<!tpu.dma_semaphore, #tpu.memory_space<semaphore_mem>>
        %dma_start3A_152 = tpu.memref_slice %arg5[%mul3A_145] : memref<16384xi32, #tpu.memory_space<hbm>> -> memref<2048xi32, #tpu.memory_space<hbm>>
        %dma_start3A_153 = tpu.memref_slice %arg5[%mul3A_145] : memref<16384xi32, #tpu.memory_space<hbm>> -> memref<2048xi32, #tpu.memory_space<hbm>>
        tpu.enqueue_dma source(%dma_start3A_153 : memref<2048xi32, #tpu.memory_space<hbm>>) target(%arg7 : memref<2048xi32, #tpu.memory_space<vmem>>) target_semaphore(%run_scoped3A : memref<!tpu.dma_semaphore, #tpu.memory_space<semaphore_mem>>)
        %dma_wait3A_154 = tpu.memref_slice %arg5[%mul3A_145] : memref<16384xi32, #tpu.memory_space<hbm>> -> memref<2048xi32, #tpu.memory_space<hbm>>
        %dma_wait3A_155 = tpu.memref_slice %arg5[%mul3A_145] : memref<16384xi32, #tpu.memory_space<hbm>> -> memref<2048xi32, #tpu.memory_space<hbm>>
        tpu.wait_dma2 semaphore(%run_scoped3A : memref<!tpu.dma_semaphore, #tpu.memory_space<semaphore_mem>>) src(%dma_wait3A_155 : memref<2048xi32, #tpu.memory_space<hbm>>) dst(%arg7 : memref<2048xi32, #tpu.memory_space<vmem>>)
        tpu.yield
      }) : () -> ()
      %scan3A_146 = arith.constant 0 : i32
      %scan3A_147 = arith.constant 128 : i32
      %scan3A_148 = arith.addi %scan3A_146, %scan3A_147 : i32
      %scan3A_149 = arith.constant 1 : i32
      %scan3A_150 = scf.for %scan3A_152 = %scan3A_146 to %scan3A_148 step %scan3A_149 iter_args(%scan3A_153 = %scan3A_143) -> (i32)  : i32 {
        %mul3A_154 = arith.constant 16 : i32
        %mul3A_155 = arith.muli %scan3A_152, %mul3A_154 : i32
        %get3A = arith.index_cast %mul3A_155 : i32 to index
        %get3A_156 = tpu.vector_load %arg7[%get3A] {strides = array<i32>} : memref<2048xi32, #tpu.memory_space<vmem>>, vector<16xi32>,
        %ge3A = vector.broadcast %mul3A_2 : i32 to vector<16xi32>
        %ge3A_157 = arith.cmpi sge, %get3A_156, %ge3A : vector<16xi32>
        %lt3A = vector.broadcast %select_n3A : i32 to vector<16xi32>
        %lt3A_158 = arith.cmpi slt, %get3A_156, %lt3A : vector<16xi32>
        %and3A_159 = arith.andi %ge3A_157, %lt3A_158 : vector<16xi1>
        %min3A_160 = arith.constant 1584 : i32
        %min3A_161 = arith.minsi %scan3A_153, %min3A_160 : i32
        %swap3A_162 = arith.index_cast %min3A_161 : i32 to index
        %swap3A_163 = tpu.vector_load %arg8[%swap3A_162] masked %and3A_159 {strides = array<i32>} : memref<1600xi32, #tpu.memory_space<vmem>>, vector<16xi32>, vector<16xi1>
        tpu.vector_store %arg8[%swap3A_162], %get3A_156 masked %and3A_159 {strides = array<i32>} : memref<1600xi32, #tpu.memory_space<vmem>>, vector<16xi32>, vector<16xi1>
        %mul3A_164 = arith.constant 2048 : i32
        %mul3A_165 = arith.muli %scan3A_142, %mul3A_164 : i32
        %add3A_166 = arith.constant 16384 : i32
        %add3A_167 = arith.addi %add3A_166, %mul3A_165 : i32
        %mul3A_168 = arith.constant 16 : i32
        %mul3A_169 = arith.muli %scan3A_152, %mul3A_168 : i32
        %add3A_170 = arith.addi %add3A_167, %mul3A_169 : i32
        %add3A_171 = vector.broadcast %add3A_170 : i32 to vector<16xi32>
        %add3A_172 = arith.addi %add3A_171, %iota3A : vector<16xi32>
        %swap3A_173 = arith.index_cast %min3A_161 : i32 to index
        %swap3A_174 = tpu.vector_load %arg9[%swap3A_173] masked %and3A_159 {strides = array<i32>} : memref<1600xi32, #tpu.memory_space<vmem>>, vector<16xi32>, vector<16xi1>
        tpu.vector_store %arg9[%swap3A_173], %add3A_172 masked %and3A_159 {strides = array<i32>} : memref<1600xi32, #tpu.memory_space<vmem>>, vector<16xi32>, vector<16xi1>
        %all_reduce_population_count3A = tpu.all_reduce %and3A_159 {dim = 0 : i64, kind = #tpu.reduction_kind<sum>} : vector<16xi1> -> vector<16xi32>
        %slice3A = vector.extract_strided_slice %all_reduce_population_count3A {offsets = [0], sizes = [1], strides = [1]} : vector<16xi32> to vector<1xi32>
        %squeeze3A = vector.extract %slice3A[0] : i32 from vector<1xi32>
        %add3A_175 = arith.addi %scan3A_153, %squeeze3A : i32
        scf.yield %add3A_175 : i32
      }
      %scan3A_151 = arith.constant 128 : i32
      scf.yield %scan3A_150 : i32
    }
    %scan3A_37 = arith.constant 8 : i32
    %add3A_38 = arith.constant 16 : i32
    %add3A_39 = arith.addi %scan3A_36, %add3A_38 : i32
    %sub3A = arith.constant 1 : i32
    %sub3A_40 = arith.subi %add3A_39, %sub3A : i32
    %jit3A_41 = arith.constant 16 : i32
    %div3A = arith.divsi %sub3A_40, %jit3A_41 : i32
    %sign3A = arith.constant 0 : i32
    %sign3A_42 = arith.cmpi sgt, %sub3A_40, %sign3A : i32
    %sign3A_43 = arith.extui %sign3A_42 : i1 to i32
    %sign3A_44 = arith.constant 0 : i32
    %sign3A_45 = arith.cmpi slt, %sub3A_40, %sign3A_44 : i32
    %sign3A_46 = arith.extui %sign3A_45 : i1 to i32
    %sign3A_47 = arith.subi %sign3A_43, %sign3A_46 : i32
    %sign3A_48 = arith.constant 0 : i32
    %sign3A_49 = arith.cmpi sgt, %jit3A_41, %sign3A_48 : i32
    %sign3A_50 = arith.extui %sign3A_49 : i1 to i32
    %sign3A_51 = arith.constant 0 : i32
    %sign3A_52 = arith.cmpi slt, %jit3A_41, %sign3A_51 : i32
    %sign3A_53 = arith.extui %sign3A_52 : i1 to i32
    %sign3A_54 = arith.subi %sign3A_50, %sign3A_53 : i32
    %ne3A = arith.cmpi ne, %sign3A_47, %sign3A_54 : i32
    %rem3A = arith.remsi %sub3A_40, %jit3A_41 : i32
    %ne3A_55 = arith.constant 0 : i32
    %ne3A_56 = arith.cmpi ne, %rem3A, %ne3A_55 : i32
    %and3A = arith.andi %ne3A, %ne3A_56 : i1
    %sub3A_57 = arith.constant 1 : i32
    %sub3A_58 = arith.subi %div3A, %sub3A_57 : i32
    %select_n3A_59 = arith.select %and3A, %sub3A_58, %div3A : i32
    %min3A_60 = arith.constant 100 : i32
    %min3A_61 = arith.minsi %select_n3A_59, %min3A_60 : i32
    %scan3A_62 = arith.constant 0 : i32
    %scan3A_63 = arith.constant 0 : i32
    %scan3A_64 = arith.constant 21 : i32
    %scan3A_65 = arith.addi %scan3A_63, %scan3A_64 : i32
    %scan3A_66 = arith.constant 1 : i32
    scf.for %scan3A_142 = %scan3A_63 to %scan3A_65 step %scan3A_66  : i32 {
      %mul3A_143 = arith.constant 2 : i32
      %mul3A_144 = arith.muli %mul3A_143, %scan3A_142 : i32
      %add3A_145 = arith.constant 0 : i32
      %add3A_146 = arith.addi %mul3A_144, %add3A_145 : i32
      %mul3A_147 = arith.constant 768 : i32
      %mul3A_148 = arith.muli %add3A_146, %mul3A_147 : i32
      %add3A_149 = arith.addi %mul3A_2, %mul3A_148 : i32
      %mul3A_150 = arith.constant 768 : i32
      %mul3A_151 = arith.muli %add3A_146, %mul3A_150 : i32
      %add3A_152 = arith.addi %mul3A_2, %mul3A_151 : i32
      %min3A_153 = arith.constant 999168 : i32
      %min3A_154 = arith.minsi %add3A_152, %min3A_153 : i32
      %dma_wait3A_155 = arith.constant 0 : i32
      %dma_wait3A_156 = arith.constant 0 : i32
      %dma_wait3A_157 = tpu.memref_slice %arg2[%dma_wait3A_155, %dma_wait3A_156] : memref<64x1000000xf32, #tpu.memory_space<hbm>> -> memref<64x768xf32, #tpu.memory_space<hbm>>
      %dma_wait3A_158 = arith.constant 0 : i32
      %dma_wait3A_159 = arith.constant 0 : i32
      %dma_wait3A_160 = tpu.memref_slice %arg2[%dma_wait3A_158, %dma_wait3A_159] : memref<64x1000000xf32, #tpu.memory_space<hbm>> -> memref<64x768xf32, #tpu.memory_space<hbm>>
      tpu.wait_dma2 semaphore(%arg18 : memref<!tpu.dma_semaphore, #tpu.memory_space<semaphore_mem>>) src(%dma_wait3A_160 : memref<64x768xf32, #tpu.memory_space<hbm>>) dst(%arg10 : memref<64x768xf32, #tpu.memory_space<vmem>>)
      %gt3A = arith.constant 0 : i32
      %gt3A_161 = arith.cmpi sgt, %scan3A_142, %gt3A : i32
      %convert_element_type3A = arith.extui %gt3A_161 : i1 to i32
      %cond3A = arith.constant 0 : i32
      %cond3A_162 = arith.cmpi ne, %convert_element_type3A, %cond3A : i32
      scf.if %cond3A_162 {
        %dma_wait3A_310 = arith.constant 0 : i32
        %dma_wait3A_311 = arith.constant 0 : i32
        %dma_wait3A_312 = tpu.memref_slice %arg6[%dma_wait3A_310, %dma_wait3A_311] : memref<32832x128xf32, #tpu.memory_space<hbm>> -> memref<64x128xf32, #tpu.memory_space<hbm>>
        %dma_wait3A_313 = arith.constant 0 : i32
        %dma_wait3A_314 = arith.constant 0 : i32
        %dma_wait3A_315 = tpu.memref_slice %arg6[%dma_wait3A_313, %dma_wait3A_314] : memref<32832x128xf32, #tpu.memory_space<hbm>> -> memref<64x128xf32, #tpu.memory_space<hbm>>
        tpu.wait_dma2 semaphore(%arg20 : memref<!tpu.dma_semaphore, #tpu.memory_space<semaphore_mem>>) src(%dma_wait3A_315 : memref<64x128xf32, #tpu.memory_space<hbm>>) dst(%arg12 : memref<64x128xf32, #tpu.memory_space<vmem>>)
      } else {
      }
      %add3A_163 = arith.constant 768 : i32
      %add3A_164 = arith.addi %add3A_149, %add3A_163 : i32
      %min3A_165 = arith.constant 999936 : i32
      %min3A_166 = arith.minsi %add3A_164, %min3A_165 : i32
      %add3A_167 = arith.constant 32768 : i32
      %add3A_168 = vector.broadcast %add3A_167 : i32 to vector<16xi32>
      %add3A_169 = arith.addi %add3A_168, %iota3A : vector<16xi32>
      %swap3A_170 = arith.constant 0 : index
      %swap3A_171 = tpu.vector_load %arg14[%swap3A_170] {strides = array<i32>} : memref<64xi32, #tpu.memory_space<vmem>>, vector<16xi32>,
      tpu.vector_store %arg14[%swap3A_170], %add3A_169 {strides = array<i32>} : memref<64xi32, #tpu.memory_space<vmem>>, vector<16xi32>,
      %add3A_172 = arith.constant 32784 : i32
      %add3A_173 = vector.broadcast %add3A_172 : i32 to vector<16xi32>
      %add3A_174 = arith.addi %add3A_173, %iota3A : vector<16xi32>
      %swap3A_175 = arith.constant 16 : index
      %swap3A_176 = tpu.vector_load %arg14[%swap3A_175] {strides = array<i32>} : memref<64xi32, #tpu.memory_space<vmem>>, vector<16xi32>,
      tpu.vector_store %arg14[%swap3A_175], %add3A_174 {strides = array<i32>} : memref<64xi32, #tpu.memory_space<vmem>>, vector<16xi32>,
      %add3A_177 = arith.constant 32800 : i32
      %add3A_178 = vector.broadcast %add3A_177 : i32 to vector<16xi32>
      %add3A_179 = arith.addi %add3A_178, %iota3A : vector<16xi32>
      %swap3A_180 = arith.constant 32 : index
      %swap3A_181 = tpu.vector_load %arg14[%swap3A_180] {strides = array<i32>} : memref<64xi32, #tpu.memory_space<vmem>>, vector<16xi32>,
      tpu.vector_store %arg14[%swap3A_180], %add3A_179 {strides = array<i32>} : memref<64xi32, #tpu.memory_space<vmem>>, vector<16xi32>,
      %add3A_182 = arith.constant 32816 : i32
      %add3A_183 = vector.broadcast %add3A_182 : i32 to vector<16xi32>
      %add3A_184 = arith.addi %add3A_183, %iota3A : vector<16xi32>
      %swap3A_185 = arith.constant 48 : index
      %swap3A_186 = tpu.vector_load %arg14[%swap3A_185] {strides = array<i32>} : memref<64xi32, #tpu.memory_space<vmem>>, vector<16xi32>,
      tpu.vector_store %arg14[%swap3A_185], %add3A_184 {strides = array<i32>} : memref<64xi32, #tpu.memory_space<vmem>>, vector<16xi32>,
      %while3A_187 = arith.constant 0 : i32
      %while3A_188 = arith.constant 0 : i32
      %while3A_189 = arith.subi %min3A_61, %while3A_187 : i32
      %while3A_190 = arith.addi %while3A_187, %while3A_189 : i32
      %while3A_191 = arith.constant 1 : i32
      %while3A_192 = arith.divsi %while3A_189, %while3A_191 : i32
      %while3A_193 = arith.muli %while3A_192, %while3A_191 : i32
      %while3A_194 = arith.addi %while3A_187, %while3A_193 : i32
      %while3A_195 = arith.constant 1 : i32
      %while3A_196 = scf.for %while3A_310 = %while3A_187 to %while3A_194 step %while3A_195 iter_args(%while3A_311 = %while3A_188) -> (i32)  : i32 {
        %mul3A_312 = arith.constant 16 : i32
        %mul3A_313 = arith.muli %while3A_310, %mul3A_312 : i32
        %get3A = arith.index_cast %mul3A_313 : i32 to index
        %get3A_314 = tpu.vector_load %arg8[%get3A] {strides = array<i32>} : memref<1600xi32, #tpu.memory_space<vmem>>, vector<16xi32>,
        %ge3A = vector.broadcast %add3A_149 : i32 to vector<16xi32>
        %ge3A_315 = arith.cmpi sge, %get3A_314, %ge3A : vector<16xi32>
        %lt3A = vector.broadcast %min3A_166 : i32 to vector<16xi32>
        %lt3A_316 = arith.cmpi slt, %get3A_314, %lt3A : vector<16xi32>
        %and3A_317 = arith.andi %ge3A_315, %lt3A_316 : vector<16xi1>
        %mul3A_318 = arith.constant 16 : i32
        %mul3A_319 = arith.muli %while3A_310, %mul3A_318 : i32
        %get3A_320 = arith.index_cast %mul3A_319 : i32 to index
        %get3A_321 = tpu.vector_load %arg9[%get3A_320] {strides = array<i32>} : memref<1600xi32, #tpu.memory_space<vmem>>, vector<16xi32>,
        %min3A_322 = arith.constant 48 : i32
        %min3A_323 = arith.minsi %while3A_311, %min3A_322 : i32
        %swap3A_324 = arith.index_cast %min3A_323 : i32 to index
        %swap3A_325 = tpu.vector_load %arg16[%swap3A_324] masked %and3A_317 {strides = array<i32>} : memref<64xi32, #tpu.memory_space<vmem>>, vector<16xi32>, vector<16xi1>
        tpu.vector_store %arg16[%swap3A_324], %get3A_314 masked %and3A_317 {strides = array<i32>} : memref<64xi32, #tpu.memory_space<vmem>>, vector<16xi32>, vector<16xi1>
        %swap3A_326 = arith.index_cast %min3A_323 : i32 to index
        %swap3A_327 = tpu.vector_load %arg14[%swap3A_326] masked %and3A_317 {strides = array<i32>} : memref<64xi32, #tpu.memory_space<vmem>>, vector<16xi32>, vector<16xi1>
        tpu.vector_store %arg14[%swap3A_326], %get3A_321 masked %and3A_317 {strides = array<i32>} : memref<64xi32, #tpu.memory_space<vmem>>, vector<16xi32>, vector<16xi1>
        %all_reduce_population_count3A = tpu.all_reduce %and3A_317 {dim = 0 : i64, kind = #tpu.reduction_kind<sum>} : vector<16xi1> -> vector<16xi32>
        %slice3A = vector.extract_strided_slice %all_reduce_population_count3A {offsets = [0], sizes = [1], strides = [1]} : vector<16xi32> to vector<1xi32>
        %squeeze3A = vector.extract %slice3A[0] : i32 from vector<1xi32>
        %add3A_328 = arith.addi %while3A_311, %squeeze3A : i32
        scf.yield %add3A_328 : i32
      }
      %while3A_197 = arith.constant 1 : i32
      %while3A_198 = scf.for %while3A_310 = %while3A_194 to %while3A_190 step %while3A_197 iter_args(%while3A_311 = %while3A_196) -> (i32)  : i32 {
        %mul3A_312 = arith.constant 16 : i32
        %mul3A_313 = arith.muli %while3A_310, %mul3A_312 : i32
        %get3A = arith.index_cast %mul3A_313 : i32 to index
        %get3A_314 = tpu.vector_load %arg8[%get3A] {strides = array<i32>} : memref<1600xi32, #tpu.memory_space<vmem>>, vector<16xi32>,
        %ge3A = vector.broadcast %add3A_149 : i32 to vector<16xi32>
        %ge3A_315 = arith.cmpi sge, %get3A_314, %ge3A : vector<16xi32>
        %lt3A = vector.broadcast %min3A_166 : i32 to vector<16xi32>
        %lt3A_316 = arith.cmpi slt, %get3A_314, %lt3A : vector<16xi32>
        %and3A_317 = arith.andi %ge3A_315, %lt3A_316 : vector<16xi1>
        %mul3A_318 = arith.constant 16 : i32
        %mul3A_319 = arith.muli %while3A_310, %mul3A_318 : i32
        %get3A_320 = arith.index_cast %mul3A_319 : i32 to index
        %get3A_321 = tpu.vector_load %arg9[%get3A_320] {strides = array<i32>} : memref<1600xi32, #tpu.memory_space<vmem>>, vector<16xi32>,
        %min3A_322 = arith.constant 48 : i32
        %min3A_323 = arith.minsi %while3A_311, %min3A_322 : i32
        %swap3A_324 = arith.index_cast %min3A_323 : i32 to index
        %swap3A_325 = tpu.vector_load %arg16[%swap3A_324] masked %and3A_317 {strides = array<i32>} : memref<64xi32, #tpu.memory_space<vmem>>, vector<16xi32>, vector<16xi1>
        tpu.vector_store %arg16[%swap3A_324], %get3A_314 masked %and3A_317 {strides = array<i32>} : memref<64xi32, #tpu.memory_space<vmem>>, vector<16xi32>, vector<16xi1>
        %swap3A_326 = arith.index_cast %min3A_323 : i32 to index
        %swap3A_327 = tpu.vector_load %arg14[%swap3A_326] masked %and3A_317 {strides = array<i32>} : memref<64xi32, #tpu.memory_space<vmem>>, vector<16xi32>, vector<16xi1>
        tpu.vector_store %arg14[%swap3A_326], %get3A_321 masked %and3A_317 {strides = array<i32>} : memref<64xi32, #tpu.memory_space<vmem>>, vector<16xi32>, vector<16xi1>
        %all_reduce_population_count3A = tpu.all_reduce %and3A_317 {dim = 0 : i64, kind = #tpu.reduction_kind<sum>} : vector<16xi1> -> vector<16xi32>
        %slice3A = vector.extract_strided_slice %all_reduce_population_count3A {offsets = [0], sizes = [1], strides = [1]} : vector<16xi32> to vector<1xi32>
        %squeeze3A = vector.extract %slice3A[0] : i32 from vector<1xi32>
        %add3A_328 = arith.addi %while3A_311, %squeeze3A : i32
        scf.yield %add3A_328 : i32
      }
      %min3A_199 = arith.constant 64 : i32
      %min3A_200 = arith.minsi %while3A_198, %min3A_199 : i32
      %while3A_201 = arith.constant 0 : i32
      %while3A_202 = arith.constant 0 : i32
      %while3A_203 = arith.subi %min3A_200, %while3A_202 : i32
      %while3A_204 = arith.addi %while3A_202, %while3A_203 : i32
      %while3A_205 = arith.constant 1 : i32
      %while3A_206 = arith.divsi %while3A_203, %while3A_205 : i32
      %while3A_207 = arith.muli %while3A_206, %while3A_205 : i32
      %while3A_208 = arith.addi %while3A_202, %while3A_207 : i32
      %while3A_209 = arith.constant 1 : i32
      scf.for %while3A_310 = %while3A_202 to %while3A_208 step %while3A_209  : i32 {
        %broadcast_in_dim3A = vector.broadcast %while3A_310 : i32 to vector<16xi32>
        %gather3A = tpu.vector_load_idx %arg16[%broadcast_in_dim3A] : memref<64xi32, #tpu.memory_space<vmem>>[vector<16xi32>], vector<16xi32>,
        %slice3A = vector.extract_strided_slice %gather3A {offsets = [0], sizes = [1], strides = [1]} : vector<16xi32> to vector<1xi32>
        %squeeze3A = vector.extract %slice3A[0] : i32 from vector<1xi32>
        %sub3A_311 = arith.subi %squeeze3A, %min3A_154 : i32
        %add3A_312 = arith.constant 0 : i32
        %add3A_313 = vector.broadcast %add3A_312 : i32 to vector<16xi32>
        %add3A_314 = arith.addi %add3A_313, %iota3A : vector<16xi32>
        %broadcast_in_dim3A_315 = vector.broadcast %sub3A_311 : i32 to vector<16xi32>
        %gather3A_316 = tpu.vector_load_idx %arg10[%add3A_314, %broadcast_in_dim3A_315] : memref<64x768xf32, #tpu.memory_space<vmem>>[vector<16xi32>, vector<16xi32>], vector<16xf32>,
        %add3A_317 = arith.constant 0 : i32
        %add3A_318 = vector.broadcast %add3A_317 : i32 to vector<16xi32>
        %add3A_319 = arith.addi %add3A_318, %iota3A : vector<16xi32>
        tpu.vector_store_idx %arg12[%broadcast_in_dim3A, %add3A_319], %gather3A_316 : memref<64x128xf32, #tpu.memory_space<vmem>>[vector<16xi32>, vector<16xi32>], vector<16xf32>,
        %add3A_320 = arith.constant 16 : i32
        %add3A_321 = vector.broadcast %add3A_320 : i32 to vector<16xi32>
        %add3A_322 = arith.addi %add3A_321, %iota3A : vector<16xi32>
        %broadcast_in_dim3A_323 = vector.broadcast %sub3A_311 : i32 to vector<16xi32>
        %gather3A_324 = tpu.vector_load_idx %arg10[%add3A_322, %broadcast_in_dim3A_323] : memref<64x768xf32, #tpu.memory_space<vmem>>[vector<16xi32>, vector<16xi32>], vector<16xf32>,
        %add3A_325 = arith.constant 16 : i32
        %add3A_326 = vector.broadcast %add3A_325 : i32 to vector<16xi32>
        %add3A_327 = arith.addi %add3A_326, %iota3A : vector<16xi32>
        tpu.vector_store_idx %arg12[%broadcast_in_dim3A, %add3A_327], %gather3A_324 : memref<64x128xf32, #tpu.memory_space<vmem>>[vector<16xi32>, vector<16xi32>], vector<16xf32>,
        %add3A_328 = arith.constant 32 : i32
        %add3A_329 = vector.broadcast %add3A_328 : i32 to vector<16xi32>
        %add3A_330 = arith.addi %add3A_329, %iota3A : vector<16xi32>
        %broadcast_in_dim3A_331 = vector.broadcast %sub3A_311 : i32 to vector<16xi32>
        %gather3A_332 = tpu.vector_load_idx %arg10[%add3A_330, %broadcast_in_dim3A_331] : memref<64x768xf32, #tpu.memory_space<vmem>>[vector<16xi32>, vector<16xi32>], vector<16xf32>,
        %add3A_333 = arith.constant 32 : i32
        %add3A_334 = vector.broadcast %add3A_333 : i32 to vector<16xi32>
        %add3A_335 = arith.addi %add3A_334, %iota3A : vector<16xi32>
        tpu.vector_store_idx %arg12[%broadcast_in_dim3A, %add3A_335], %gather3A_332 : memref<64x128xf32, #tpu.memory_space<vmem>>[vector<16xi32>, vector<16xi32>], vector<16xf32>,
        %add3A_336 = arith.constant 48 : i32
        %add3A_337 = vector.broadcast %add3A_336 : i32 to vector<16xi32>
        %add3A_338 = arith.addi %add3A_337, %iota3A : vector<16xi32>
        %broadcast_in_dim3A_339 = vector.broadcast %sub3A_311 : i32 to vector<16xi32>
        %gather3A_340 = tpu.vector_load_idx %arg10[%add3A_338, %broadcast_in_dim3A_339] : memref<64x768xf32, #tpu.memory_space<vmem>>[vector<16xi32>, vector<16xi32>], vector<16xf32>,
        %add3A_341 = arith.constant 48 : i32
        %add3A_342 = vector.broadcast %add3A_341 : i32 to vector<16xi32>
        %add3A_343 = arith.addi %add3A_342, %iota3A : vector<16xi32>
        tpu.vector_store_idx %arg12[%broadcast_in_dim3A, %add3A_343], %gather3A_340 : memref<64x128xf32, #tpu.memory_space<vmem>>[vector<16xi32>, vector<16xi32>], vector<16xf32>,
      }
      %while3A_210 = arith.constant 1 : i32
      scf.for %while3A_310 = %while3A_208 to %while3A_204 step %while3A_210  : i32 {
        %broadcast_in_dim3A = vector.broadcast %while3A_310 : i32 to vector<16xi32>
        %gather3A = tpu.vector_load_idx %arg16[%broadcast_in_dim3A] : memref<64xi32, #tpu.memory_space<vmem>>[vector<16xi32>], vector<16xi32>,
        %slice3A = vector.extract_strided_slice %gather3A {offsets = [0], sizes = [1], strides = [1]} : vector<16xi32> to vector<1xi32>
        %squeeze3A = vector.extract %slice3A[0] : i32 from vector<1xi32>
        %sub3A_311 = arith.subi %squeeze3A, %min3A_154 : i32
        %add3A_312 = arith.constant 0 : i32
        %add3A_313 = vector.broadcast %add3A_312 : i32 to vector<16xi32>
        %add3A_314 = arith.addi %add3A_313, %iota3A : vector<16xi32>
        %broadcast_in_dim3A_315 = vector.broadcast %sub3A_311 : i32 to vector<16xi32>
        %gather3A_316 = tpu.vector_load_idx %arg10[%add3A_314, %broadcast_in_dim3A_315] : memref<64x768xf32, #tpu.memory_space<vmem>>[vector<16xi32>, vector<16xi32>], vector<16xf32>,
        %add3A_317 = arith.constant 0 : i32
        %add3A_318 = vector.broadcast %add3A_317 : i32 to vector<16xi32>
        %add3A_319 = arith.addi %add3A_318, %iota3A : vector<16xi32>
        tpu.vector_store_idx %arg12[%broadcast_in_dim3A, %add3A_319], %gather3A_316 : memref<64x128xf32, #tpu.memory_space<vmem>>[vector<16xi32>, vector<16xi32>], vector<16xf32>,
        %add3A_320 = arith.constant 16 : i32
        %add3A_321 = vector.broadcast %add3A_320 : i32 to vector<16xi32>
        %add3A_322 = arith.addi %add3A_321, %iota3A : vector<16xi32>
        %broadcast_in_dim3A_323 = vector.broadcast %sub3A_311 : i32 to vector<16xi32>
        %gather3A_324 = tpu.vector_load_idx %arg10[%add3A_322, %broadcast_in_dim3A_323] : memref<64x768xf32, #tpu.memory_space<vmem>>[vector<16xi32>, vector<16xi32>], vector<16xf32>,
        %add3A_325 = arith.constant 16 : i32
        %add3A_326 = vector.broadcast %add3A_325 : i32 to vector<16xi32>
        %add3A_327 = arith.addi %add3A_326, %iota3A : vector<16xi32>
        tpu.vector_store_idx %arg12[%broadcast_in_dim3A, %add3A_327], %gather3A_324 : memref<64x128xf32, #tpu.memory_space<vmem>>[vector<16xi32>, vector<16xi32>], vector<16xf32>,
        %add3A_328 = arith.constant 32 : i32
        %add3A_329 = vector.broadcast %add3A_328 : i32 to vector<16xi32>
        %add3A_330 = arith.addi %add3A_329, %iota3A : vector<16xi32>
        %broadcast_in_dim3A_331 = vector.broadcast %sub3A_311 : i32 to vector<16xi32>
        %gather3A_332 = tpu.vector_load_idx %arg10[%add3A_330, %broadcast_in_dim3A_331] : memref<64x768xf32, #tpu.memory_space<vmem>>[vector<16xi32>, vector<16xi32>], vector<16xf32>,
        %add3A_333 = arith.constant 32 : i32
        %add3A_334 = vector.broadcast %add3A_333 : i32 to vector<16xi32>
        %add3A_335 = arith.addi %add3A_334, %iota3A : vector<16xi32>
        tpu.vector_store_idx %arg12[%broadcast_in_dim3A, %add3A_335], %gather3A_332 : memref<64x128xf32, #tpu.memory_space<vmem>>[vector<16xi32>, vector<16xi32>], vector<16xf32>,
        %add3A_336 = arith.constant 48 : i32
        %add3A_337 = vector.broadcast %add3A_336 : i32 to vector<16xi32>
        %add3A_338 = arith.addi %add3A_337, %iota3A : vector<16xi32>
        %broadcast_in_dim3A_339 = vector.broadcast %sub3A_311 : i32 to vector<16xi32>
        %gather3A_340 = tpu.vector_load_idx %arg10[%add3A_338, %broadcast_in_dim3A_339] : memref<64x768xf32, #tpu.memory_space<vmem>>[vector<16xi32>, vector<16xi32>], vector<16xf32>,
        %add3A_341 = arith.constant 48 : i32
        %add3A_342 = vector.broadcast %add3A_341 : i32 to vector<16xi32>
        %add3A_343 = arith.addi %add3A_342, %iota3A : vector<16xi32>
        tpu.vector_store_idx %arg12[%broadcast_in_dim3A, %add3A_343], %gather3A_340 : memref<64x128xf32, #tpu.memory_space<vmem>>[vector<16xi32>, vector<16xi32>], vector<16xf32>,
      }
      %dma_start3A_211 = arith.constant 0 : i32
      %dma_start3A_212 = arith.constant 0 : i32
      %dma_start3A_213 = tpu.memref_slice %arg6[%dma_start3A_211, %dma_start3A_212] : memref<32832x128xf32, #tpu.memory_space<hbm>> -> memref<32832x128xf32, #tpu.memory_space<hbm>>
      tpu.enqueue_indirect_dma source(%arg12 : memref<64x128xf32, #tpu.memory_space<vmem>>) target(%dma_start3A_213 : memref<32832x128xf32, #tpu.memory_space<hbm>>) offsets(%arg14 : memref<64xi32, #tpu.memory_space<vmem>>) semaphore(%arg20 : memref<!tpu.dma_semaphore, #tpu.memory_space<semaphore_mem>>)
      %add3A_214 = arith.constant 2 : i32
      %add3A_215 = arith.addi %add3A_146, %add3A_214 : i32
      %mul3A_216 = arith.constant 768 : i32
      %mul3A_217 = arith.muli %add3A_215, %mul3A_216 : i32
      %add3A_218 = arith.addi %mul3A_2, %mul3A_217 : i32
      %min3A_219 = arith.constant 999168 : i32
      %min3A_220 = arith.minsi %add3A_218, %min3A_219 : i32
      %dma_start3A_221 = arith.constant 0 : i32
      %dma_start3A_222 = tpu.memref_slice %arg2[%dma_start3A_221, %min3A_220] : memref<64x1000000xf32, #tpu.memory_space<hbm>> -> memref<64x768xf32, #tpu.memory_space<hbm>>
      %dma_start3A_223 = arith.constant 0 : i32
      %dma_start3A_224 = tpu.memref_slice %arg2[%dma_start3A_223, %min3A_220] : memref<64x1000000xf32, #tpu.memory_space<hbm>> -> memref<64x768xf32, #tpu.memory_space<hbm>>
      tpu.enqueue_dma source(%dma_start3A_224 : memref<64x768xf32, #tpu.memory_space<hbm>>) target(%arg10 : memref<64x768xf32, #tpu.memory_space<vmem>>) target_semaphore(%arg18 : memref<!tpu.dma_semaphore, #tpu.memory_space<semaphore_mem>>)
      %mul3A_225 = arith.constant 2 : i32
      %mul3A_226 = arith.muli %mul3A_225, %scan3A_142 : i32
      %add3A_227 = arith.constant 1 : i32
      %add3A_228 = arith.addi %mul3A_226, %add3A_227 : i32
      %mul3A_229 = arith.constant 768 : i32
      %mul3A_230 = arith.muli %add3A_228, %mul3A_229 : i32
      %add3A_231 = arith.addi %mul3A_2, %mul3A_230 : i32
      %mul3A_232 = arith.constant 768 : i32
      %mul3A_233 = arith.muli %add3A_228, %mul3A_232 : i32
      %add3A_234 = arith.addi %mul3A_2, %mul3A_233 : i32
      %min3A_235 = arith.constant 999168 : i32
      %min3A_236 = arith.minsi %add3A_234, %min3A_235 : i32
      %dma_wait3A_237 = arith.constant 0 : i32
      %dma_wait3A_238 = arith.constant 0 : i32
      %dma_wait3A_239 = tpu.memref_slice %arg2[%dma_wait3A_237, %dma_wait3A_238] : memref<64x1000000xf32, #tpu.memory_space<hbm>> -> memref<64x768xf32, #tpu.memory_space<hbm>>
      %dma_wait3A_240 = arith.constant 0 : i32
      %dma_wait3A_241 = arith.constant 0 : i32
      %dma_wait3A_242 = tpu.memref_slice %arg2[%dma_wait3A_240, %dma_wait3A_241] : memref<64x1000000xf32, #tpu.memory_space<hbm>> -> memref<64x768xf32, #tpu.memory_space<hbm>>
      tpu.wait_dma2 semaphore(%arg19 : memref<!tpu.dma_semaphore, #tpu.memory_space<semaphore_mem>>) src(%dma_wait3A_242 : memref<64x768xf32, #tpu.memory_space<hbm>>) dst(%arg11 : memref<64x768xf32, #tpu.memory_space<vmem>>)
      %gt3A_243 = arith.constant 0 : i32
      %gt3A_244 = arith.cmpi sgt, %scan3A_142, %gt3A_243 : i32
      %convert_element_type3A_245 = arith.extui %gt3A_244 : i1 to i32
      %cond3A_246 = arith.constant 0 : i32
      %cond3A_247 = arith.cmpi ne, %convert_element_type3A_245, %cond3A_246 : i32
      scf.if %cond3A_247 {
        %dma_wait3A_310 = arith.constant 0 : i32
        %dma_wait3A_311 = arith.constant 0 : i32
        %dma_wait3A_312 = tpu.memref_slice %arg6[%dma_wait3A_310, %dma_wait3A_311] : memref<32832x128xf32, #tpu.memory_space<hbm>> -> memref<64x128xf32, #tpu.memory_space<hbm>>
        %dma_wait3A_313 = arith.constant 0 : i32
        %dma_wait3A_314 = arith.constant 0 : i32
        %dma_wait3A_315 = tpu.memref_slice %arg6[%dma_wait3A_313, %dma_wait3A_314] : memref<32832x128xf32, #tpu.memory_space<hbm>> -> memref<64x128xf32, #tpu.memory_space<hbm>>
        tpu.wait_dma2 semaphore(%arg21 : memref<!tpu.dma_semaphore, #tpu.memory_space<semaphore_mem>>) src(%dma_wait3A_315 : memref<64x128xf32, #tpu.memory_space<hbm>>) dst(%arg13 : memref<64x128xf32, #tpu.memory_space<vmem>>)
      } else {
      }
      %add3A_248 = arith.constant 768 : i32
      %add3A_249 = arith.addi %add3A_231, %add3A_248 : i32
      %min3A_250 = arith.constant 999936 : i32
      %min3A_251 = arith.minsi %add3A_249, %min3A_250 : i32
      %add3A_252 = arith.constant 32768 : i32
      %add3A_253 = vector.broadcast %add3A_252 : i32 to vector<16xi32>
      %add3A_254 = arith.addi %add3A_253, %iota3A : vector<16xi32>
      %swap3A_255 = arith.constant 0 : index
      %swap3A_256 = tpu.vector_load %arg15[%swap3A_255] {strides = array<i32>} : memref<64xi32, #tpu.memory_space<vmem>>, vector<16xi32>,
      tpu.vector_store %arg15[%swap3A_255], %add3A_254 {strides = array<i32>} : memref<64xi32, #tpu.memory_space<vmem>>, vector<16xi32>,
      %add3A_257 = arith.constant 32784 : i32
      %add3A_258 = vector.broadcast %add3A_257 : i32 to vector<16xi32>
      %add3A_259 = arith.addi %add3A_258, %iota3A : vector<16xi32>
      %swap3A_260 = arith.constant 16 : index
      %swap3A_261 = tpu.vector_load %arg15[%swap3A_260] {strides = array<i32>} : memref<64xi32, #tpu.memory_space<vmem>>, vector<16xi32>,
      tpu.vector_store %arg15[%swap3A_260], %add3A_259 {strides = array<i32>} : memref<64xi32, #tpu.memory_space<vmem>>, vector<16xi32>,
      %add3A_262 = arith.constant 32800 : i32
      %add3A_263 = vector.broadcast %add3A_262 : i32 to vector<16xi32>
      %add3A_264 = arith.addi %add3A_263, %iota3A : vector<16xi32>
      %swap3A_265 = arith.constant 32 : index
      %swap3A_266 = tpu.vector_load %arg15[%swap3A_265] {strides = array<i32>} : memref<64xi32, #tpu.memory_space<vmem>>, vector<16xi32>,
      tpu.vector_store %arg15[%swap3A_265], %add3A_264 {strides = array<i32>} : memref<64xi32, #tpu.memory_space<vmem>>, vector<16xi32>,
      %add3A_267 = arith.constant 32816 : i32
      %add3A_268 = vector.broadcast %add3A_267 : i32 to vector<16xi32>
      %add3A_269 = arith.addi %add3A_268, %iota3A : vector<16xi32>
      %swap3A_270 = arith.constant 48 : index
      %swap3A_271 = tpu.vector_load %arg15[%swap3A_270] {strides = array<i32>} : memref<64xi32, #tpu.memory_space<vmem>>, vector<16xi32>,
      tpu.vector_store %arg15[%swap3A_270], %add3A_269 {strides = array<i32>} : memref<64xi32, #tpu.memory_space<vmem>>, vector<16xi32>,
      %while3A_272 = arith.constant 0 : i32
      %while3A_273 = arith.constant 0 : i32
      %while3A_274 = arith.subi %min3A_61, %while3A_272 : i32
      %while3A_275 = arith.addi %while3A_272, %while3A_274 : i32
      %while3A_276 = arith.constant 1 : i32
      %while3A_277 = arith.divsi %while3A_274, %while3A_276 : i32
      %while3A_278 = arith.muli %while3A_277, %while3A_276 : i32
      %while3A_279 = arith.addi %while3A_272, %while3A_278 : i32
      %while3A_280 = arith.constant 1 : i32
      %while3A_281 = scf.for %while3A_310 = %while3A_272 to %while3A_279 step %while3A_280 iter_args(%while3A_311 = %while3A_273) -> (i32)  : i32 {
        %mul3A_312 = arith.constant 16 : i32
        %mul3A_313 = arith.muli %while3A_310, %mul3A_312 : i32
        %get3A = arith.index_cast %mul3A_313 : i32 to index
        %get3A_314 = tpu.vector_load %arg8[%get3A] {strides = array<i32>} : memref<1600xi32, #tpu.memory_space<vmem>>, vector<16xi32>,
        %ge3A = vector.broadcast %add3A_231 : i32 to vector<16xi32>
        %ge3A_315 = arith.cmpi sge, %get3A_314, %ge3A : vector<16xi32>
        %lt3A = vector.broadcast %min3A_251 : i32 to vector<16xi32>
        %lt3A_316 = arith.cmpi slt, %get3A_314, %lt3A : vector<16xi32>
        %and3A_317 = arith.andi %ge3A_315, %lt3A_316 : vector<16xi1>
        %mul3A_318 = arith.constant 16 : i32
        %mul3A_319 = arith.muli %while3A_310, %mul3A_318 : i32
        %get3A_320 = arith.index_cast %mul3A_319 : i32 to index
        %get3A_321 = tpu.vector_load %arg9[%get3A_320] {strides = array<i32>} : memref<1600xi32, #tpu.memory_space<vmem>>, vector<16xi32>,
        %min3A_322 = arith.constant 48 : i32
        %min3A_323 = arith.minsi %while3A_311, %min3A_322 : i32
        %swap3A_324 = arith.index_cast %min3A_323 : i32 to index
        %swap3A_325 = tpu.vector_load %arg16[%swap3A_324] masked %and3A_317 {strides = array<i32>} : memref<64xi32, #tpu.memory_space<vmem>>, vector<16xi32>, vector<16xi1>
        tpu.vector_store %arg16[%swap3A_324], %get3A_314 masked %and3A_317 {strides = array<i32>} : memref<64xi32, #tpu.memory_space<vmem>>, vector<16xi32>, vector<16xi1>
        %swap3A_326 = arith.index_cast %min3A_323 : i32 to index
        %swap3A_327 = tpu.vector_load %arg15[%swap3A_326] masked %and3A_317 {strides = array<i32>} : memref<64xi32, #tpu.memory_space<vmem>>, vector<16xi32>, vector<16xi1>
        tpu.vector_store %arg15[%swap3A_326], %get3A_321 masked %and3A_317 {strides = array<i32>} : memref<64xi32, #tpu.memory_space<vmem>>, vector<16xi32>, vector<16xi1>
        %all_reduce_population_count3A = tpu.all_reduce %and3A_317 {dim = 0 : i64, kind = #tpu.reduction_kind<sum>} : vector<16xi1> -> vector<16xi32>
        %slice3A = vector.extract_strided_slice %all_reduce_population_count3A {offsets = [0], sizes = [1], strides = [1]} : vector<16xi32> to vector<1xi32>
        %squeeze3A = vector.extract %slice3A[0] : i32 from vector<1xi32>
        %add3A_328 = arith.addi %while3A_311, %squeeze3A : i32
        scf.yield %add3A_328 : i32
      }
      %while3A_282 = arith.constant 1 : i32
      %while3A_283 = scf.for %while3A_310 = %while3A_279 to %while3A_275 step %while3A_282 iter_args(%while3A_311 = %while3A_281) -> (i32)  : i32 {
        %mul3A_312 = arith.constant 16 : i32
        %mul3A_313 = arith.muli %while3A_310, %mul3A_312 : i32
        %get3A = arith.index_cast %mul3A_313 : i32 to index
        %get3A_314 = tpu.vector_load %arg8[%get3A] {strides = array<i32>} : memref<1600xi32, #tpu.memory_space<vmem>>, vector<16xi32>,
        %ge3A = vector.broadcast %add3A_231 : i32 to vector<16xi32>
        %ge3A_315 = arith.cmpi sge, %get3A_314, %ge3A : vector<16xi32>
        %lt3A = vector.broadcast %min3A_251 : i32 to vector<16xi32>
        %lt3A_316 = arith.cmpi slt, %get3A_314, %lt3A : vector<16xi32>
        %and3A_317 = arith.andi %ge3A_315, %lt3A_316 : vector<16xi1>
        %mul3A_318 = arith.constant 16 : i32
        %mul3A_319 = arith.muli %while3A_310, %mul3A_318 : i32
        %get3A_320 = arith.index_cast %mul3A_319 : i32 to index
        %get3A_321 = tpu.vector_load %arg9[%get3A_320] {strides = array<i32>} : memref<1600xi32, #tpu.memory_space<vmem>>, vector<16xi32>,
        %min3A_322 = arith.constant 48 : i32
        %min3A_323 = arith.minsi %while3A_311, %min3A_322 : i32
        %swap3A_324 = arith.index_cast %min3A_323 : i32 to index
        %swap3A_325 = tpu.vector_load %arg16[%swap3A_324] masked %and3A_317 {strides = array<i32>} : memref<64xi32, #tpu.memory_space<vmem>>, vector<16xi32>, vector<16xi1>
        tpu.vector_store %arg16[%swap3A_324], %get3A_314 masked %and3A_317 {strides = array<i32>} : memref<64xi32, #tpu.memory_space<vmem>>, vector<16xi32>, vector<16xi1>
        %swap3A_326 = arith.index_cast %min3A_323 : i32 to index
        %swap3A_327 = tpu.vector_load %arg15[%swap3A_326] masked %and3A_317 {strides = array<i32>} : memref<64xi32, #tpu.memory_space<vmem>>, vector<16xi32>, vector<16xi1>
        tpu.vector_store %arg15[%swap3A_326], %get3A_321 masked %and3A_317 {strides = array<i32>} : memref<64xi32, #tpu.memory_space<vmem>>, vector<16xi32>, vector<16xi1>
        %all_reduce_population_count3A = tpu.all_reduce %and3A_317 {dim = 0 : i64, kind = #tpu.reduction_kind<sum>} : vector<16xi1> -> vector<16xi32>
        %slice3A = vector.extract_strided_slice %all_reduce_population_count3A {offsets = [0], sizes = [1], strides = [1]} : vector<16xi32> to vector<1xi32>
        %squeeze3A = vector.extract %slice3A[0] : i32 from vector<1xi32>
        %add3A_328 = arith.addi %while3A_311, %squeeze3A : i32
        scf.yield %add3A_328 : i32
      }
      %min3A_284 = arith.constant 64 : i32
      %min3A_285 = arith.minsi %while3A_283, %min3A_284 : i32
      %while3A_286 = arith.constant 0 : i32
      %while3A_287 = arith.constant 0 : i32
      %while3A_288 = arith.subi %min3A_285, %while3A_287 : i32
      %while3A_289 = arith.addi %while3A_287, %while3A_288 : i32
      %while3A_290 = arith.constant 1 : i32
      %while3A_291 = arith.divsi %while3A_288, %while3A_290 : i32
      %while3A_292 = arith.muli %while3A_291, %while3A_290 : i32
      %while3A_293 = arith.addi %while3A_287, %while3A_292 : i32
      %while3A_294 = arith.constant 1 : i32
      scf.for %while3A_310 = %while3A_287 to %while3A_293 step %while3A_294  : i32 {
        %broadcast_in_dim3A = vector.broadcast %while3A_310 : i32 to vector<16xi32>
        %gather3A = tpu.vector_load_idx %arg16[%broadcast_in_dim3A] : memref<64xi32, #tpu.memory_space<vmem>>[vector<16xi32>], vector<16xi32>,
        %slice3A = vector.extract_strided_slice %gather3A {offsets = [0], sizes = [1], strides = [1]} : vector<16xi32> to vector<1xi32>
        %squeeze3A = vector.extract %slice3A[0] : i32 from vector<1xi32>
        %sub3A_311 = arith.subi %squeeze3A, %min3A_236 : i32
        %add3A_312 = arith.constant 0 : i32
        %add3A_313 = vector.broadcast %add3A_312 : i32 to vector<16xi32>
        %add3A_314 = arith.addi %add3A_313, %iota3A : vector<16xi32>
        %broadcast_in_dim3A_315 = vector.broadcast %sub3A_311 : i32 to vector<16xi32>
        %gather3A_316 = tpu.vector_load_idx %arg11[%add3A_314, %broadcast_in_dim3A_315] : memref<64x768xf32, #tpu.memory_space<vmem>>[vector<16xi32>, vector<16xi32>], vector<16xf32>,
        %add3A_317 = arith.constant 0 : i32
        %add3A_318 = vector.broadcast %add3A_317 : i32 to vector<16xi32>
        %add3A_319 = arith.addi %add3A_318, %iota3A : vector<16xi32>
        tpu.vector_store_idx %arg13[%broadcast_in_dim3A, %add3A_319], %gather3A_316 : memref<64x128xf32, #tpu.memory_space<vmem>>[vector<16xi32>, vector<16xi32>], vector<16xf32>,
        %add3A_320 = arith.constant 16 : i32
        %add3A_321 = vector.broadcast %add3A_320 : i32 to vector<16xi32>
        %add3A_322 = arith.addi %add3A_321, %iota3A : vector<16xi32>
        %broadcast_in_dim3A_323 = vector.broadcast %sub3A_311 : i32 to vector<16xi32>
        %gather3A_324 = tpu.vector_load_idx %arg11[%add3A_322, %broadcast_in_dim3A_323] : memref<64x768xf32, #tpu.memory_space<vmem>>[vector<16xi32>, vector<16xi32>], vector<16xf32>,
        %add3A_325 = arith.constant 16 : i32
        %add3A_326 = vector.broadcast %add3A_325 : i32 to vector<16xi32>
        %add3A_327 = arith.addi %add3A_326, %iota3A : vector<16xi32>
        tpu.vector_store_idx %arg13[%broadcast_in_dim3A, %add3A_327], %gather3A_324 : memref<64x128xf32, #tpu.memory_space<vmem>>[vector<16xi32>, vector<16xi32>], vector<16xf32>,
        %add3A_328 = arith.constant 32 : i32
        %add3A_329 = vector.broadcast %add3A_328 : i32 to vector<16xi32>
        %add3A_330 = arith.addi %add3A_329, %iota3A : vector<16xi32>
        %broadcast_in_dim3A_331 = vector.broadcast %sub3A_311 : i32 to vector<16xi32>
        %gather3A_332 = tpu.vector_load_idx %arg11[%add3A_330, %broadcast_in_dim3A_331] : memref<64x768xf32, #tpu.memory_space<vmem>>[vector<16xi32>, vector<16xi32>], vector<16xf32>,
        %add3A_333 = arith.constant 32 : i32
        %add3A_334 = vector.broadcast %add3A_333 : i32 to vector<16xi32>
        %add3A_335 = arith.addi %add3A_334, %iota3A : vector<16xi32>
        tpu.vector_store_idx %arg13[%broadcast_in_dim3A, %add3A_335], %gather3A_332 : memref<64x128xf32, #tpu.memory_space<vmem>>[vector<16xi32>, vector<16xi32>], vector<16xf32>,
        %add3A_336 = arith.constant 48 : i32
        %add3A_337 = vector.broadcast %add3A_336 : i32 to vector<16xi32>
        %add3A_338 = arith.addi %add3A_337, %iota3A : vector<16xi32>
        %broadcast_in_dim3A_339 = vector.broadcast %sub3A_311 : i32 to vector<16xi32>
        %gather3A_340 = tpu.vector_load_idx %arg11[%add3A_338, %broadcast_in_dim3A_339] : memref<64x768xf32, #tpu.memory_space<vmem>>[vector<16xi32>, vector<16xi32>], vector<16xf32>,
        %add3A_341 = arith.constant 48 : i32
        %add3A_342 = vector.broadcast %add3A_341 : i32 to vector<16xi32>
        %add3A_343 = arith.addi %add3A_342, %iota3A : vector<16xi32>
        tpu.vector_store_idx %arg13[%broadcast_in_dim3A, %add3A_343], %gather3A_340 : memref<64x128xf32, #tpu.memory_space<vmem>>[vector<16xi32>, vector<16xi32>], vector<16xf32>,
      }
      %while3A_295 = arith.constant 1 : i32
      scf.for %while3A_310 = %while3A_293 to %while3A_289 step %while3A_295  : i32 {
        %broadcast_in_dim3A = vector.broadcast %while3A_310 : i32 to vector<16xi32>
        %gather3A = tpu.vector_load_idx %arg16[%broadcast_in_dim3A] : memref<64xi32, #tpu.memory_space<vmem>>[vector<16xi32>], vector<16xi32>,
        %slice3A = vector.extract_strided_slice %gather3A {offsets = [0], sizes = [1], strides = [1]} : vector<16xi32> to vector<1xi32>
        %squeeze3A = vector.extract %slice3A[0] : i32 from vector<1xi32>
        %sub3A_311 = arith.subi %squeeze3A, %min3A_236 : i32
        %add3A_312 = arith.constant 0 : i32
        %add3A_313 = vector.broadcast %add3A_312 : i32 to vector<16xi32>
        %add3A_314 = arith.addi %add3A_313, %iota3A : vector<16xi32>
        %broadcast_in_dim3A_315 = vector.broadcast %sub3A_311 : i32 to vector<16xi32>
        %gather3A_316 = tpu.vector_load_idx %arg11[%add3A_314, %broadcast_in_dim3A_315] : memref<64x768xf32, #tpu.memory_space<vmem>>[vector<16xi32>, vector<16xi32>], vector<16xf32>,
        %add3A_317 = arith.constant 0 : i32
        %add3A_318 = vector.broadcast %add3A_317 : i32 to vector<16xi32>
        %add3A_319 = arith.addi %add3A_318, %iota3A : vector<16xi32>
        tpu.vector_store_idx %arg13[%broadcast_in_dim3A, %add3A_319], %gather3A_316 : memref<64x128xf32, #tpu.memory_space<vmem>>[vector<16xi32>, vector<16xi32>], vector<16xf32>,
        %add3A_320 = arith.constant 16 : i32
        %add3A_321 = vector.broadcast %add3A_320 : i32 to vector<16xi32>
        %add3A_322 = arith.addi %add3A_321, %iota3A : vector<16xi32>
        %broadcast_in_dim3A_323 = vector.broadcast %sub3A_311 : i32 to vector<16xi32>
        %gather3A_324 = tpu.vector_load_idx %arg11[%add3A_322, %broadcast_in_dim3A_323] : memref<64x768xf32, #tpu.memory_space<vmem>>[vector<16xi32>, vector<16xi32>], vector<16xf32>,
        %add3A_325 = arith.constant 16 : i32
        %add3A_326 = vector.broadcast %add3A_325 : i32 to vector<16xi32>
        %add3A_327 = arith.addi %add3A_326, %iota3A : vector<16xi32>
        tpu.vector_store_idx %arg13[%broadcast_in_dim3A, %add3A_327], %gather3A_324 : memref<64x128xf32, #tpu.memory_space<vmem>>[vector<16xi32>, vector<16xi32>], vector<16xf32>,
        %add3A_328 = arith.constant 32 : i32
        %add3A_329 = vector.broadcast %add3A_328 : i32 to vector<16xi32>
        %add3A_330 = arith.addi %add3A_329, %iota3A : vector<16xi32>
        %broadcast_in_dim3A_331 = vector.broadcast %sub3A_311 : i32 to vector<16xi32>
        %gather3A_332 = tpu.vector_load_idx %arg11[%add3A_330, %broadcast_in_dim3A_331] : memref<64x768xf32, #tpu.memory_space<vmem>>[vector<16xi32>, vector<16xi32>], vector<16xf32>,
        %add3A_333 = arith.constant 32 : i32
        %add3A_334 = vector.broadcast %add3A_333 : i32 to vector<16xi32>
        %add3A_335 = arith.addi %add3A_334, %iota3A : vector<16xi32>
        tpu.vector_store_idx %arg13[%broadcast_in_dim3A, %add3A_335], %gather3A_332 : memref<64x128xf32, #tpu.memory_space<vmem>>[vector<16xi32>, vector<16xi32>], vector<16xf32>,
        %add3A_336 = arith.constant 48 : i32
        %add3A_337 = vector.broadcast %add3A_336 : i32 to vector<16xi32>
        %add3A_338 = arith.addi %add3A_337, %iota3A : vector<16xi32>
        %broadcast_in_dim3A_339 = vector.broadcast %sub3A_311 : i32 to vector<16xi32>
        %gather3A_340 = tpu.vector_load_idx %arg11[%add3A_338, %broadcast_in_dim3A_339] : memref<64x768xf32, #tpu.memory_space<vmem>>[vector<16xi32>, vector<16xi32>], vector<16xf32>,
        %add3A_341 = arith.constant 48 : i32
        %add3A_342 = vector.broadcast %add3A_341 : i32 to vector<16xi32>
        %add3A_343 = arith.addi %add3A_342, %iota3A : vector<16xi32>
        tpu.vector_store_idx %arg13[%broadcast_in_dim3A, %add3A_343], %gather3A_340 : memref<64x128xf32, #tpu.memory_space<vmem>>[vector<16xi32>, vector<16xi32>], vector<16xf32>,
      }
      %dma_start3A_296 = arith.constant 0 : i32
      %dma_start3A_297 = arith.constant 0 : i32
      %dma_start3A_298 = tpu.memref_slice %arg6[%dma_start3A_296, %dma_start3A_297] : memref<32832x128xf32, #tpu.memory_space<hbm>> -> memref<32832x128xf32, #tpu.memory_space<hbm>>
      tpu.enqueue_indirect_dma source(%arg13 : memref<64x128xf32, #tpu.memory_space<vmem>>) target(%dma_start3A_298 : memref<32832x128xf32, #tpu.memory_space<hbm>>) offsets(%arg15 : memref<64xi32, #tpu.memory_space<vmem>>) semaphore(%arg21 : memref<!tpu.dma_semaphore, #tpu.memory_space<semaphore_mem>>)
      %add3A_299 = arith.constant 2 : i32
      %add3A_300 = arith.addi %add3A_228, %add3A_299 : i32
      %mul3A_301 = arith.constant 768 : i32
      %mul3A_302 = arith.muli %add3A_300, %mul3A_301 : i32
      %add3A_303 = arith.addi %mul3A_2, %mul3A_302 : i32
      %min3A_304 = arith.constant 999168 : i32
      %min3A_305 = arith.minsi %add3A_303, %min3A_304 : i32
      %dma_start3A_306 = arith.constant 0 : i32
      %dma_start3A_307 = tpu.memref_slice %arg2[%dma_start3A_306, %min3A_305] : memref<64x1000000xf32, #tpu.memory_space<hbm>> -> memref<64x768xf32, #tpu.memory_space<hbm>>
      %dma_start3A_308 = arith.constant 0 : i32
      %dma_start3A_309 = tpu.memref_slice %arg2[%dma_start3A_308, %min3A_305] : memref<64x1000000xf32, #tpu.memory_space<hbm>> -> memref<64x768xf32, #tpu.memory_space<hbm>>
      tpu.enqueue_dma source(%dma_start3A_309 : memref<64x768xf32, #tpu.memory_space<hbm>>) target(%arg11 : memref<64x768xf32, #tpu.memory_space<vmem>>) target_semaphore(%arg19 : memref<!tpu.dma_semaphore, #tpu.memory_space<semaphore_mem>>)
    }
    %scan3A_67 = arith.constant 21 : i32
    %dma_wait3A = arith.constant 0 : i32
    %dma_wait3A_68 = arith.constant 0 : i32
    %dma_wait3A_69 = tpu.memref_slice %arg6[%dma_wait3A, %dma_wait3A_68] : memref<32832x128xf32, #tpu.memory_space<hbm>> -> memref<64x128xf32, #tpu.memory_space<hbm>>
    %dma_wait3A_70 = arith.constant 0 : i32
    %dma_wait3A_71 = arith.constant 0 : i32
    %dma_wait3A_72 = tpu.memref_slice %arg6[%dma_wait3A_70, %dma_wait3A_71] : memref<32832x128xf32, #tpu.memory_space<hbm>> -> memref<64x128xf32, #tpu.memory_space<hbm>>
    tpu.wait_dma2 semaphore(%arg20 : memref<!tpu.dma_semaphore, #tpu.memory_space<semaphore_mem>>) src(%dma_wait3A_72 : memref<64x128xf32, #tpu.memory_space<hbm>>) dst(%arg12 : memref<64x128xf32, #tpu.memory_space<vmem>>)
    %add3A_73 = arith.constant 32768 : i32
    %add3A_74 = vector.broadcast %add3A_73 : i32 to vector<16xi32>
    %add3A_75 = arith.addi %add3A_74, %iota3A : vector<16xi32>
    %swap3A = arith.constant 0 : index
    %swap3A_76 = tpu.vector_load %arg14[%swap3A] {strides = array<i32>} : memref<64xi32, #tpu.memory_space<vmem>>, vector<16xi32>,
    tpu.vector_store %arg14[%swap3A], %add3A_75 {strides = array<i32>} : memref<64xi32, #tpu.memory_space<vmem>>, vector<16xi32>,
    %add3A_77 = arith.constant 32784 : i32
    %add3A_78 = vector.broadcast %add3A_77 : i32 to vector<16xi32>
    %add3A_79 = arith.addi %add3A_78, %iota3A : vector<16xi32>
    %swap3A_80 = arith.constant 16 : index
    %swap3A_81 = tpu.vector_load %arg14[%swap3A_80] {strides = array<i32>} : memref<64xi32, #tpu.memory_space<vmem>>, vector<16xi32>,
    tpu.vector_store %arg14[%swap3A_80], %add3A_79 {strides = array<i32>} : memref<64xi32, #tpu.memory_space<vmem>>, vector<16xi32>,
    %add3A_82 = arith.constant 32800 : i32
    %add3A_83 = vector.broadcast %add3A_82 : i32 to vector<16xi32>
    %add3A_84 = arith.addi %add3A_83, %iota3A : vector<16xi32>
    %swap3A_85 = arith.constant 32 : index
    %swap3A_86 = tpu.vector_load %arg14[%swap3A_85] {strides = array<i32>} : memref<64xi32, #tpu.memory_space<vmem>>, vector<16xi32>,
    tpu.vector_store %arg14[%swap3A_85], %add3A_84 {strides = array<i32>} : memref<64xi32, #tpu.memory_space<vmem>>, vector<16xi32>,
    %add3A_87 = arith.constant 32816 : i32
    %add3A_88 = vector.broadcast %add3A_87 : i32 to vector<16xi32>
    %add3A_89 = arith.addi %add3A_88, %iota3A : vector<16xi32>
    %swap3A_90 = arith.constant 48 : index
    %swap3A_91 = tpu.vector_load %arg14[%swap3A_90] {strides = array<i32>} : memref<64xi32, #tpu.memory_space<vmem>>, vector<16xi32>,
    tpu.vector_store %arg14[%swap3A_90], %add3A_89 {strides = array<i32>} : memref<64xi32, #tpu.memory_space<vmem>>, vector<16xi32>,
    %while3A = arith.constant 0 : i32
    %while3A_92 = arith.constant 0 : i32
    %while3A_93 = arith.subi %min3A_61, %while3A : i32
    %while3A_94 = arith.addi %while3A, %while3A_93 : i32
    %while3A_95 = arith.constant 1 : i32
    %while3A_96 = arith.divsi %while3A_93, %while3A_95 : i32
    %while3A_97 = arith.muli %while3A_96, %while3A_95 : i32
    %while3A_98 = arith.addi %while3A, %while3A_97 : i32
    %while3A_99 = arith.constant 1 : i32
    %while3A_100 = scf.for %while3A_142 = %while3A to %while3A_98 step %while3A_99 iter_args(%while3A_143 = %while3A_92) -> (i32)  : i32 {
      %mul3A_144 = arith.constant 16 : i32
      %mul3A_145 = arith.muli %while3A_142, %mul3A_144 : i32
      %get3A = arith.index_cast %mul3A_145 : i32 to index
      %get3A_146 = tpu.vector_load %arg8[%get3A] {strides = array<i32>} : memref<1600xi32, #tpu.memory_space<vmem>>, vector<16xi32>,
      %ge3A = arith.constant 999936 : i32
      %ge3A_147 = vector.broadcast %ge3A : i32 to vector<16xi32>
      %ge3A_148 = arith.cmpi sge, %get3A_146, %ge3A_147 : vector<16xi32>
      %lt3A = arith.constant 1000000 : i32
      %lt3A_149 = vector.broadcast %lt3A : i32 to vector<16xi32>
      %lt3A_150 = arith.cmpi slt, %get3A_146, %lt3A_149 : vector<16xi32>
      %and3A_151 = arith.andi %ge3A_148, %lt3A_150 : vector<16xi1>
      %mul3A_152 = arith.constant 16 : i32
      %mul3A_153 = arith.muli %while3A_142, %mul3A_152 : i32
      %get3A_154 = arith.index_cast %mul3A_153 : i32 to index
      %get3A_155 = tpu.vector_load %arg9[%get3A_154] {strides = array<i32>} : memref<1600xi32, #tpu.memory_space<vmem>>, vector<16xi32>,
      %min3A_156 = arith.constant 48 : i32
      %min3A_157 = arith.minsi %while3A_143, %min3A_156 : i32
      %swap3A_158 = arith.index_cast %min3A_157 : i32 to index
      %swap3A_159 = tpu.vector_load %arg16[%swap3A_158] masked %and3A_151 {strides = array<i32>} : memref<64xi32, #tpu.memory_space<vmem>>, vector<16xi32>, vector<16xi1>
      tpu.vector_store %arg16[%swap3A_158], %get3A_146 masked %and3A_151 {strides = array<i32>} : memref<64xi32, #tpu.memory_space<vmem>>, vector<16xi32>, vector<16xi1>
      %swap3A_160 = arith.index_cast %min3A_157 : i32 to index
      %swap3A_161 = tpu.vector_load %arg14[%swap3A_160] masked %and3A_151 {strides = array<i32>} : memref<64xi32, #tpu.memory_space<vmem>>, vector<16xi32>, vector<16xi1>
      tpu.vector_store %arg14[%swap3A_160], %get3A_155 masked %and3A_151 {strides = array<i32>} : memref<64xi32, #tpu.memory_space<vmem>>, vector<16xi32>, vector<16xi1>
      %all_reduce_population_count3A = tpu.all_reduce %and3A_151 {dim = 0 : i64, kind = #tpu.reduction_kind<sum>} : vector<16xi1> -> vector<16xi32>
      %slice3A = vector.extract_strided_slice %all_reduce_population_count3A {offsets = [0], sizes = [1], strides = [1]} : vector<16xi32> to vector<1xi32>
      %squeeze3A = vector.extract %slice3A[0] : i32 from vector<1xi32>
      %add3A_162 = arith.addi %while3A_143, %squeeze3A : i32
      scf.yield %add3A_162 : i32
    }
    %while3A_101 = arith.constant 1 : i32
    %while3A_102 = scf.for %while3A_142 = %while3A_98 to %while3A_94 step %while3A_101 iter_args(%while3A_143 = %while3A_100) -> (i32)  : i32 {
      %mul3A_144 = arith.constant 16 : i32
      %mul3A_145 = arith.muli %while3A_142, %mul3A_144 : i32
      %get3A = arith.index_cast %mul3A_145 : i32 to index
      %get3A_146 = tpu.vector_load %arg8[%get3A] {strides = array<i32>} : memref<1600xi32, #tpu.memory_space<vmem>>, vector<16xi32>,
      %ge3A = arith.constant 999936 : i32
      %ge3A_147 = vector.broadcast %ge3A : i32 to vector<16xi32>
      %ge3A_148 = arith.cmpi sge, %get3A_146, %ge3A_147 : vector<16xi32>
      %lt3A = arith.constant 1000000 : i32
      %lt3A_149 = vector.broadcast %lt3A : i32 to vector<16xi32>
      %lt3A_150 = arith.cmpi slt, %get3A_146, %lt3A_149 : vector<16xi32>
      %and3A_151 = arith.andi %ge3A_148, %lt3A_150 : vector<16xi1>
      %mul3A_152 = arith.constant 16 : i32
      %mul3A_153 = arith.muli %while3A_142, %mul3A_152 : i32
      %get3A_154 = arith.index_cast %mul3A_153 : i32 to index
      %get3A_155 = tpu.vector_load %arg9[%get3A_154] {strides = array<i32>} : memref<1600xi32, #tpu.memory_space<vmem>>, vector<16xi32>,
      %min3A_156 = arith.constant 48 : i32
      %min3A_157 = arith.minsi %while3A_143, %min3A_156 : i32
      %swap3A_158 = arith.index_cast %min3A_157 : i32 to index
      %swap3A_159 = tpu.vector_load %arg16[%swap3A_158] masked %and3A_151 {strides = array<i32>} : memref<64xi32, #tpu.memory_space<vmem>>, vector<16xi32>, vector<16xi1>
      tpu.vector_store %arg16[%swap3A_158], %get3A_146 masked %and3A_151 {strides = array<i32>} : memref<64xi32, #tpu.memory_space<vmem>>, vector<16xi32>, vector<16xi1>
      %swap3A_160 = arith.index_cast %min3A_157 : i32 to index
      %swap3A_161 = tpu.vector_load %arg14[%swap3A_160] masked %and3A_151 {strides = array<i32>} : memref<64xi32, #tpu.memory_space<vmem>>, vector<16xi32>, vector<16xi1>
      tpu.vector_store %arg14[%swap3A_160], %get3A_155 masked %and3A_151 {strides = array<i32>} : memref<64xi32, #tpu.memory_space<vmem>>, vector<16xi32>, vector<16xi1>
      %all_reduce_population_count3A = tpu.all_reduce %and3A_151 {dim = 0 : i64, kind = #tpu.reduction_kind<sum>} : vector<16xi1> -> vector<16xi32>
      %slice3A = vector.extract_strided_slice %all_reduce_population_count3A {offsets = [0], sizes = [1], strides = [1]} : vector<16xi32> to vector<1xi32>
      %squeeze3A = vector.extract %slice3A[0] : i32 from vector<1xi32>
      %add3A_162 = arith.addi %while3A_143, %squeeze3A : i32
      scf.yield %add3A_162 : i32
    }
    %min3A_103 = arith.constant 64 : i32
    %min3A_104 = arith.minsi %while3A_102, %min3A_103 : i32
    %while3A_105 = arith.constant 0 : i32
    %while3A_106 = arith.constant 0 : i32
    %while3A_107 = arith.subi %min3A_104, %while3A_106 : i32
    %while3A_108 = arith.addi %while3A_106, %while3A_107 : i32
    %while3A_109 = arith.constant 1 : i32
    %while3A_110 = arith.divsi %while3A_107, %while3A_109 : i32
    %while3A_111 = arith.muli %while3A_110, %while3A_109 : i32
    %while3A_112 = arith.addi %while3A_106, %while3A_111 : i32
    %while3A_113 = arith.constant 1 : i32
    scf.for %while3A_142 = %while3A_106 to %while3A_112 step %while3A_113  : i32 {
      %broadcast_in_dim3A = vector.broadcast %while3A_142 : i32 to vector<16xi32>
      %gather3A = tpu.vector_load_idx %arg16[%broadcast_in_dim3A] : memref<64xi32, #tpu.memory_space<vmem>>[vector<16xi32>], vector<16xi32>,
      %slice3A = vector.extract_strided_slice %gather3A {offsets = [0], sizes = [1], strides = [1]} : vector<16xi32> to vector<1xi32>
      %squeeze3A = vector.extract %slice3A[0] : i32 from vector<1xi32>
      %sub3A_143 = arith.constant 999936 : i32
      %sub3A_144 = arith.subi %squeeze3A, %sub3A_143 : i32
      %broadcast_in_dim3A_145 = vector.broadcast %sub3A_144 : i32 to vector<16xi32>
      %add3A_146 = arith.constant 0 : i32
      %add3A_147 = vector.broadcast %add3A_146 : i32 to vector<16xi32>
      %add3A_148 = arith.addi %add3A_147, %iota3A : vector<16xi32>
      %gather3A_149 = tpu.vector_load_idx %arg17[%broadcast_in_dim3A_145, %add3A_148] : memref<64x64xf32, #tpu.memory_space<vmem>>[vector<16xi32>, vector<16xi32>], vector<16xf32>,
      %add3A_150 = arith.constant 0 : i32
      %add3A_151 = vector.broadcast %add3A_150 : i32 to vector<16xi32>
      %add3A_152 = arith.addi %add3A_151, %iota3A : vector<16xi32>
      tpu.vector_store_idx %arg12[%broadcast_in_dim3A, %add3A_152], %gather3A_149 : memref<64x128xf32, #tpu.memory_space<vmem>>[vector<16xi32>, vector<16xi32>], vector<16xf32>,
      %broadcast_in_dim3A_153 = vector.broadcast %sub3A_144 : i32 to vector<16xi32>
      %add3A_154 = arith.constant 16 : i32
      %add3A_155 = vector.broadcast %add3A_154 : i32 to vector<16xi32>
      %add3A_156 = arith.addi %add3A_155, %iota3A : vector<16xi32>
      %gather3A_157 = tpu.vector_load_idx %arg17[%broadcast_in_dim3A_153, %add3A_156] : memref<64x64xf32, #tpu.memory_space<vmem>>[vector<16xi32>, vector<16xi32>], vector<16xf32>,
      %add3A_158 = arith.constant 16 : i32
      %add3A_159 = vector.broadcast %add3A_158 : i32 to vector<16xi32>
      %add3A_160 = arith.addi %add3A_159, %iota3A : vector<16xi32>
      tpu.vector_store_idx %arg12[%broadcast_in_dim3A, %add3A_160], %gather3A_157 : memref<64x128xf32, #tpu.memory_space<vmem>>[vector<16xi32>, vector<16xi32>], vector<16xf32>,
      %broadcast_in_dim3A_161 = vector.broadcast %sub3A_144 : i32 to vector<16xi32>
      %add3A_162 = arith.constant 32 : i32
      %add3A_163 = vector.broadcast %add3A_162 : i32 to vector<16xi32>
      %add3A_164 = arith.addi %add3A_163, %iota3A : vector<16xi32>
      %gather3A_165 = tpu.vector_load_idx %arg17[%broadcast_in_dim3A_161, %add3A_164] : memref<64x64xf32, #tpu.memory_space<vmem>>[vector<16xi32>, vector<16xi32>], vector<16xf32>,
      %add3A_166 = arith.constant 32 : i32
      %add3A_167 = vector.broadcast %add3A_166 : i32 to vector<16xi32>
      %add3A_168 = arith.addi %add3A_167, %iota3A : vector<16xi32>
      tpu.vector_store_idx %arg12[%broadcast_in_dim3A, %add3A_168], %gather3A_165 : memref<64x128xf32, #tpu.memory_space<vmem>>[vector<16xi32>, vector<16xi32>], vector<16xf32>,
      %broadcast_in_dim3A_169 = vector.broadcast %sub3A_144 : i32 to vector<16xi32>
      %add3A_170 = arith.constant 48 : i32
      %add3A_171 = vector.broadcast %add3A_170 : i32 to vector<16xi32>
      %add3A_172 = arith.addi %add3A_171, %iota3A : vector<16xi32>
      %gather3A_173 = tpu.vector_load_idx %arg17[%broadcast_in_dim3A_169, %add3A_172] : memref<64x64xf32, #tpu.memory_space<vmem>>[vector<16xi32>, vector<16xi32>], vector<16xf32>,
      %add3A_174 = arith.constant 48 : i32
      %add3A_175 = vector.broadcast %add3A_174 : i32 to vector<16xi32>
      %add3A_176 = arith.addi %add3A_175, %iota3A : vector<16xi32>
      tpu.vector_store_idx %arg12[%broadcast_in_dim3A, %add3A_176], %gather3A_173 : memref<64x128xf32, #tpu.memory_space<vmem>>[vector<16xi32>, vector<16xi32>], vector<16xf32>,
    }
    %while3A_114 = arith.constant 1 : i32
    scf.for %while3A_142 = %while3A_112 to %while3A_108 step %while3A_114  : i32 {
      %broadcast_in_dim3A = vector.broadcast %while3A_142 : i32 to vector<16xi32>
      %gather3A = tpu.vector_load_idx %arg16[%broadcast_in_dim3A] : memref<64xi32, #tpu.memory_space<vmem>>[vector<16xi32>], vector<16xi32>,
      %slice3A = vector.extract_strided_slice %gather3A {offsets = [0], sizes = [1], strides = [1]} : vector<16xi32> to vector<1xi32>
      %squeeze3A = vector.extract %slice3A[0] : i32 from vector<1xi32>
      %sub3A_143 = arith.constant 999936 : i32
      %sub3A_144 = arith.subi %squeeze3A, %sub3A_143 : i32
      %broadcast_in_dim3A_145 = vector.broadcast %sub3A_144 : i32 to vector<16xi32>
      %add3A_146 = arith.constant 0 : i32
      %add3A_147 = vector.broadcast %add3A_146 : i32 to vector<16xi32>
      %add3A_148 = arith.addi %add3A_147, %iota3A : vector<16xi32>
      %gather3A_149 = tpu.vector_load_idx %arg17[%broadcast_in_dim3A_145, %add3A_148] : memref<64x64xf32, #tpu.memory_space<vmem>>[vector<16xi32>, vector<16xi32>], vector<16xf32>,
      %add3A_150 = arith.constant 0 : i32
      %add3A_151 = vector.broadcast %add3A_150 : i32 to vector<16xi32>
      %add3A_152 = arith.addi %add3A_151, %iota3A : vector<16xi32>
      tpu.vector_store_idx %arg12[%broadcast_in_dim3A, %add3A_152], %gather3A_149 : memref<64x128xf32, #tpu.memory_space<vmem>>[vector<16xi32>, vector<16xi32>], vector<16xf32>,
      %broadcast_in_dim3A_153 = vector.broadcast %sub3A_144 : i32 to vector<16xi32>
      %add3A_154 = arith.constant 16 : i32
      %add3A_155 = vector.broadcast %add3A_154 : i32 to vector<16xi32>
      %add3A_156 = arith.addi %add3A_155, %iota3A : vector<16xi32>
      %gather3A_157 = tpu.vector_load_idx %arg17[%broadcast_in_dim3A_153, %add3A_156] : memref<64x64xf32, #tpu.memory_space<vmem>>[vector<16xi32>, vector<16xi32>], vector<16xf32>,
      %add3A_158 = arith.constant 16 : i32
      %add3A_159 = vector.broadcast %add3A_158 : i32 to vector<16xi32>
      %add3A_160 = arith.addi %add3A_159, %iota3A : vector<16xi32>
      tpu.vector_store_idx %arg12[%broadcast_in_dim3A, %add3A_160], %gather3A_157 : memref<64x128xf32, #tpu.memory_space<vmem>>[vector<16xi32>, vector<16xi32>], vector<16xf32>,
      %broadcast_in_dim3A_161 = vector.broadcast %sub3A_144 : i32 to vector<16xi32>
      %add3A_162 = arith.constant 32 : i32
      %add3A_163 = vector.broadcast %add3A_162 : i32 to vector<16xi32>
      %add3A_164 = arith.addi %add3A_163, %iota3A : vector<16xi32>
      %gather3A_165 = tpu.vector_load_idx %arg17[%broadcast_in_dim3A_161, %add3A_164] : memref<64x64xf32, #tpu.memory_space<vmem>>[vector<16xi32>, vector<16xi32>], vector<16xf32>,
      %add3A_166 = arith.constant 32 : i32
      %add3A_167 = vector.broadcast %add3A_166 : i32 to vector<16xi32>
      %add3A_168 = arith.addi %add3A_167, %iota3A : vector<16xi32>
      tpu.vector_store_idx %arg12[%broadcast_in_dim3A, %add3A_168], %gather3A_165 : memref<64x128xf32, #tpu.memory_space<vmem>>[vector<16xi32>, vector<16xi32>], vector<16xf32>,
      %broadcast_in_dim3A_169 = vector.broadcast %sub3A_144 : i32 to vector<16xi32>
      %add3A_170 = arith.constant 48 : i32
      %add3A_171 = vector.broadcast %add3A_170 : i32 to vector<16xi32>
      %add3A_172 = arith.addi %add3A_171, %iota3A : vector<16xi32>
      %gather3A_173 = tpu.vector_load_idx %arg17[%broadcast_in_dim3A_169, %add3A_172] : memref<64x64xf32, #tpu.memory_space<vmem>>[vector<16xi32>, vector<16xi32>], vector<16xf32>,
      %add3A_174 = arith.constant 48 : i32
      %add3A_175 = vector.broadcast %add3A_174 : i32 to vector<16xi32>
      %add3A_176 = arith.addi %add3A_175, %iota3A : vector<16xi32>
      tpu.vector_store_idx %arg12[%broadcast_in_dim3A, %add3A_176], %gather3A_173 : memref<64x128xf32, #tpu.memory_space<vmem>>[vector<16xi32>, vector<16xi32>], vector<16xf32>,
    }
    %dma_start3A_115 = arith.constant 0 : i32
    %dma_start3A_116 = arith.constant 0 : i32
    %dma_start3A_117 = tpu.memref_slice %arg6[%dma_start3A_115, %dma_start3A_116] : memref<32832x128xf32, #tpu.memory_space<hbm>> -> memref<32832x128xf32, #tpu.memory_space<hbm>>
    tpu.enqueue_indirect_dma source(%arg12 : memref<64x128xf32, #tpu.memory_space<vmem>>) target(%dma_start3A_117 : memref<32832x128xf32, #tpu.memory_space<hbm>>) offsets(%arg14 : memref<64xi32, #tpu.memory_space<vmem>>) semaphore(%arg20 : memref<!tpu.dma_semaphore, #tpu.memory_space<semaphore_mem>>)
    %dma_wait3A_118 = arith.constant 0 : i32
    %dma_wait3A_119 = arith.constant 0 : i32
    %dma_wait3A_120 = tpu.memref_slice %arg6[%dma_wait3A_118, %dma_wait3A_119] : memref<32832x128xf32, #tpu.memory_space<hbm>> -> memref<64x128xf32, #tpu.memory_space<hbm>>
    %dma_wait3A_121 = arith.constant 0 : i32
    %dma_wait3A_122 = arith.constant 0 : i32
    %dma_wait3A_123 = tpu.memref_slice %arg6[%dma_wait3A_121, %dma_wait3A_122] : memref<32832x128xf32, #tpu.memory_space<hbm>> -> memref<64x128xf32, #tpu.memory_space<hbm>>
    tpu.wait_dma2 semaphore(%arg20 : memref<!tpu.dma_semaphore, #tpu.memory_space<semaphore_mem>>) src(%dma_wait3A_123 : memref<64x128xf32, #tpu.memory_space<hbm>>) dst(%arg12 : memref<64x128xf32, #tpu.memory_space<vmem>>)
    %dma_wait3A_124 = arith.constant 0 : i32
    %dma_wait3A_125 = arith.constant 0 : i32
    %dma_wait3A_126 = tpu.memref_slice %arg6[%dma_wait3A_124, %dma_wait3A_125] : memref<32832x128xf32, #tpu.memory_space<hbm>> -> memref<64x128xf32, #tpu.memory_space<hbm>>
    %dma_wait3A_127 = arith.constant 0 : i32
    %dma_wait3A_128 = arith.constant 0 : i32
    %dma_wait3A_129 = tpu.memref_slice %arg6[%dma_wait3A_127, %dma_wait3A_128] : memref<32832x128xf32, #tpu.memory_space<hbm>> -> memref<64x128xf32, #tpu.memory_space<hbm>>
    tpu.wait_dma2 semaphore(%arg21 : memref<!tpu.dma_semaphore, #tpu.memory_space<semaphore_mem>>) src(%dma_wait3A_129 : memref<64x128xf32, #tpu.memory_space<hbm>>) dst(%arg13 : memref<64x128xf32, #tpu.memory_space<vmem>>)
    %dma_wait3A_130 = arith.constant 0 : i32
    %dma_wait3A_131 = arith.constant 0 : i32
    %dma_wait3A_132 = tpu.memref_slice %arg2[%dma_wait3A_130, %dma_wait3A_131] : memref<64x1000000xf32, #tpu.memory_space<hbm>> -> memref<64x768xf32, #tpu.memory_space<hbm>>
    %dma_wait3A_133 = arith.constant 0 : i32
    %dma_wait3A_134 = arith.constant 0 : i32
    %dma_wait3A_135 = tpu.memref_slice %arg2[%dma_wait3A_133, %dma_wait3A_134] : memref<64x1000000xf32, #tpu.memory_space<hbm>> -> memref<64x768xf32, #tpu.memory_space<hbm>>
    tpu.wait_dma2 semaphore(%arg18 : memref<!tpu.dma_semaphore, #tpu.memory_space<semaphore_mem>>) src(%dma_wait3A_135 : memref<64x768xf32, #tpu.memory_space<hbm>>) dst(%arg10 : memref<64x768xf32, #tpu.memory_space<vmem>>)
    %dma_wait3A_136 = arith.constant 0 : i32
    %dma_wait3A_137 = arith.constant 0 : i32
    %dma_wait3A_138 = tpu.memref_slice %arg2[%dma_wait3A_136, %dma_wait3A_137] : memref<64x1000000xf32, #tpu.memory_space<hbm>> -> memref<64x768xf32, #tpu.memory_space<hbm>>
    %dma_wait3A_139 = arith.constant 0 : i32
    %dma_wait3A_140 = arith.constant 0 : i32
    %dma_wait3A_141 = tpu.memref_slice %arg2[%dma_wait3A_139, %dma_wait3A_140] : memref<64x1000000xf32, #tpu.memory_space<hbm>> -> memref<64x768xf32, #tpu.memory_space<hbm>>
    tpu.wait_dma2 semaphore(%arg19 : memref<!tpu.dma_semaphore, #tpu.memory_space<semaphore_mem>>) src(%dma_wait3A_141 : memref<64x768xf32, #tpu.memory_space<hbm>>) dst(%arg11 : memref<64x768xf32, #tpu.memory_space<vmem>>)
    return
  }
}

#map = affine_map<(d0, d1) -> (0, 0)>
#map1 = affine_map<(d0, d1) -> (0)>
module attributes {stable_mosaic.version = 14 : i64} {
  func.func @_phase2(%arg0: i32, %arg1: i32, %arg2: memref<32832x128xf32, #tpu.memory_space<hbm>>, %arg3: memref<230x64xf32, #tpu.memory_space<hbm>>, %arg4: memref<16384xi32, #tpu.memory_space<hbm>>, %arg5: memref<16384xf32, #tpu.memory_space<hbm>>, %arg6: memref<512xi32, #tpu.memory_space<vmem>>, %arg7: memref<256x128xf32, #tpu.memory_space<vmem>>, %arg8: memref<256x128xf32, #tpu.memory_space<vmem>>, %arg9: memref<230x64xf32, #tpu.memory_space<vmem>>, %arg10: memref<512xf32, #tpu.memory_space<vmem>>, %arg11: memref<!tpu.dma_semaphore, #tpu.memory_space<semaphore_mem>>) attributes {dimension_semantics = [#tpu.dimension_semantics<core_parallel>, #tpu.dimension_semantics<subcore_parallel>], iteration_bounds = array<i64: 2, 16>, scalar_prefetch = 0 : i64, scratch_operands = 6 : i64, tpu.core_type = #tpu.core_type<sc_vector_subcore>, window_params = [{transform_indices = #map}, {transform_indices = #map}, {transform_indices = #map1}, {transform_indices = #map1}]} {
    %mul3A = arith.constant 2 : i32
    %mul3A_0 = arith.muli %arg1, %mul3A : i32
    %add3A = arith.addi %mul3A_0, %arg0 : i32
    %mul3A_1 = arith.constant 512 : i32
    %mul3A_2 = arith.muli %add3A, %mul3A_1 : i32
    "tpu.region"() ({
      %run_scoped3A = tpu.sem_alloc : memref<!tpu.dma_semaphore, #tpu.memory_space<semaphore_mem>>
      %dma_start3A_56 = tpu.memref_slice %arg4[%mul3A_2] : memref<16384xi32, #tpu.memory_space<hbm>> -> memref<512xi32, #tpu.memory_space<hbm>>
      %dma_start3A_57 = tpu.memref_slice %arg4[%mul3A_2] : memref<16384xi32, #tpu.memory_space<hbm>> -> memref<512xi32, #tpu.memory_space<hbm>>
      tpu.enqueue_dma source(%dma_start3A_57 : memref<512xi32, #tpu.memory_space<hbm>>) target(%arg6 : memref<512xi32, #tpu.memory_space<vmem>>) target_semaphore(%run_scoped3A : memref<!tpu.dma_semaphore, #tpu.memory_space<semaphore_mem>>)
      %dma_wait3A_58 = tpu.memref_slice %arg4[%mul3A_2] : memref<16384xi32, #tpu.memory_space<hbm>> -> memref<512xi32, #tpu.memory_space<hbm>>
      %dma_wait3A_59 = tpu.memref_slice %arg4[%mul3A_2] : memref<16384xi32, #tpu.memory_space<hbm>> -> memref<512xi32, #tpu.memory_space<hbm>>
      tpu.wait_dma2 semaphore(%run_scoped3A : memref<!tpu.dma_semaphore, #tpu.memory_space<semaphore_mem>>) src(%dma_wait3A_59 : memref<512xi32, #tpu.memory_space<hbm>>) dst(%arg6 : memref<512xi32, #tpu.memory_space<vmem>>)
      tpu.yield
    }) : () -> ()
    "tpu.region"() ({
      %run_scoped3A = tpu.sem_alloc : memref<!tpu.dma_semaphore, #tpu.memory_space<semaphore_mem>>
      tpu.enqueue_dma source(%arg3 : memref<230x64xf32, #tpu.memory_space<hbm>>) target(%arg9 : memref<230x64xf32, #tpu.memory_space<vmem>>) target_semaphore(%run_scoped3A : memref<!tpu.dma_semaphore, #tpu.memory_space<semaphore_mem>>)
      tpu.wait_dma2 semaphore(%run_scoped3A : memref<!tpu.dma_semaphore, #tpu.memory_space<semaphore_mem>>) src(%arg3 : memref<230x64xf32, #tpu.memory_space<hbm>>) dst(%arg9 : memref<230x64xf32, #tpu.memory_space<vmem>>)
      tpu.yield
    }) : () -> ()
    %iota3A = tpu.iota {dimensions = array<i32: 0>} : vector<16xi32>
    %add3A_3 = arith.constant 0 : i32
    %add3A_4 = arith.addi %mul3A_2, %add3A_3 : i32
    %dma_start3A = arith.constant 0 : i32
    %dma_start3A_5 = tpu.memref_slice %arg2[%add3A_4, %dma_start3A] : memref<32832x128xf32, #tpu.memory_space<hbm>> -> memref<256x128xf32, #tpu.memory_space<hbm>>
    %dma_start3A_6 = arith.constant 0 : i32
    %dma_start3A_7 = tpu.memref_slice %arg2[%add3A_4, %dma_start3A_6] : memref<32832x128xf32, #tpu.memory_space<hbm>> -> memref<256x128xf32, #tpu.memory_space<hbm>>
    tpu.enqueue_dma source(%dma_start3A_7 : memref<256x128xf32, #tpu.memory_space<hbm>>) target(%arg7 : memref<256x128xf32, #tpu.memory_space<vmem>>) target_semaphore(%arg11 : memref<!tpu.dma_semaphore, #tpu.memory_space<semaphore_mem>>)
    %add3A_8 = arith.constant 16384 : i32
    %add3A_9 = arith.addi %add3A_8, %mul3A_2 : i32
    %add3A_10 = arith.constant 0 : i32
    %add3A_11 = arith.addi %add3A_9, %add3A_10 : i32
    %dma_start3A_12 = arith.constant 0 : i32
    %dma_start3A_13 = tpu.memref_slice %arg2[%add3A_11, %dma_start3A_12] : memref<32832x128xf32, #tpu.memory_space<hbm>> -> memref<256x128xf32, #tpu.memory_space<hbm>>
    %dma_start3A_14 = arith.constant 0 : i32
    %dma_start3A_15 = tpu.memref_slice %arg2[%add3A_11, %dma_start3A_14] : memref<32832x128xf32, #tpu.memory_space<hbm>> -> memref<256x128xf32, #tpu.memory_space<hbm>>
    tpu.enqueue_dma source(%dma_start3A_15 : memref<256x128xf32, #tpu.memory_space<hbm>>) target(%arg8 : memref<256x128xf32, #tpu.memory_space<vmem>>) target_semaphore(%arg11 : memref<!tpu.dma_semaphore, #tpu.memory_space<semaphore_mem>>)
    %dma_wait3A = arith.constant 0 : i32
    %dma_wait3A_16 = tpu.memref_slice %arg2[%add3A_4, %dma_wait3A] : memref<32832x128xf32, #tpu.memory_space<hbm>> -> memref<256x128xf32, #tpu.memory_space<hbm>>
    %dma_wait3A_17 = arith.constant 0 : i32
    %dma_wait3A_18 = tpu.memref_slice %arg2[%add3A_4, %dma_wait3A_17] : memref<32832x128xf32, #tpu.memory_space<hbm>> -> memref<256x128xf32, #tpu.memory_space<hbm>>
    tpu.wait_dma2 semaphore(%arg11 : memref<!tpu.dma_semaphore, #tpu.memory_space<semaphore_mem>>) src(%dma_wait3A_18 : memref<256x128xf32, #tpu.memory_space<hbm>>) dst(%arg7 : memref<256x128xf32, #tpu.memory_space<vmem>>)
    %dma_wait3A_19 = arith.constant 0 : i32
    %dma_wait3A_20 = tpu.memref_slice %arg2[%add3A_11, %dma_wait3A_19] : memref<32832x128xf32, #tpu.memory_space<hbm>> -> memref<256x128xf32, #tpu.memory_space<hbm>>
    %dma_wait3A_21 = arith.constant 0 : i32
    %dma_wait3A_22 = tpu.memref_slice %arg2[%add3A_11, %dma_wait3A_21] : memref<32832x128xf32, #tpu.memory_space<hbm>> -> memref<256x128xf32, #tpu.memory_space<hbm>>
    tpu.wait_dma2 semaphore(%arg11 : memref<!tpu.dma_semaphore, #tpu.memory_space<semaphore_mem>>) src(%dma_wait3A_22 : memref<256x128xf32, #tpu.memory_space<hbm>>) dst(%arg8 : memref<256x128xf32, #tpu.memory_space<vmem>>)
    %scan3A = arith.constant 0 : i32
    %scan3A_23 = arith.constant 0 : i32
    %scan3A_24 = arith.constant 16 : i32
    %scan3A_25 = arith.addi %scan3A_23, %scan3A_24 : i32
    %scan3A_26 = arith.constant 1 : i32
    scf.for %scan3A_56 = %scan3A_23 to %scan3A_25 step %scan3A_26  : i32 {
      %mul3A_57 = arith.constant 16 : i32
      %mul3A_58 = arith.muli %scan3A_56, %mul3A_57 : i32
      %add3A_59 = vector.broadcast %mul3A_58 : i32 to vector<16xi32>
      %add3A_60 = arith.addi %add3A_59, %iota3A : vector<16xi32>
      %mul3A_61 = arith.constant 16 : i32
      %mul3A_62 = arith.muli %scan3A_56, %mul3A_61 : i32
      %add3A_63 = arith.constant 0 : i32
      %add3A_64 = arith.addi %add3A_63, %mul3A_62 : i32
      %get3A = arith.index_cast %add3A_64 : i32 to index
      %get3A_65 = tpu.vector_load %arg6[%get3A] {strides = array<i32>} : memref<512xi32, #tpu.memory_space<vmem>>, vector<16xi32>,
      %broadcast_in_dim3A = arith.constant 0.000000e+00 : f32
      %broadcast_in_dim3A_66 = vector.broadcast %broadcast_in_dim3A : f32 to vector<16xf32>
      %scan3A_67 = arith.constant 0 : i32
      %scan3A_68 = arith.constant 32 : i32
      %scan3A_69 = arith.addi %scan3A_67, %scan3A_68 : i32
      %scan3A_70 = arith.constant 4 : i32
      %scan3A_71 = scf.for %scan3A_78 = %scan3A_67 to %scan3A_69 step %scan3A_70 iter_args(%scan3A_79 = %broadcast_in_dim3A_66) -> (vector<16xf32>)  : i32 {
        %broadcast_in_dim3A_80 = vector.broadcast %scan3A_78 : i32 to vector<16xi32>
        %add3A_81 = arith.constant 32 : i32
        %add3A_82 = vector.broadcast %add3A_81 : i32 to vector<16xi32>
        %add3A_83 = arith.addi %broadcast_in_dim3A_80, %add3A_82 : vector<16xi32>
        %gather3A = tpu.vector_load_idx %arg7[%add3A_60, %broadcast_in_dim3A_80] : memref<256x128xf32, #tpu.memory_space<vmem>>[vector<16xi32>, vector<16xi32>], vector<16xf32>,
        %gather3A_84 = tpu.vector_load_idx %arg7[%add3A_60, %add3A_83] : memref<256x128xf32, #tpu.memory_space<vmem>>[vector<16xi32>, vector<16xi32>], vector<16xf32>,
        %gather3A_85 = tpu.vector_load_idx %arg9[%get3A_65, %broadcast_in_dim3A_80] : memref<230x64xf32, #tpu.memory_space<vmem>>[vector<16xi32>, vector<16xi32>], vector<16xf32>,
        %gather3A_86 = tpu.vector_load_idx %arg9[%get3A_65, %add3A_83] : memref<230x64xf32, #tpu.memory_space<vmem>>[vector<16xi32>, vector<16xi32>], vector<16xf32>,
        %gather3A_87 = tpu.vector_load_idx %arg8[%add3A_60, %broadcast_in_dim3A_80] : memref<256x128xf32, #tpu.memory_space<vmem>>[vector<16xi32>, vector<16xi32>], vector<16xf32>,
        %gather3A_88 = tpu.vector_load_idx %arg8[%add3A_60, %add3A_83] : memref<256x128xf32, #tpu.memory_space<vmem>>[vector<16xi32>, vector<16xi32>], vector<16xf32>,
        %mul3A_89 = arith.mulf %gather3A_85, %gather3A_87 : vector<16xf32>
        %mul3A_90 = arith.mulf %gather3A_86, %gather3A_88 : vector<16xf32>
        %add3A_91 = arith.addf %mul3A_89, %mul3A_90 : vector<16xf32>
        %mul3A_92 = arith.mulf %gather3A, %add3A_91 : vector<16xf32>
        %mul3A_93 = arith.mulf %gather3A_85, %gather3A_88 : vector<16xf32>
        %mul3A_94 = arith.mulf %gather3A_86, %gather3A_87 : vector<16xf32>
        %sub3A = arith.subf %mul3A_93, %mul3A_94 : vector<16xf32>
        %mul3A_95 = arith.mulf %gather3A_84, %sub3A : vector<16xf32>
        %add3A_96 = arith.addf %mul3A_92, %mul3A_95 : vector<16xf32>
        %add3A_97 = arith.addf %scan3A_79, %add3A_96 : vector<16xf32>
        %scan3A_98 = arith.constant 1 : i32
        %scan3A_99 = arith.addi %scan3A_78, %scan3A_98 : i32
        %broadcast_in_dim3A_100 = vector.broadcast %scan3A_99 : i32 to vector<16xi32>
        %add3A_101 = arith.constant 32 : i32
        %add3A_102 = vector.broadcast %add3A_101 : i32 to vector<16xi32>
        %add3A_103 = arith.addi %broadcast_in_dim3A_100, %add3A_102 : vector<16xi32>
        %gather3A_104 = tpu.vector_load_idx %arg7[%add3A_60, %broadcast_in_dim3A_100] : memref<256x128xf32, #tpu.memory_space<vmem>>[vector<16xi32>, vector<16xi32>], vector<16xf32>,
        %gather3A_105 = tpu.vector_load_idx %arg7[%add3A_60, %add3A_103] : memref<256x128xf32, #tpu.memory_space<vmem>>[vector<16xi32>, vector<16xi32>], vector<16xf32>,
        %gather3A_106 = tpu.vector_load_idx %arg9[%get3A_65, %broadcast_in_dim3A_100] : memref<230x64xf32, #tpu.memory_space<vmem>>[vector<16xi32>, vector<16xi32>], vector<16xf32>,
        %gather3A_107 = tpu.vector_load_idx %arg9[%get3A_65, %add3A_103] : memref<230x64xf32, #tpu.memory_space<vmem>>[vector<16xi32>, vector<16xi32>], vector<16xf32>,
        %gather3A_108 = tpu.vector_load_idx %arg8[%add3A_60, %broadcast_in_dim3A_100] : memref<256x128xf32, #tpu.memory_space<vmem>>[vector<16xi32>, vector<16xi32>], vector<16xf32>,
        %gather3A_109 = tpu.vector_load_idx %arg8[%add3A_60, %add3A_103] : memref<256x128xf32, #tpu.memory_space<vmem>>[vector<16xi32>, vector<16xi32>], vector<16xf32>,
        %mul3A_110 = arith.mulf %gather3A_106, %gather3A_108 : vector<16xf32>
        %mul3A_111 = arith.mulf %gather3A_107, %gather3A_109 : vector<16xf32>
        %add3A_112 = arith.addf %mul3A_110, %mul3A_111 : vector<16xf32>
        %mul3A_113 = arith.mulf %gather3A_104, %add3A_112 : vector<16xf32>
        %mul3A_114 = arith.mulf %gather3A_106, %gather3A_109 : vector<16xf32>
        %mul3A_115 = arith.mulf %gather3A_107, %gather3A_108 : vector<16xf32>
        %sub3A_116 = arith.subf %mul3A_114, %mul3A_115 : vector<16xf32>
        %mul3A_117 = arith.mulf %gather3A_105, %sub3A_116 : vector<16xf32>
        %add3A_118 = arith.addf %mul3A_113, %mul3A_117 : vector<16xf32>
        %add3A_119 = arith.addf %add3A_97, %add3A_118 : vector<16xf32>
        %scan3A_120 = arith.constant 2 : i32
        %scan3A_121 = arith.addi %scan3A_78, %scan3A_120 : i32
        %broadcast_in_dim3A_122 = vector.broadcast %scan3A_121 : i32 to vector<16xi32>
        %add3A_123 = arith.constant 32 : i32
        %add3A_124 = vector.broadcast %add3A_123 : i32 to vector<16xi32>
        %add3A_125 = arith.addi %broadcast_in_dim3A_122, %add3A_124 : vector<16xi32>
        %gather3A_126 = tpu.vector_load_idx %arg7[%add3A_60, %broadcast_in_dim3A_122] : memref<256x128xf32, #tpu.memory_space<vmem>>[vector<16xi32>, vector<16xi32>], vector<16xf32>,
        %gather3A_127 = tpu.vector_load_idx %arg7[%add3A_60, %add3A_125] : memref<256x128xf32, #tpu.memory_space<vmem>>[vector<16xi32>, vector<16xi32>], vector<16xf32>,
        %gather3A_128 = tpu.vector_load_idx %arg9[%get3A_65, %broadcast_in_dim3A_122] : memref<230x64xf32, #tpu.memory_space<vmem>>[vector<16xi32>, vector<16xi32>], vector<16xf32>,
        %gather3A_129 = tpu.vector_load_idx %arg9[%get3A_65, %add3A_125] : memref<230x64xf32, #tpu.memory_space<vmem>>[vector<16xi32>, vector<16xi32>], vector<16xf32>,
        %gather3A_130 = tpu.vector_load_idx %arg8[%add3A_60, %broadcast_in_dim3A_122] : memref<256x128xf32, #tpu.memory_space<vmem>>[vector<16xi32>, vector<16xi32>], vector<16xf32>,
        %gather3A_131 = tpu.vector_load_idx %arg8[%add3A_60, %add3A_125] : memref<256x128xf32, #tpu.memory_space<vmem>>[vector<16xi32>, vector<16xi32>], vector<16xf32>,
        %mul3A_132 = arith.mulf %gather3A_128, %gather3A_130 : vector<16xf32>
        %mul3A_133 = arith.mulf %gather3A_129, %gather3A_131 : vector<16xf32>
        %add3A_134 = arith.addf %mul3A_132, %mul3A_133 : vector<16xf32>
        %mul3A_135 = arith.mulf %gather3A_126, %add3A_134 : vector<16xf32>
        %mul3A_136 = arith.mulf %gather3A_128, %gather3A_131 : vector<16xf32>
        %mul3A_137 = arith.mulf %gather3A_129, %gather3A_130 : vector<16xf32>
        %sub3A_138 = arith.subf %mul3A_136, %mul3A_137 : vector<16xf32>
        %mul3A_139 = arith.mulf %gather3A_127, %sub3A_138 : vector<16xf32>
        %add3A_140 = arith.addf %mul3A_135, %mul3A_139 : vector<16xf32>
        %add3A_141 = arith.addf %add3A_119, %add3A_140 : vector<16xf32>
        %scan3A_142 = arith.constant 3 : i32
        %scan3A_143 = arith.addi %scan3A_78, %scan3A_142 : i32
        %broadcast_in_dim3A_144 = vector.broadcast %scan3A_143 : i32 to vector<16xi32>
        %add3A_145 = arith.constant 32 : i32
        %add3A_146 = vector.broadcast %add3A_145 : i32 to vector<16xi32>
        %add3A_147 = arith.addi %broadcast_in_dim3A_144, %add3A_146 : vector<16xi32>
        %gather3A_148 = tpu.vector_load_idx %arg7[%add3A_60, %broadcast_in_dim3A_144] : memref<256x128xf32, #tpu.memory_space<vmem>>[vector<16xi32>, vector<16xi32>], vector<16xf32>,
        %gather3A_149 = tpu.vector_load_idx %arg7[%add3A_60, %add3A_147] : memref<256x128xf32, #tpu.memory_space<vmem>>[vector<16xi32>, vector<16xi32>], vector<16xf32>,
        %gather3A_150 = tpu.vector_load_idx %arg9[%get3A_65, %broadcast_in_dim3A_144] : memref<230x64xf32, #tpu.memory_space<vmem>>[vector<16xi32>, vector<16xi32>], vector<16xf32>,
        %gather3A_151 = tpu.vector_load_idx %arg9[%get3A_65, %add3A_147] : memref<230x64xf32, #tpu.memory_space<vmem>>[vector<16xi32>, vector<16xi32>], vector<16xf32>,
        %gather3A_152 = tpu.vector_load_idx %arg8[%add3A_60, %broadcast_in_dim3A_144] : memref<256x128xf32, #tpu.memory_space<vmem>>[vector<16xi32>, vector<16xi32>], vector<16xf32>,
        %gather3A_153 = tpu.vector_load_idx %arg8[%add3A_60, %add3A_147] : memref<256x128xf32, #tpu.memory_space<vmem>>[vector<16xi32>, vector<16xi32>], vector<16xf32>,
        %mul3A_154 = arith.mulf %gather3A_150, %gather3A_152 : vector<16xf32>
        %mul3A_155 = arith.mulf %gather3A_151, %gather3A_153 : vector<16xf32>
        %add3A_156 = arith.addf %mul3A_154, %mul3A_155 : vector<16xf32>
        %mul3A_157 = arith.mulf %gather3A_148, %add3A_156 : vector<16xf32>
        %mul3A_158 = arith.mulf %gather3A_150, %gather3A_153 : vector<16xf32>
        %mul3A_159 = arith.mulf %gather3A_151, %gather3A_152 : vector<16xf32>
        %sub3A_160 = arith.subf %mul3A_158, %mul3A_159 : vector<16xf32>
        %mul3A_161 = arith.mulf %gather3A_149, %sub3A_160 : vector<16xf32>
        %add3A_162 = arith.addf %mul3A_157, %mul3A_161 : vector<16xf32>
        %add3A_163 = arith.addf %add3A_141, %add3A_162 : vector<16xf32>
        scf.yield %add3A_163 : vector<16xf32>
      }
      %scan3A_72 = arith.constant 32 : i32
      %mul3A_73 = arith.constant 16 : i32
      %mul3A_74 = arith.muli %scan3A_56, %mul3A_73 : i32
      %add3A_75 = arith.constant 0 : i32
      %add3A_76 = arith.addi %add3A_75, %mul3A_74 : i32
      %swap3A = arith.index_cast %add3A_76 : i32 to index
      %swap3A_77 = tpu.vector_load %arg10[%swap3A] {strides = array<i32>} : memref<512xf32, #tpu.memory_space<vmem>>, vector<16xf32>,
      tpu.vector_store %arg10[%swap3A], %scan3A_71 {strides = array<i32>} : memref<512xf32, #tpu.memory_space<vmem>>, vector<16xf32>,
    }
    %scan3A_27 = arith.constant 16 : i32
    %add3A_28 = arith.constant 256 : i32
    %add3A_29 = arith.addi %mul3A_2, %add3A_28 : i32
    %dma_start3A_30 = arith.constant 0 : i32
    %dma_start3A_31 = tpu.memref_slice %arg2[%add3A_29, %dma_start3A_30] : memref<32832x128xf32, #tpu.memory_space<hbm>> -> memref<256x128xf32, #tpu.memory_space<hbm>>
    %dma_start3A_32 = arith.constant 0 : i32
    %dma_start3A_33 = tpu.memref_slice %arg2[%add3A_29, %dma_start3A_32] : memref<32832x128xf32, #tpu.memory_space<hbm>> -> memref<256x128xf32, #tpu.memory_space<hbm>>
    tpu.enqueue_dma source(%dma_start3A_33 : memref<256x128xf32, #tpu.memory_space<hbm>>) target(%arg7 : memref<256x128xf32, #tpu.memory_space<vmem>>) target_semaphore(%arg11 : memref<!tpu.dma_semaphore, #tpu.memory_space<semaphore_mem>>)
    %add3A_34 = arith.constant 16384 : i32
    %add3A_35 = arith.addi %add3A_34, %mul3A_2 : i32
    %add3A_36 = arith.constant 256 : i32
    %add3A_37 = arith.addi %add3A_35, %add3A_36 : i32
    %dma_start3A_38 = arith.constant 0 : i32
    %dma_start3A_39 = tpu.memref_slice %arg2[%add3A_37, %dma_start3A_38] : memref<32832x128xf32, #tpu.memory_space<hbm>> -> memref<256x128xf32, #tpu.memory_space<hbm>>
    %dma_start3A_40 = arith.constant 0 : i32
    %dma_start3A_41 = tpu.memref_slice %arg2[%add3A_37, %dma_start3A_40] : memref<32832x128xf32, #tpu.memory_space<hbm>> -> memref<256x128xf32, #tpu.memory_space<hbm>>
    tpu.enqueue_dma source(%dma_start3A_41 : memref<256x128xf32, #tpu.memory_space<hbm>>) target(%arg8 : memref<256x128xf32, #tpu.memory_space<vmem>>) target_semaphore(%arg11 : memref<!tpu.dma_semaphore, #tpu.memory_space<semaphore_mem>>)
    %dma_wait3A_42 = arith.constant 0 : i32
    %dma_wait3A_43 = tpu.memref_slice %arg2[%add3A_29, %dma_wait3A_42] : memref<32832x128xf32, #tpu.memory_space<hbm>> -> memref<256x128xf32, #tpu.memory_space<hbm>>
    %dma_wait3A_44 = arith.constant 0 : i32
    %dma_wait3A_45 = tpu.memref_slice %arg2[%add3A_29, %dma_wait3A_44] : memref<32832x128xf32, #tpu.memory_space<hbm>> -> memref<256x128xf32, #tpu.memory_space<hbm>>
    tpu.wait_dma2 semaphore(%arg11 : memref<!tpu.dma_semaphore, #tpu.memory_space<semaphore_mem>>) src(%dma_wait3A_45 : memref<256x128xf32, #tpu.memory_space<hbm>>) dst(%arg7 : memref<256x128xf32, #tpu.memory_space<vmem>>)
    %dma_wait3A_46 = arith.constant 0 : i32
    %dma_wait3A_47 = tpu.memref_slice %arg2[%add3A_37, %dma_wait3A_46] : memref<32832x128xf32, #tpu.memory_space<hbm>> -> memref<256x128xf32, #tpu.memory_space<hbm>>
    %dma_wait3A_48 = arith.constant 0 : i32
    %dma_wait3A_49 = tpu.memref_slice %arg2[%add3A_37, %dma_wait3A_48] : memref<32832x128xf32, #tpu.memory_space<hbm>> -> memref<256x128xf32, #tpu.memory_space<hbm>>
    tpu.wait_dma2 semaphore(%arg11 : memref<!tpu.dma_semaphore, #tpu.memory_space<semaphore_mem>>) src(%dma_wait3A_49 : memref<256x128xf32, #tpu.memory_space<hbm>>) dst(%arg8 : memref<256x128xf32, #tpu.memory_space<vmem>>)
    %scan3A_50 = arith.constant 0 : i32
    %scan3A_51 = arith.constant 0 : i32
    %scan3A_52 = arith.constant 16 : i32
    %scan3A_53 = arith.addi %scan3A_51, %scan3A_52 : i32
    %scan3A_54 = arith.constant 1 : i32
    scf.for %scan3A_56 = %scan3A_51 to %scan3A_53 step %scan3A_54  : i32 {
      %mul3A_57 = arith.constant 16 : i32
      %mul3A_58 = arith.muli %scan3A_56, %mul3A_57 : i32
      %add3A_59 = vector.broadcast %mul3A_58 : i32 to vector<16xi32>
      %add3A_60 = arith.addi %add3A_59, %iota3A : vector<16xi32>
      %mul3A_61 = arith.constant 16 : i32
      %mul3A_62 = arith.muli %scan3A_56, %mul3A_61 : i32
      %add3A_63 = arith.constant 256 : i32
      %add3A_64 = arith.addi %add3A_63, %mul3A_62 : i32
      %get3A = arith.index_cast %add3A_64 : i32 to index
      %get3A_65 = tpu.vector_load %arg6[%get3A] {strides = array<i32>} : memref<512xi32, #tpu.memory_space<vmem>>, vector<16xi32>,
      %broadcast_in_dim3A = arith.constant 0.000000e+00 : f32
      %broadcast_in_dim3A_66 = vector.broadcast %broadcast_in_dim3A : f32 to vector<16xf32>
      %scan3A_67 = arith.constant 0 : i32
      %scan3A_68 = arith.constant 32 : i32
      %scan3A_69 = arith.addi %scan3A_67, %scan3A_68 : i32
      %scan3A_70 = arith.constant 4 : i32
      %scan3A_71 = scf.for %scan3A_78 = %scan3A_67 to %scan3A_69 step %scan3A_70 iter_args(%scan3A_79 = %broadcast_in_dim3A_66) -> (vector<16xf32>)  : i32 {
        %broadcast_in_dim3A_80 = vector.broadcast %scan3A_78 : i32 to vector<16xi32>
        %add3A_81 = arith.constant 32 : i32
        %add3A_82 = vector.broadcast %add3A_81 : i32 to vector<16xi32>
        %add3A_83 = arith.addi %broadcast_in_dim3A_80, %add3A_82 : vector<16xi32>
        %gather3A = tpu.vector_load_idx %arg7[%add3A_60, %broadcast_in_dim3A_80] : memref<256x128xf32, #tpu.memory_space<vmem>>[vector<16xi32>, vector<16xi32>], vector<16xf32>,
        %gather3A_84 = tpu.vector_load_idx %arg7[%add3A_60, %add3A_83] : memref<256x128xf32, #tpu.memory_space<vmem>>[vector<16xi32>, vector<16xi32>], vector<16xf32>,
        %gather3A_85 = tpu.vector_load_idx %arg9[%get3A_65, %broadcast_in_dim3A_80] : memref<230x64xf32, #tpu.memory_space<vmem>>[vector<16xi32>, vector<16xi32>], vector<16xf32>,
        %gather3A_86 = tpu.vector_load_idx %arg9[%get3A_65, %add3A_83] : memref<230x64xf32, #tpu.memory_space<vmem>>[vector<16xi32>, vector<16xi32>], vector<16xf32>,
        %gather3A_87 = tpu.vector_load_idx %arg8[%add3A_60, %broadcast_in_dim3A_80] : memref<256x128xf32, #tpu.memory_space<vmem>>[vector<16xi32>, vector<16xi32>], vector<16xf32>,
        %gather3A_88 = tpu.vector_load_idx %arg8[%add3A_60, %add3A_83] : memref<256x128xf32, #tpu.memory_space<vmem>>[vector<16xi32>, vector<16xi32>], vector<16xf32>,
        %mul3A_89 = arith.mulf %gather3A_85, %gather3A_87 : vector<16xf32>
        %mul3A_90 = arith.mulf %gather3A_86, %gather3A_88 : vector<16xf32>
        %add3A_91 = arith.addf %mul3A_89, %mul3A_90 : vector<16xf32>
        %mul3A_92 = arith.mulf %gather3A, %add3A_91 : vector<16xf32>
        %mul3A_93 = arith.mulf %gather3A_85, %gather3A_88 : vector<16xf32>
        %mul3A_94 = arith.mulf %gather3A_86, %gather3A_87 : vector<16xf32>
        %sub3A = arith.subf %mul3A_93, %mul3A_94 : vector<16xf32>
        %mul3A_95 = arith.mulf %gather3A_84, %sub3A : vector<16xf32>
        %add3A_96 = arith.addf %mul3A_92, %mul3A_95 : vector<16xf32>
        %add3A_97 = arith.addf %scan3A_79, %add3A_96 : vector<16xf32>
        %scan3A_98 = arith.constant 1 : i32
        %scan3A_99 = arith.addi %scan3A_78, %scan3A_98 : i32
        %broadcast_in_dim3A_100 = vector.broadcast %scan3A_99 : i32 to vector<16xi32>
        %add3A_101 = arith.constant 32 : i32
        %add3A_102 = vector.broadcast %add3A_101 : i32 to vector<16xi32>
        %add3A_103 = arith.addi %broadcast_in_dim3A_100, %add3A_102 : vector<16xi32>
        %gather3A_104 = tpu.vector_load_idx %arg7[%add3A_60, %broadcast_in_dim3A_100] : memref<256x128xf32, #tpu.memory_space<vmem>>[vector<16xi32>, vector<16xi32>], vector<16xf32>,
        %gather3A_105 = tpu.vector_load_idx %arg7[%add3A_60, %add3A_103] : memref<256x128xf32, #tpu.memory_space<vmem>>[vector<16xi32>, vector<16xi32>], vector<16xf32>,
        %gather3A_106 = tpu.vector_load_idx %arg9[%get3A_65, %broadcast_in_dim3A_100] : memref<230x64xf32, #tpu.memory_space<vmem>>[vector<16xi32>, vector<16xi32>], vector<16xf32>,
        %gather3A_107 = tpu.vector_load_idx %arg9[%get3A_65, %add3A_103] : memref<230x64xf32, #tpu.memory_space<vmem>>[vector<16xi32>, vector<16xi32>], vector<16xf32>,
        %gather3A_108 = tpu.vector_load_idx %arg8[%add3A_60, %broadcast_in_dim3A_100] : memref<256x128xf32, #tpu.memory_space<vmem>>[vector<16xi32>, vector<16xi32>], vector<16xf32>,
        %gather3A_109 = tpu.vector_load_idx %arg8[%add3A_60, %add3A_103] : memref<256x128xf32, #tpu.memory_space<vmem>>[vector<16xi32>, vector<16xi32>], vector<16xf32>,
        %mul3A_110 = arith.mulf %gather3A_106, %gather3A_108 : vector<16xf32>
        %mul3A_111 = arith.mulf %gather3A_107, %gather3A_109 : vector<16xf32>
        %add3A_112 = arith.addf %mul3A_110, %mul3A_111 : vector<16xf32>
        %mul3A_113 = arith.mulf %gather3A_104, %add3A_112 : vector<16xf32>
        %mul3A_114 = arith.mulf %gather3A_106, %gather3A_109 : vector<16xf32>
        %mul3A_115 = arith.mulf %gather3A_107, %gather3A_108 : vector<16xf32>
        %sub3A_116 = arith.subf %mul3A_114, %mul3A_115 : vector<16xf32>
        %mul3A_117 = arith.mulf %gather3A_105, %sub3A_116 : vector<16xf32>
        %add3A_118 = arith.addf %mul3A_113, %mul3A_117 : vector<16xf32>
        %add3A_119 = arith.addf %add3A_97, %add3A_118 : vector<16xf32>
        %scan3A_120 = arith.constant 2 : i32
        %scan3A_121 = arith.addi %scan3A_78, %scan3A_120 : i32
        %broadcast_in_dim3A_122 = vector.broadcast %scan3A_121 : i32 to vector<16xi32>
        %add3A_123 = arith.constant 32 : i32
        %add3A_124 = vector.broadcast %add3A_123 : i32 to vector<16xi32>
        %add3A_125 = arith.addi %broadcast_in_dim3A_122, %add3A_124 : vector<16xi32>
        %gather3A_126 = tpu.vector_load_idx %arg7[%add3A_60, %broadcast_in_dim3A_122] : memref<256x128xf32, #tpu.memory_space<vmem>>[vector<16xi32>, vector<16xi32>], vector<16xf32>,
        %gather3A_127 = tpu.vector_load_idx %arg7[%add3A_60, %add3A_125] : memref<256x128xf32, #tpu.memory_space<vmem>>[vector<16xi32>, vector<16xi32>], vector<16xf32>,
        %gather3A_128 = tpu.vector_load_idx %arg9[%get3A_65, %broadcast_in_dim3A_122] : memref<230x64xf32, #tpu.memory_space<vmem>>[vector<16xi32>, vector<16xi32>], vector<16xf32>,
        %gather3A_129 = tpu.vector_load_idx %arg9[%get3A_65, %add3A_125] : memref<230x64xf32, #tpu.memory_space<vmem>>[vector<16xi32>, vector<16xi32>], vector<16xf32>,
        %gather3A_130 = tpu.vector_load_idx %arg8[%add3A_60, %broadcast_in_dim3A_122] : memref<256x128xf32, #tpu.memory_space<vmem>>[vector<16xi32>, vector<16xi32>], vector<16xf32>,
        %gather3A_131 = tpu.vector_load_idx %arg8[%add3A_60, %add3A_125] : memref<256x128xf32, #tpu.memory_space<vmem>>[vector<16xi32>, vector<16xi32>], vector<16xf32>,
        %mul3A_132 = arith.mulf %gather3A_128, %gather3A_130 : vector<16xf32>
        %mul3A_133 = arith.mulf %gather3A_129, %gather3A_131 : vector<16xf32>
        %add3A_134 = arith.addf %mul3A_132, %mul3A_133 : vector<16xf32>
        %mul3A_135 = arith.mulf %gather3A_126, %add3A_134 : vector<16xf32>
        %mul3A_136 = arith.mulf %gather3A_128, %gather3A_131 : vector<16xf32>
        %mul3A_137 = arith.mulf %gather3A_129, %gather3A_130 : vector<16xf32>
        %sub3A_138 = arith.subf %mul3A_136, %mul3A_137 : vector<16xf32>
        %mul3A_139 = arith.mulf %gather3A_127, %sub3A_138 : vector<16xf32>
        %add3A_140 = arith.addf %mul3A_135, %mul3A_139 : vector<16xf32>
        %add3A_141 = arith.addf %add3A_119, %add3A_140 : vector<16xf32>
        %scan3A_142 = arith.constant 3 : i32
        %scan3A_143 = arith.addi %scan3A_78, %scan3A_142 : i32
        %broadcast_in_dim3A_144 = vector.broadcast %scan3A_143 : i32 to vector<16xi32>
        %add3A_145 = arith.constant 32 : i32
        %add3A_146 = vector.broadcast %add3A_145 : i32 to vector<16xi32>
        %add3A_147 = arith.addi %broadcast_in_dim3A_144, %add3A_146 : vector<16xi32>
        %gather3A_148 = tpu.vector_load_idx %arg7[%add3A_60, %broadcast_in_dim3A_144] : memref<256x128xf32, #tpu.memory_space<vmem>>[vector<16xi32>, vector<16xi32>], vector<16xf32>,
        %gather3A_149 = tpu.vector_load_idx %arg7[%add3A_60, %add3A_147] : memref<256x128xf32, #tpu.memory_space<vmem>>[vector<16xi32>, vector<16xi32>], vector<16xf32>,
        %gather3A_150 = tpu.vector_load_idx %arg9[%get3A_65, %broadcast_in_dim3A_144] : memref<230x64xf32, #tpu.memory_space<vmem>>[vector<16xi32>, vector<16xi32>], vector<16xf32>,
        %gather3A_151 = tpu.vector_load_idx %arg9[%get3A_65, %add3A_147] : memref<230x64xf32, #tpu.memory_space<vmem>>[vector<16xi32>, vector<16xi32>], vector<16xf32>,
        %gather3A_152 = tpu.vector_load_idx %arg8[%add3A_60, %broadcast_in_dim3A_144] : memref<256x128xf32, #tpu.memory_space<vmem>>[vector<16xi32>, vector<16xi32>], vector<16xf32>,
        %gather3A_153 = tpu.vector_load_idx %arg8[%add3A_60, %add3A_147] : memref<256x128xf32, #tpu.memory_space<vmem>>[vector<16xi32>, vector<16xi32>], vector<16xf32>,
        %mul3A_154 = arith.mulf %gather3A_150, %gather3A_152 : vector<16xf32>
        %mul3A_155 = arith.mulf %gather3A_151, %gather3A_153 : vector<16xf32>
        %add3A_156 = arith.addf %mul3A_154, %mul3A_155 : vector<16xf32>
        %mul3A_157 = arith.mulf %gather3A_148, %add3A_156 : vector<16xf32>
        %mul3A_158 = arith.mulf %gather3A_150, %gather3A_153 : vector<16xf32>
        %mul3A_159 = arith.mulf %gather3A_151, %gather3A_152 : vector<16xf32>
        %sub3A_160 = arith.subf %mul3A_158, %mul3A_159 : vector<16xf32>
        %mul3A_161 = arith.mulf %gather3A_149, %sub3A_160 : vector<16xf32>
        %add3A_162 = arith.addf %mul3A_157, %mul3A_161 : vector<16xf32>
        %add3A_163 = arith.addf %add3A_141, %add3A_162 : vector<16xf32>
        scf.yield %add3A_163 : vector<16xf32>
      }
      %scan3A_72 = arith.constant 32 : i32
      %mul3A_73 = arith.constant 16 : i32
      %mul3A_74 = arith.muli %scan3A_56, %mul3A_73 : i32
      %add3A_75 = arith.constant 256 : i32
      %add3A_76 = arith.addi %add3A_75, %mul3A_74 : i32
      %swap3A = arith.index_cast %add3A_76 : i32 to index
      %swap3A_77 = tpu.vector_load %arg10[%swap3A] {strides = array<i32>} : memref<512xf32, #tpu.memory_space<vmem>>, vector<16xf32>,
      tpu.vector_store %arg10[%swap3A], %scan3A_71 {strides = array<i32>} : memref<512xf32, #tpu.memory_space<vmem>>, vector<16xf32>,
    }
    %scan3A_55 = arith.constant 16 : i32
    "tpu.region"() ({
      %run_scoped3A = tpu.sem_alloc : memref<!tpu.dma_semaphore, #tpu.memory_space<semaphore_mem>>
      %dma_start3A_56 = tpu.memref_slice %arg5[%mul3A_2] : memref<16384xf32, #tpu.memory_space<hbm>> -> memref<512xf32, #tpu.memory_space<hbm>>
      %dma_start3A_57 = tpu.memref_slice %arg5[%mul3A_2] : memref<16384xf32, #tpu.memory_space<hbm>> -> memref<512xf32, #tpu.memory_space<hbm>>
      tpu.enqueue_dma source(%arg10 : memref<512xf32, #tpu.memory_space<vmem>>) target(%dma_start3A_57 : memref<512xf32, #tpu.memory_space<hbm>>) target_semaphore(%run_scoped3A : memref<!tpu.dma_semaphore, #tpu.memory_space<semaphore_mem>>)
      %dma_wait3A_58 = tpu.memref_slice %arg5[%mul3A_2] : memref<16384xf32, #tpu.memory_space<hbm>> -> memref<512xf32, #tpu.memory_space<hbm>>
      %dma_wait3A_59 = tpu.memref_slice %arg5[%mul3A_2] : memref<16384xf32, #tpu.memory_space<hbm>> -> memref<512xf32, #tpu.memory_space<hbm>>
      tpu.wait_dma2 semaphore(%run_scoped3A : memref<!tpu.dma_semaphore, #tpu.memory_space<semaphore_mem>>) src(%arg10 : memref<512xf32, #tpu.memory_space<vmem>>) dst(%dma_wait3A_59 : memref<512xf32, #tpu.memory_space<hbm>>)
      tpu.yield
    }) : () -> ()
    return
  }
}

</mosaic_0001>

<sc_bundles>
// kernel: kernel.4.cloned.1.call-start
scs
__scs_entry_jumppad:
0x0: {  	(pc) =	sbr.rel $0x88, $3  }
0x1: {  	(tag) =	ssettag $0x0;
	lr =	simm.s32 $0x1  }
0x2: {  	[smem:$0x3F9C] =	sst lr;
	_ =	strace $0xD0000000  }
0x3: {  	_ = 	snop  }
0x4: {  	_ = 	snop  }
0x5: {  	_ = 	snop  }
0x6: {  	_ = 	snop  }
0x7: {  	_ = 	snop  }
__scs_overlays_trampoline_lowered:
0x8: {  	[smem:$0x3FAB] =	sst s0  }
0x9: {  	[smem:$0x3FAC] =	sst s1  }
0xa: {  	[smem:$0x3FAD] =	sst s2  }
0xb: {  	[smem:$0x3FAE] =	sst s3  }
0xc: {  	[smem:$0x3FAF] =	sst s4  }
0xd: {  	[smem:$0x3FB0] =	sst s5  }
0xe: {  	[smem:$0x3FB1] =	sst s6  }
0xf: {  	[smem:$0x3FB2] =	sst s7  }
0x10: {  	[smem:$0x3FB3] =	sst s8  }
0x11: {  	[smem:$0x3FB4] =	sst s9;
	s0 =	simm.s32 @!p0 $0x0  }
0x12: {  	s1 =	sld [smem:$0x3F9A];
	s0 =	simm.s32 @p0 $0x1  }
0x13: {  	[smem:$0x3FB5] =	sst s0;
	s0 =	simm.s32 @!p1 $0x0  }
0x14: {  	s2 =	sld [smem:$0x3F99];
	s0 =	simm.s32 @p1 $0x1  }
0x15: {  	[smem:$0x3FB6] =	sst s0;
	s0 =	simm.s32 @!p2 $0x0  }
0x16: {  	s3 =	sld [smem:$0x3FDB];
	s0 =	simm.s32 @p2 $0x1  }
0x17: {  	s4 =	simm.s32 $0x1BF5;
	[smem:$0x3FB8] =	sst s0  }
0x18: {  	s0 =	sld [smem:$0x3F9B];
	_ =	swait.ge [sflag:s4], $0x0  }
0x19: {  	s7 =	sld [smem:$0x3F9C]  }
0x1a: {  	s8 =	sadd.s32 $0xFFFFE003, lr  }
0x1b: {  	s9 =	sadd.s32 $0xFFFFFEF7, lr;
	s5 =	simm.s32 $0xFFFFFFFF;
	p2 =	slt.u32 s8, $0xFFFFF086  }
0x1c: {  	p1 =	slt.u32 s9, $0xF7A;
	s5 =	simm.s32 @!p2 $0x0  }
0x1d: {  	s5 =	simm.s32 @p1 $0x1;
	p0 =	seq.s32 s7, s2  }
0x1e: {  	s7 =	smul.u32 @!p0 $0xF7A, s2;
	p2 =	seq.s32 @!p0 s5, $0x0  }
0x1f: {  	s9 =	smul.u32 $0xF7A, s1;
	s8 =	simm.s32 @!p0 $0x1BF5;
	p2 =	por !p2, p0  }
0x20: {  	[sflag:s8] =	ssyncset.s32 @!p0 $0xFFFFF086;
	s6 =	sadd.s32 @!p0 s3, s7;
	s7 =	simm.s32 @!p0 $0x108  }
0x21: {  	s3 =	sadd.s32 s3, s9;
	s6 =	sadd.s32 @!p0 $0x88, s6;
	s7 =	simm.s32 @p2 $0x1082  }
0x22: {  	[simem:s7], [sflag:s8] =	dma.local @!p0 [hbm:s6], $0xF7A  }
0x23: {  	s9 =	sor.u32 $0xD0000000, s2;
	s6 =	simm.s32 $0x108;
	_ =	swait.ge @!p0 [sflag:s8], $0x0  }
0x24: {  	s3 =	sadd.s32 $0x88, s3;
	s6 =	simm.s32 @!p1 $0x1082;
	[sflag:s4] =	ssyncset.s32 $0xFFFFF086  }
0x25: {  	[simem:s6], [sflag:s4] =	dma.local [hbm:s3], $0xF7A  }
0x26: {  	[smem:$0x3F9C] =	sst s1;
	(tag) =	ssettag s2;
	_ =	strace s9  }
0x27: {  	s1 =	sld [smem:$0x3FAC]  }
0x28: {  	s2 =	sld [smem:$0x3FAD]  }
0x29: {  	s4 =	sld [smem:$0x3FAF]  }
0x2a: {  	p0 =	seq.s32 s5, $0x0;
	s5 =	sld [smem:$0x3FB0]  }
0x2b: {  	s6 =	sld [smem:$0x3FB1]  }
0x2c: {  	s7 =	sld [smem:$0x3FB2]  }
0x2d: {  	s3 =	simm.s32 $0x108;
	s8 =	sld [smem:$0x3FB3]  }
0x2e: {  	s3 =	simm.s32 @!p0 $0x1082;
	s9 =	sld [smem:$0x3FB4]  }
0x2f: {  	lr =	sadd.s32 s0, s3;
	s0 =	sld [smem:$0x3FAB]  }
0x30: {  	s3 =	sld [smem:$0x3FAE]  }
0x31: {  	[smem:$0x3FB7] =	sst s10  }
0x32: {  	s10 =	sld [smem:$0x3FB5];
	_ =	sdelay $0x3  }
0x33: {  	p0 =	seq.s32 s10, $0x1;
	s10 =	sld [smem:$0x3FB7];
	_ =	sdelay $0x3  }
0x34: {  	[smem:$0x3FB7] =	sst s10  }
0x35: {  	s10 =	sld [smem:$0x3FB6];
	_ =	sdelay $0x3  }
0x36: {  	p1 =	seq.s32 s10, $0x1;
	s10 =	sld [smem:$0x3FB7];
	_ =	sdelay $0x3  }
0x37: {  	[smem:$0x3FB7] =	sst s10  }
0x38: {  	s10 =	sld [smem:$0x3FB8]  }
0x39: {  	_ = 	snop;
	(pc) =	sbr.ind lr, $3  }
0x3a: {  	_ = 	snop  }
0x3b: {  	_ = 	snop  }
0x3c: {  	p2 =	seq.s32 s10, $0x1;
	s10 =	sld [smem:$0x3FB7]  }
0x3d: {  	_ =	shalt  }
0x3e: {  	_ =	shalt  }
0x3f: {  	_ =	shalt  }
0x40: {  	_ =	shalt  }
0x41: {  	_ =	shalt  }
0x42: {  	_ =	shalt  }
0x43: {  	_ =	shalt  }
0x44: {  	_ =	shalt  }
0x45: {  	_ =	shalt  }
0x46: {  	_ =	shalt  }
0x47: {  	_ =	shalt  }
0x48: {  	_ =	shalt  }
0x49: {  	_ =	shalt  }
0x4a: {  	_ =	shalt  }
0x4b: {  	_ =	shalt  }
0x4c: {  	_ =	shalt  }
0x4d: {  	_ =	shalt  }
0x4e: {  	_ =	shalt  }
0x4f: {  	_ =	shalt  }
0x50: {  	_ =	shalt  }
0x51: {  	_ =	shalt  }
0x52: {  	_ =	shalt  }
0x53: {  	_ =	shalt  }
0x54: {  	_ =	shalt  }
0x55: {  	_ =	shalt  }
0x56: {  	_ =	shalt  }
0x57: {  	_ =	shalt  }
0x58: {  	_ =	shalt  }
0x59: {  	_ =	shalt  }
0x5a: {  	_ =	shalt  }
0x5b: {  	_ =	shalt  }
0x5c: {  	_ =	shalt  }
0x5d: {  	_ =	shalt  }
0x5e: {  	_ =	shalt  }
0x5f: {  	_ =	shalt  }
0x60: {  	_ =	shalt  }
0x61: {  	_ =	shalt  }
0x62: {  	_ =	shalt  }
0x63: {  	_ =	shalt  }
0x64: {  	_ =	shalt  }
0x65: {  	_ =	shalt  }
0x66: {  	_ =	shalt  }
0x67: {  	_ =	shalt  }
0x68: {  	_ =	shalt  }
0x69: {  	_ =	shalt  }
0x6a: {  	_ =	shalt  }
0x6b: {  	_ =	shalt  }
0x6c: {  	_ =	shalt  }
0x6d: {  	_ =	shalt  }
0x6e: {  	_ =	shalt  }
0x6f: {  	_ =	shalt  }
0x70: {  	_ =	shalt  }
0x71: {  	_ =	shalt  }
0x72: {  	_ =	shalt  }
0x73: {  	_ =	shalt  }
0x74: {  	_ =	shalt  }
0x75: {  	_ =	shalt  }
0x76: {  	_ =	shalt  }
0x77: {  	_ =	shalt  }
0x78: {  	_ =	shalt  }
0x79: {  	_ =	shalt  }
0x7a: {  	_ =	shalt  }
0x7b: {  	_ =	shalt  }
0x7c: {  	_ =	shalt  }
0x7d: {  	_ =	shalt  }
0x7e: {  	_ =	shalt  }
0x7f: {  	_ =	shalt  }
0x80: {  	_ =	shalt  }
0x81: {  	_ =	shalt  }
0x82: {  	_ =	shalt  }
0x83: {  	_ =	shalt  }
0x84: {  	_ =	shalt  }
0x85: {  	_ =	shalt  }
0x86: {  	_ =	shalt  }
0x87: {  	_ =	shalt  }
.Lfunc_end0:
.L_simem_size_0:
called_computation_lowered:
.L_overlay_start_0:
0x88: {  	s2 =	sld [smem:$0x3FD9]  }
0x89: {  	s3 =	sld [smem:$0x3FFE];
	_ =	sdelay $0x1  }
0x8a: {  	s1 =	srdreg.scid  }
0x8b: {  	s0 =	sand.u32 $0x1, s1  }
0x8c: {  	s17 =	sshll.u32 s0, $0xA;
	s2 =	sadd.s32 s3, s2  }
0x8d: {  	s2 =	sadd.s32 s2, s17  }
0x8e: {  	[smem:$0x3FC3] =	sst s2  }
0x8f: {  	_ = 	snop  }
0x90: {  	s2 =	sld [smem:$0x3FC9]  }
0x91: {  	s18 =	sld [smem:$0x3FC7]  }
0x92: {  	s4 =	sld [smem:$0x3FC6]  }
0x93: {  	s5 =	sld [smem:$0x3FD0];
	(tm) =	ssettm $0x1  }
0x94: {  	s6 =	sld [smem:$0x3FFB];
	_ =	sdelay $0x3  }
0x95: {  	_ =	strace s6  }
0x96: {  	s6 =	sld [smem:$0x3FFC];
	_ =	sdelay $0x3  }
0x97: {  	_ =	strace s6  }
0x98: {  	s6 =	sld [smem:$0x3FFD];
	_ =	sdelay $0x3  }
0x99: {  	_ =	strace s6  }
0x9a: {  	_ =	strace $0x8FFFFFFF  }
0x9b: {  	s19 =	sld [smem:$0x3FDB];
	_ =	sdelay $0x1  }
0x9c: {  	s7 =	simm.s32 $_scs_section_size  }
0x9d: {  	s8 =	simm.s32 $_size__tile_overlayer_lowered;
	s9 =	simm.s32 $_tile_overlayer_lowered  }
0x9e: {  	s22 =	simm.s32 $0x1BFF;
	s21 =	sshll.u32 s9, $0x1;
	s6 =	sadd.s32 s7, s19  }
0x9f: {  	s10 =	simm.s32 $0x0;
	s20 =	sshll.u32 s8, $0x1;
	s8 =	sadd.s32 s21, s6  }
0xa0: {  	[timem:s10], [sflag:s22] =	dma.local [hbm:s8], s20  }
0xa1: {  	_ =	swait.ge [sflag:s22], s20  }
0xa2: {  	s7 =	ssub.s32 $0x0, s20;
	[sflag:s22] =	ssyncset.done $0x0  }
0xa3: {  	[sflag:s22] =	ssyncadd.s32 s7;
	_ =	sdelay $0x1  }
0xa4: {  	s23 =	simm.s32 $0x1B8B  }
0xa5: {  	_ =	swait.ge [sflag:s23], $0x1  }
0xa6: {  	[sflag:s23] =	ssyncset.done $0x0  }
0xa7: {  	s25 =	simm.s32 $0x1B8E;
	s24 =	sld [smem:$0x3FFE];
	[sflag:s23] =	ssyncadd.s32 $0xFFFFFFFF  }
0xa8: {  	s26 =	simm.s32 $execute0_lowered;
	[smem:$0x3FD2] =	sst s25  }
0xa9: {  	s8 =	sshll.u32 s26, $0x1;
	_ =	strace $0x80000046;
	[dreg:$0x1] =	wrdreg $0xFFFFFFFF  }
0xaa: {  	s28 =	simm.s32 $_size_execute0_lowered;
	s6 =	sadd.s32 s6, s8;
	[dreg:$0x0] =	wrdreg $0x0  }
0xab: {  	s8 =	sshll.u32 s28, $0x1;
	[dreg:$0x2] =	wrdreg s6  }
0xac: {  	[dreg:$0x3] =	wrdreg s8  }
0xad: {  	[dreg:$0x4] =	wrdreg $0xC0  }
0xae: {  	_ =	task [dreg:s10], $0x5FFFF  }
0xaf: {  	[dreg:$0x1] =	wrdreg $0xFFFFFFFF  }
0xb0: {  	[dreg:$0x0] =	wrdreg $0x60  }
0xb1: {  	[dreg:$0x2] =	wrdreg s4  }
0xb2: {  	[dreg:$0x3] =	wrdreg s5  }
0xb3: {  	[dreg:$0x4] =	wrdreg s2  }
0xb4: {  	[dreg:$0x5] =	wrdreg s18  }
0xb5: {  	[dreg:$0x6] =	wrdreg s24  }
0xb6: {  	[dreg:$0x7] =	wrdreg $0x9  }
0xb7: {  	_ =	task.clear_ibuf [dreg:s10], $0x8FFFF;
	_ =	strace $0x90000046  }
0xb8: {  	s29 =	simm.s32 $0x9;
	_ =	strace $0x80000048  }
0xb9: {  	_ =	swait.ge [sflag:s29], $0x1  }
0xba: {  	[sflag:s29] =	ssyncadd.s32 $0xFFFFFFFF  }
0xbb: {  	_ =	strace $0x90000048  }
0xbc: {  	_ =	sfence  }
0xbd: {  	s30 =	sld [smem:$0x0];
	_ =	sdelay $0x2  }
0xbe: {  	s31 =	sshll.u32 s1, $0xD;
	s1 =	sshrl.u32 s1, $0x2  }
0xbf: {  	s3 =	sand.u32 $0x4000, s31;
	s1 =	sadd.s32 s1, s30  }
0xc0: {  	s0 =	sor.u32 s3, s0;
	s1 =	sshll.u32 s1, $0x11  }
0xc1: {  	s0 =	sor.u32 s1, s0  }
0xc2: {  	s0 =	sadd.s32 $0x8F2B, s0  }
0xc3: {  	[sflag:s0] =	ssyncadd.remote.s32 $0x1  }
0xc4: {  	_ =	sfence.sel $0xFFFF  }
0xc5: {  	[dreg:$0x0] =	wrdreg $0xFFFFFFFF;
	(pc) =	sbr.abs _section_cstart, $3  }
0xc6: {  	[dreg:$0x1] =	wrdreg $0xFFFFFFFF  }
0xc7: {  	_ =	task.clear_ibuf [dreg:s10], $0x2FFFF;
	_ =	strace $0x9FFFFFFF  }
0xc8: {  	(tm) =	ssettm $0x7FFFFFFF  }
0xc9: {  	_ =	shalt  }
tec
execute0_lowered:
.L_overlay_start_1:
0x0: {  	(tag) =	ssettag $0x1  }
0x1: {  	v0 =	vimm.s32 $0x1B80;
	vm13 =	vcmask $0x300;
	vm14 =	vcmask $0x704  }
0x2: {  	vm12 =	vcmask $0xB08;
	vm11 =	vcmask $0xF0C;
	vm10 =	vcmask $0x1310  }
0x3: {  	vm9 =	vcmask $0x1714;
	vm8 =	vcmask $0x1B18;
	vm7 =	vcmask $0x1F1C  }
0x4: {  	vm6 =	vcmask $0x2320;
	vm5 =	vcmask $0x2724;
	vm4 =	vcmask $0x2B28  }
0x5: {  	vm3 =	vcmask $0x2F2C;
	vm2 =	vcmask $0x3330;
	vm1 =	vcmask $0x3734  }
0x6: {  	vm0 =	vcmask $0x3B38;
	v9 =	vimm.s32 $0x4B80;
	v10 =	vimm.s32 $0x7B80  }
0x7: {  	v11 =	vimm.s32 $0xAB80;
	v0 =	vsel vm13, $0x0, v0;
	v9 =	vsel vm13, $0x3000, v9  }
0x8: {  	s0 =	srdreg.scid;
	s1 =	stileid.u32;
	v10 =	vsel vm13, $0x6000, v10;
	v11 =	vsel vm13, $0x9000, v11;
	v0 =	vsel vm14, $0x80, v0  }
0x9: {  	s0 =	sand.u32 $0x1, s0;
	s1 =	sshll.u32 s1, $0x1;
	v9 =	vsel vm14, $0x3080, v9;
	v10 =	vsel vm14, $0x6080, v10;
	v11 =	vsel vm14, $0x9080, v11  }
0xa: {  	s2 =	sor.u32 s0, s1;
	v0 =	vsel vm12, $0x100, v0;
	v9 =	vsel vm12, $0x3100, v9;
	v10 =	vsel vm12, $0x6100, v10  }
0xb: {  	s1 =	smul.u32 $0x7A00, s2;
	v11 =	vsel vm12, $0x9100, v11;
	v0 =	vsel vm11, $0x180, v0;
	v9 =	vsel vm11, $0x3180, v9  }
0xc: {  	v10 =	vsel vm11, $0x6180, v10;
	v11 =	vsel vm11, $0x9180, v11;
	v1 =	vsel vm10, $0x200, v0  }
0xd: {  	p0 =	seq.s32 s2, $0x1F;
	s2 =	sadd.s32 $0x7A00, s1;
	v0 =	vmov s1;
	v9 =	vsel vm10, $0x3200, v9;
	v10 =	vsel vm10, $0x6200, v10  }
0xe: {  	v11 =	vsel vm10, $0x9200, v11;
	s2 =	simm.s32 @p0 $0xF4240;
	v2 =	vsel vm9, $0x280, v1;
	v9 =	vsel vm9, $0x3280, v9  }
0xf: {  	v10 =	vsel vm9, $0x6280, v10;
	v11 =	vsel vm9, $0x9280, v11;
	v1 =	vmov s2  }
0x10: {  	v3 =	vsel vm8, $0x300, v2;
	v2 =	vimm.s32 $0xFFFFFFFF;
	v9 =	vsel vm8, $0x3300, v9  }
0x11: {  	v10 =	vsel vm8, $0x6300, v10;
	v11 =	vsel vm8, $0x9300, v11;
	v4 =	vsel vm7, $0x380, v3  }
0x12: {  	v3 =	vlaneseq.u32;
	v9 =	vsel vm7, $0x3380, v9;
	v10 =	vsel vm7, $0x6380, v10  }
0x13: {  	s3 =	rddreg [dreg:$0x4];
	v11 =	vsel vm7, $0x9380, v11;
	v5 =	vsel vm6, $0x1800, v4;
	v4 =	vor.u32 $0x8000, v3  }
0x14: {  	s4 =	simm.s32 $0x0;
	s15 =	simm.s32 $0x1800;
	s16 =	simm.s32 $0x7A1400;
	v9 =	vsel vm6, $0x4800, v9;
	v10 =	vsel vm6, $0x7800, v10;
	v11 =	vsel vm6, $0xA800, v11  }
0x15: {  	s17 =	simm.s32 $0x1500;
	s18 =	simm.s32 $0xD500;
	s19 =	simm.s32 $0x1D680;
	v14 =	vor.u32 $0x30, v3;
	v6 =	vsel vm5, $0x1880, v5;
	v5 =	vor.u32 $0x8010, v3  }
0x16: {  	s20 =	simm.s32 $0x5;
	s21 =	simm.s32 $0x1;
	s22 =	simm.s32 $0x1D600;
	v9 =	vsel vm5, $0x4880, v9;
	v10 =	vsel vm5, $0x7880, v10;
	v11 =	vsel vm5, $0xA880, v11  }
0x17: {  	s23 =	simm.s32 $0x19500;
	s24 =	simm.s32 $0x40;
	s25 =	simm.s32 $0x1D500;
	v7 =	vsel vm4, $0x1900, v6;
	v6 =	vor.u32 $0x8020, v3;
	v9 =	vsel vm4, $0x4900, v9  }
0x18: {  	s28 =	simm.s32 $0x1B500;
	s29 =	simm.s32 $0x1D580;
	s0 =	ssub.s32 $0x2, s0;
	v10 =	vsel vm4, $0x7900, v10;
	v11 =	vsel vm4, $0xA900, v11;
	v8 =	vsel vm3, $0x1980, v7  }
0x19: {  	[smem:$0x7FF] =	sst s4;
	s8 =	sadd.s32 $0xA00, s3;
	s26 =	sshrl.u32 s0, $0x1;
	v7 =	vor.u32 $0x8030, v3;
	v9 =	vsel vm3, $0x4980, v9;
	v10 =	vsel vm3, $0x7980, v10  }
.Ltmp0:
0x1a: {  	s3 =	simm.s32 $0x0;
	s0 =	ssub.s32 s0, s26;
	v11 =	vsel vm3, $0xA980, v11;
	v8 =	vsel vm2, $0x1A00, v8;
	v9 =	vsel vm2, $0x4A00, v9;
	(pc) =	sbr.rel .LBB2_1-.Ltmp0, $4  }
0x1b: {  	s10 =	sadd.s32 $0x300, s1;
	s0 =	smax.u32 s0, $0x1;
	s2 =	rddreg [dreg:$0x0];
	v10 =	vsel vm2, $0x7A00, v10;
	v13 =	vsel vm2, $0xAA00, v11;
	v8 =	vsel vm1, $0x1A80, v8  }
0x1c: {  	_ =	strace $0x80000047;
	[dreg:$0x8] =	wrdreg s0;
	s30 =	sadd.s32 s2, s1;
	v9 =	vsel vm1, $0x4A80, v9;
	v12 =	vsel vm1, $0x7A80, v10;
	v10 =	vor.u32 $0x10, v3  }
0x1d: {  	s26 =	simm.s32 $0x2;
	s31 =	sadd.s32 s2, s10;
	[dreg:$0x6] =	wrdreg s30;
	v13 =	vsel vm1, $0xAA80, v13;
	v8 =	vsel vm0, $0x1B00, v8;
	v9 =	vsel vm0, $0x4B00, v9  }
0x1e: {  	s12 =	sadd.s32 $0x600, s1;
	s13 =	sadd.s32 $0x900, s1;
	[dreg:$0x7] =	wrdreg s31;
	v11 =	vsel vm0, $0x7B00, v12;
	v12 =	vor.u32 $0x20, v3;
	v13 =	vsel vm0, $0xAB00, v13  }
.LBB2_45:
0x1f: {  	_ = 	snop  }
.LBB2_48:
0x20: {  	_ =	sdelay $0x3  }
0x21: {  	[tilespmem:v18+s23+$0x0] =	vst.idx.msk @p0 $0xffff, v17  }
0x22: {  	v16 =	vld.idx.msk [tilespmem:v16+s22+$0x0], $0xffff;
	_ =	sdelay $0x4  }
0x23: {  	(v2sf) =	vpush v16, $0x0;
	_ =	sdelay $0xe  }
0x24: {  	s0 =	spop (v2sf)  }
0x25: {  	s0 =	sshll.u32 s0, $0x7  }
0x26: {  	s0 =	sadd.s32 $0xF85F0000, s0  }
0x27: {  	v57 =	vor.u32 s0, v3;
	_ =	sdelay $0x4  }
0x28: {  	v58 =	vor.u32 v3, v15;
	v16 =	vld.idx.msk [tilespmem:v57+s19+$0x0], $0xffff  }
0x29: {  	v59 =	vor.u32 s0, v10;
	_ =	sdelay $0x3  }
0x2a: {  	[tilespmem:v58+s23+$0x0] =	vst.idx.msk $0xffff, v16  }
0x2b: {  	v60 =	vor.u32 v10, v15;
	v16 =	vld.idx.msk [tilespmem:v59+s19+$0x0], $0xffff  }
0x2c: {  	v61 =	vor.u32 s0, v12;
	_ =	sdelay $0x3  }
0x2d: {  	[tilespmem:v60+s23+$0x0] =	vst.idx.msk $0xffff, v16  }
0x2e: {  	v62 =	vor.u32 v12, v15;
	v16 =	vld.idx.msk [tilespmem:v61+s19+$0x0], $0xffff  }
0x2f: {  	v63 =	vor.u32 s0, v14;
	_ =	sdelay $0x3  }
0x30: {  	[tilespmem:v62+s23+$0x0] =	vst.idx.msk $0xffff, v16  }
0x31: {  	v15 =	vor.u32 v14, v15;
	v16 =	vld.idx.msk [tilespmem:v63+s19+$0x0], $0xffff;
	_ =	sdelay $0x4  }
0x32: {  	s3 =	rddreg [dreg:$0x9];
	[tilespmem:v15+s23+$0x0] =	vst.idx.msk $0xffff, v16  }
.LBB2_49:
0x33: {  	[hbm4b:s8+s24] =	stream.indirect.scatter [tilespmem:s23], [sflag:$0x3], $0x80, s25, s24, $0xb8;
	[tilespmem:$0x1F680] =	vst v63  }
0x34: {  	_ =	swait.ge [sflag:s11], $0x2000  }
0x35: {  	[sflag:s11] =	ssyncset.done $0x0  }
0x36: {  	s0 =	simm.s32 $0x4;
	[sflag:s11] =	ssyncadd.s32 $0xFFFFE000  }
0x37: {  	_ =	swait.ge [sflag:s0], $0x2000  }
0x38: {  	[sflag:s0] =	ssyncset.done $0x0  }
0x39: {  	[sflag:s0] =	ssyncadd.s32 $0xFFFFE000  }
0x3a: {  	_ =	swait.ge [sflag:s21], $0xC000  }
0x3b: {  	[sflag:s21] =	ssyncset.done $0x0  }
0x3c: {  	[sflag:s21] =	ssyncadd.s32 $0xFFFF4000  }
0x3d: {  	_ =	swait.ge [sflag:s26], $0xC000  }
0x3e: {  	s3 =	sadd.s32 $0x1, s3;
	s31 =	rddreg [dreg:$0x8]  }
0x3f: {  	p0 =	sne.s32 s3, s31  }
.Ltmp1:
0x40: {  	_ = 	snop;
	(pc) =	sbr.rel @!p0 .LBB2_50-.Ltmp1, $3  }
0x41: {  	_ =	sdelay $0x1  }
0x42: {  	[sflag:s26] =	ssyncset.done $0x0  }
0x43: {  	[sflag:s26] =	ssyncadd.s32 $0xFFFF4000  }
.LBB2_1:
0x44: {  	[dreg:$0x9] =	wrdreg s3  }
0x45: {  	s0 =	rddreg [dreg:$0x6]  }
0x46: {  	[tilespmem:s17], [sflag:$0x1] =	stream.strided.gather [hbm4b:s0+s15], $0xC000, s16, s15, $0x38;
	[tilespmem:$0x1F680] =	vst v63  }
0x47: {  	s14 =	rddreg [dreg:$0x7]  }
0x48: {  	[tilespmem:s18], [sflag:$0x2] =	stream.strided.gather [hbm4b:s14+s15], $0xC000, s16, s15, $0x38;
	[tilespmem:$0x1F680] =	vst v63  }
0x49: {  	s30 =	rddreg [dreg:$0x1];
	s31 =	simm.s32 $0x0  }
0x4a: {  	[tilespmem:s19], [sflag:$0x5] =	stream.linear.gather [hbm4b:s30+s31], $0x2000, $0x38;
	[tilespmem:$0x1F680] =	vst v63  }
0x4b: {  	_ =	swait.ge [sflag:s20], $0x2000  }
0x4c: {  	[sflag:s20] =	ssyncset.done $0x0  }
0x4d: {  	s4 =	simm.s32 $0x0;
	s0 =	simm.s32 $0x40;
	[sflag:s20] =	ssyncadd.s32 $0xFFFFE000  }
.LBB2_2:
0x4e: {  	p0 =	sne.s32 s0, $0x18C0;
	[tilespmem:s4+$0x800] =	vst v2;
	s3 =	smov.u32 s0;
	s0 =	sadd.s32 $0x40, s0  }
.Ltmp2:
0x4f: {  	(pc) =	sbr.rel @p0 .LBB2_2-.Ltmp2, $2  }
0x50: {  	_ =	sdelay $0x2  }
0x51: {  	s4 =	sshra.s32 s3, $0x2  }
0x52: {  	s3 =	simm.s32 $0x0  }
0x53: {  	[tilespmem:s4+$0x800] =	vst v2;
	s7 =	simm.s32 $0x0;
	s0 =	simm.s32 $0x0;
	s9 =	simm.s32 $0x0  }
.LBB2_4:
0x54: {  	s4 =	sshll.u32 s9, $0x8;
	s5 =	rddreg [dreg:$0x2]  }
0x55: {  	s4 =	sadd.s32 s5, s4  }
0x56: {  	[tilespmem:s3], [sflag:$0x5] =	stream.linear.gather [hbm4b:s4+s3], $0x800, $0x38;
	[tilespmem:$0x1F680] =	vst v63  }
0x57: {  	_ =	swait.ge [sflag:s20], $0x800  }
0x58: {  	[sflag:s20] =	ssyncset.done $0x0  }
0x59: {  	s31 =	simm.s32 $0x0;
	[sflag:s20] =	ssyncadd.s32 $0xFFFFF800  }
0x5a: {  	v15 =	vld [tilespmem:s31+$0x0];
	_ =	sdelay $0x4  }
0x5b: {  	vm0 =	vge.s32 v15, v0;
	vm1 =	vlt.s32 v15, v1  }
0x5c: {  	vm0 =	vmand vm0, vm1  }
0x5d: {  	v16 =	vmpcnt.ones.xlane vm0;
	_ =	sdelay $0x1  }
0x5e: {  	(v2sf) =	vpush v16, $0x0;
	_ =	sdelay $0x2  }
0x5f: {  	p0 =	slt.s32 s0, $0x630;
	s4 =	smov.u32 s0  }
0x60: {  	s4 =	simm.s32 @!p0 $0x630  }
0x61: {  	[tilespmem:s4+$0x800] =	vst.msk vm0, v15;
	v15 =	vor.u32 s7, v3  }
0x62: {  	s6 =	simm.s32 $0x10;
	s11 =	smov.u32 s7;
	[tilespmem:s4+$0xE80] =	vst.msk vm0, v15;
	s4 =	simm.s32 $0x80  }
.LBB2_5:
0x63: {  	p0 =	sne.s32 s4, $0x1FC0;
	v15 =	vld [tilespmem:s6+$0x0];
	_ =	sdelay $0x4  }
0x64: {  	vm0 =	vge.s32 v15, v0;
	vm1 =	vlt.s32 v15, v1  }
0x65: {  	vm0 =	vmand vm0, vm1  }
0x66: {  	v16 =	vmpcnt.ones.xlane vm0  }
0x67: {  	s6 =	spop (v2sf)  }
0x68: {  	(v2sf) =	vpush v16, $0x0;
	s0 =	sadd.s32 s0, s6  }
0x69: {  	p1 =	slt.s32 s0, $0x630;
	s6 =	smov.u32 s0  }
.Ltmp3:
0x6a: {  	s11 =	sadd.s32 $0x10, s11;
	s6 =	simm.s32 @!p1 $0x630;
	(pc) =	sbr.rel @p0 .LBB2_5-.Ltmp3, $3  }
0x6b: {  	[tilespmem:s6+$0x800] =	vst.msk vm0, v15;
	v15 =	vor.u32 s11, v3  }
0x6c: {  	[tilespmem:s6+$0xE80] =	vst.msk vm0, v15;
	_ =	sdelay $0x1  }
0x6d: {  	s6 =	sshra.s32 s4, $0x2;
	s4 =	sadd.s32 $0x40, s4  }
0x6e: {  	v15 =	vld [tilespmem:s6+$0x0];
	_ =	sdelay $0x4  }
0x6f: {  	vm0 =	vge.s32 v15, v0;
	vm1 =	vlt.s32 v15, v1  }
0x70: {  	vm0 =	vmand vm0, vm1  }
0x71: {  	v16 =	vmpcnt.ones.xlane vm0;
	_ =	sdelay $0x1  }
0x72: {  	(v2sf) =	vpush v16, $0x0;
	_ =	sdelay $0x7  }
0x73: {  	s4 =	spop (v2sf)  }
0x74: {  	s0 =	sadd.s32 s0, s4  }
0x75: {  	s9 =	sadd.s32 $0x1, s9;
	p0 =	slt.s32 s0, $0x630;
	s4 =	smov.u32 s0  }
0x76: {  	s4 =	simm.s32 @!p0 $0x630;
	p0 =	sne.s32 s9, $0x8  }
.Ltmp4:
0x77: {  	_ = 	snop;
	(pc) =	sbr.rel @p0 .LBB2_4-.Ltmp4, $4  }
0x78: {  	_ = 	snop  }
0x79: {  	s30 =	sadd.s32 $0x10, s11  }
0x7a: {  	[tilespmem:s4+$0x800] =	vst.msk vm0, v15;
	v15 =	vor.u32 s30, v3;
	s31 =	spop (v2sf)  }
0x7b: {  	s7 =	sadd.s32 $0x800, s7;
	[tilespmem:s4+$0xE80] =	vst.msk vm0, v15;
	s0 =	sadd.s32 s0, s31  }
0x7c: {  	s3 =	simm.s32 $0x0;
	s7 =	simm.s32 $0x4000;
	s9 =	simm.s32 $0x0  }
.LBB2_8:
0x7d: {  	s4 =	sshll.u32 s9, $0x8;
	s5 =	rddreg [dreg:$0x3]  }
0x7e: {  	s4 =	sadd.s32 s5, s4  }
0x7f: {  	[tilespmem:s3], [sflag:$0x5] =	stream.linear.gather [hbm4b:s4+s3], $0x800, $0x38;
	[tilespmem:$0x1F680] =	vst v63  }
0x80: {  	_ =	swait.ge [sflag:s20], $0x800  }
0x81: {  	[sflag:s20] =	ssyncset.done $0x0  }
0x82: {  	s31 =	simm.s32 $0x0;
	[sflag:s20] =	ssyncadd.s32 $0xFFFFF800  }
0x83: {  	v15 =	vld [tilespmem:s31+$0x0];
	_ =	sdelay $0x4  }
0x84: {  	vm0 =	vge.s32 v15, v0;
	vm1 =	vlt.s32 v15, v1  }
0x85: {  	vm0 =	vmand vm0, vm1  }
0x86: {  	v16 =	vmpcnt.ones.xlane vm0;
	_ =	sdelay $0x1  }
0x87: {  	(v2sf) =	vpush v16, $0x0;
	_ =	sdelay $0x2  }
0x88: {  	p0 =	slt.s32 s0, $0x630;
	s4 =	smov.u32 s0  }
0x89: {  	s4 =	simm.s32 @!p0 $0x630  }
0x8a: {  	[tilespmem:s4+$0x800] =	vst.msk vm0, v15;
	v15 =	vor.u32 s7, v3  }
0x8b: {  	s6 =	simm.s32 $0x10;
	s11 =	smov.u32 s7;
	[tilespmem:s4+$0xE80] =	vst.msk vm0, v15;
	s4 =	simm.s32 $0x80  }
.LBB2_9:
0x8c: {  	p0 =	sne.s32 s4, $0x1FC0;
	v15 =	vld [tilespmem:s6+$0x0];
	_ =	sdelay $0x4  }
0x8d: {  	vm0 =	vge.s32 v15, v0;
	vm1 =	vlt.s32 v15, v1  }
0x8e: {  	vm0 =	vmand vm0, vm1  }
0x8f: {  	v16 =	vmpcnt.ones.xlane vm0  }
0x90: {  	s6 =	spop (v2sf)  }
0x91: {  	(v2sf) =	vpush v16, $0x0;
	s0 =	sadd.s32 s0, s6  }
0x92: {  	p1 =	slt.s32 s0, $0x630;
	s6 =	smov.u32 s0  }
.Ltmp5:
0x93: {  	s11 =	sadd.s32 $0x10, s11;
	s6 =	simm.s32 @!p1 $0x630;
	(pc) =	sbr.rel @p0 .LBB2_9-.Ltmp5, $3  }
0x94: {  	[tilespmem:s6+$0x800] =	vst.msk vm0, v15;
	v15 =	vor.u32 s11, v3  }
0x95: {  	[tilespmem:s6+$0xE80] =	vst.msk vm0, v15;
	_ =	sdelay $0x1  }
0x96: {  	s6 =	sshra.s32 s4, $0x2;
	s4 =	sadd.s32 $0x40, s4  }
0x97: {  	v15 =	vld [tilespmem:s6+$0x0];
	_ =	sdelay $0x4  }
0x98: {  	vm0 =	vge.s32 v15, v0;
	vm1 =	vlt.s32 v15, v1  }
0x99: {  	vm0 =	vmand vm0, vm1  }
0x9a: {  	v16 =	vmpcnt.ones.xlane vm0;
	_ =	sdelay $0x1  }
0x9b: {  	(v2sf) =	vpush v16, $0x0;
	_ =	sdelay $0x7  }
0x9c: {  	s4 =	spop (v2sf)  }
0x9d: {  	s0 =	sadd.s32 s0, s4  }
0x9e: {  	s9 =	sadd.s32 $0x1, s9;
	p0 =	slt.s32 s0, $0x630;
	s4 =	smov.u32 s0  }
0x9f: {  	s4 =	simm.s32 @!p0 $0x630;
	p0 =	sne.s32 s9, $0x8  }
.Ltmp6:
0xa0: {  	_ = 	snop;
	(pc) =	sbr.rel @p0 .LBB2_8-.Ltmp6, $4  }
0xa1: {  	_ = 	snop  }
0xa2: {  	s30 =	sadd.s32 $0x10, s11  }
0xa3: {  	[tilespmem:s4+$0x800] =	vst.msk vm0, v15;
	v15 =	vor.u32 s30, v3;
	s31 =	spop (v2sf)  }
0xa4: {  	s7 =	sadd.s32 $0x800, s7;
	[tilespmem:s4+$0xE80] =	vst.msk vm0, v15;
	s0 =	sadd.s32 s0, s31  }
0xa5: {  	s0 =	sadd.s32 $0xF, s0  }
0xa6: {  	s3 =	sand.u32 $0xF, s0  }
0xa7: {  	s31 =	sshra.s32 s0, $0x1F;
	p1 =	slt.s32 s0, $0x1;
	p0 =	sne.s32 s3, $0x0  }
0xa8: {  	s3 =	sshrl.u32 s31, $0x1C;
	p0 =	por !p1, !p0  }
0xa9: {  	s0 =	sadd.s32 s3, s0;
	s3 =	simm.s32 $0x1;
	p0 =	por !p0, !p0  }
.Ltmp7:
0xaa: {  	s0 =	sshra.s32 s0, $0x4;
	s3 =	simm.s32 @!p0 $0x0;
	(pc) =	sbr.rel .LBB2_12-.Ltmp7, $4  }
0xab: {  	s0 =	ssub.s32 s0, s3  }
0xac: {  	p1 =	sgt.s32 s0, $0x1  }
0xad: {  	p0 =	slt.s32 s0, $0x1;
	s0 =	simm.s32 @!p1 $0x1  }
0xae: {  	s3 =	simm.s32 $0x0;
	s0 =	smin.u32 s0, $0x64  }
.LBB2_32:
0xaf: {  	_ = 	snop  }
.LBB2_35:
0xb0: {  	_ =	sdelay $0x3  }
0xb1: {  	[tilespmem:v18+s28+$0x0] =	vst.idx.msk @p1 $0xffff, v17  }
0xb2: {  	v16 =	vld.idx.msk [tilespmem:v16+s22+$0x0], $0xffff;
	_ =	sdelay $0x4  }
0xb3: {  	(v2sf) =	vpush v16, $0x0;
	_ =	sdelay $0xe  }
0xb4: {  	s4 =	spop (v2sf)  }
0xb5: {  	s4 =	ssub.s32 s4, s9  }
0xb6: {  	v58 =	vmov s4  }
0xb7: {  	v59 =	vshll.u32 v58, $0x3  }
0xb8: {  	v16 =	vand.u32 $0x7F, v58;
	v17 =	vand.u32 $0xFFFFFC00, v59  }
0xb9: {  	v16 =	vor.u32 v16, v17  }
0xba: {  	v17 =	vadd.s32 v8, v16;
	_ =	sdelay $0x4  }
0xbb: {  	v60 =	vor.u32 v3, v15;
	v17 =	vld.idx.msk [tilespmem:v17+s18+$0x0], $0xffff  }
0xbc: {  	v19 =	vadd.s32 v9, v16;
	_ =	sdelay $0x3  }
0xbd: {  	[tilespmem:v60+s28+$0x0] =	vst.idx.msk $0xffff, v17  }
0xbe: {  	v61 =	vor.u32 v10, v15;
	v17 =	vld.idx.msk [tilespmem:v19+s18+$0x0], $0xffff  }
0xbf: {  	v62 =	vadd.s32 v11, v16;
	_ =	sdelay $0x3  }
0xc0: {  	[tilespmem:v61+s28+$0x0] =	vst.idx.msk $0xffff, v17  }
0xc1: {  	v63 =	vor.u32 v12, v15;
	v17 =	vld.idx.msk [tilespmem:v62+s18+$0x0], $0xffff  }
0xc2: {  	v16 =	vadd.s32 v13, v16;
	_ =	sdelay $0x3  }
0xc3: {  	[tilespmem:v63+s28+$0x0] =	vst.idx.msk $0xffff, v17  }
0xc4: {  	v15 =	vor.u32 v14, v15;
	v16 =	vld.idx.msk [tilespmem:v16+s18+$0x0], $0xffff;
	_ =	sdelay $0x4  }
0xc5: {  	[tilespmem:v15+s28+$0x0] =	vst.idx.msk $0xffff, v16  }
.LBB2_36:
0xc6: {  	s4 =	sadd.s32 s7, s13  }
0xc7: {  	s3 =	sadd.s32 $0x1, s3;
	p1 =	slt.s32 s4, $0xF3F00  }
0xc8: {  	s4 =	simm.s32 @!p1 $0xF3F00;
	p1 =	sne.s32 s3, $0x15  }
.Ltmp8:
0xc9: {  	_ = 	snop;
	(pc) =	sbr.rel @!p1 .LBB2_37-.Ltmp8, $4  }
0xca: {  	_ = 	snop  }
0xcb: {  	[hbm4b:s8+s24] =	stream.indirect.scatter [tilespmem:s28], [sflag:$0x4], $0x80, s29, s24, $0xb8;
	[tilespmem:$0x1F680] =	vst v63  }
0xcc: {  	s4 =	sadd.s32 s2, s4  }
0xcd: {  	[tilespmem:s18], [sflag:$0x2] =	stream.strided.gather [hbm4b:s4+s15], $0xC000, s16, s15, $0x38;
	[tilespmem:$0x1F680] =	vst v63  }
.LBB2_12:
0xce: {  	_ =	swait.ge [sflag:s21], $0xC000  }
0xcf: {  	p1 =	seq.s32 s3, $0x0;
	[sflag:s21] =	ssyncset.done $0x0  }
0xd0: {  	s4 =	simm.s32 @!p1 $0x3;
	[sflag:s21] =	ssyncadd.s32 $0xFFFF4000  }
0xd1: {  	_ =	swait.ge @!p1 [sflag:s4], $0x2000  }
0xd2: {  	[sflag:s4] =	ssyncset.done @!p1 $0x0  }
.Ltmp9:
0xd3: {  	[sflag:s4] =	ssyncadd.s32 @!p1 $0xFFFFE000;
	(pc) =	sbr.rel @p0 .LBB2_24-.Ltmp9, $4  }
0xd4: {  	[tilespmem:$0x1D500] =	vst v4  }
0xd5: {  	[tilespmem:$0x1D510] =	vst v5  }
0xd6: {  	[tilespmem:$0x1D520] =	vst v6  }
0xd7: {  	s7 =	smul.u32 $0x600, s3;
	[tilespmem:$0x1D530] =	vst v7  }
0xd8: {  	p3 =	sne.s32 s0, $0x1  }
.Ltmp10:
0xd9: {  	_ = 	snop;
	(pc) =	sbr.rel @!p3 .LBB2_14-.Ltmp10, $4  }
0xda: {  	_ = 	snop  }
0xdb: {  	s9 =	sadd.s32 s1, s7  }
0xdc: {  	s11 =	simm.s32 $0x0;
	s6 =	simm.s32 $0x800;
	s4 =	sadd.s32 $0x300, s9  }
0xdd: {  	s14 =	simm.s32 $0xE80;
	p2 =	por $0x0, $0x0;
	v17 =	vld [tilespmem:s6+$0x0];
	v15 =	vmov s9;
	v16 =	vmov s4;
	s4 =	sadd.s32 $0xFFFFFFFF, s0  }
0xde: {  	_ =	sdelay $0x3  }
0xdf: {  	vm0 =	vge.s32 v17, v15;
	vm1 =	vlt.s32 v17, v16  }
0xe0: {  	vm0 =	vmand vm0, vm1  }
0xe1: {  	v19 =	vmpcnt.ones.xlane vm0;
	_ =	sdelay $0x1  }
0xe2: {  	(v2sf) =	vpush v19, $0x0  }
0xe3: {  	v18 =	vld [tilespmem:s14+$0x0]  }
0xe4: {  	p3 =	sne.s32 s4, $0x1  }
.Ltmp11:
0xe5: {  	p2 =	por $0x1, $0x1;
	s6 =	simm.s32 $0x0;
	(pc) =	sbr.rel @!p3 .LBB2_16-.Ltmp11, $4  }
0xe6: {  	s6 =	simm.s32 @!p2 $0x30  }
0xe7: {  	[tilespmem:s6+$0x1D600] =	vst.msk vm0, v17  }
0xe8: {  	s4 =	sadd.s32 $0xFFFFFFFF, s4;
	[tilespmem:s6+$0x1D500] =	vst.msk vm0, v18;
	s6 =	simm.s32 $0x810  }
0xe9: {  	s31 =	simm.s32 $0xE80;
	s30 =	simm.s32 $0x0;
	p2 =	por $0x1, $0x1;
	v17 =	vld [tilespmem:s6+$0x0]  }
.LBB2_17:
0xea: {  	p3 =	sne.s32 s4, $0x1;
	_ =	sdelay $0x3  }
0xeb: {  	vm0 =	vge.s32 v17, v15;
	vm1 =	vlt.s32 v17, v16  }
0xec: {  	vm0 =	vmand vm0, vm1  }
0xed: {  	s31 =	sadd.s32 $0x10, s31;
	v18 =	vmpcnt.ones.xlane vm0  }
0xee: {  	v19 =	vld [tilespmem:s31+$0x0];
	s5 =	spop (v2sf)  }
0xef: {  	(v2sf) =	vpush v18, $0x0;
	s30 =	sadd.s32 s30, s5  }
0xf0: {  	p4 =	slt.s32 s30, $0x30;
	s5 =	smov.u32 s30  }
0xf1: {  	s5 =	simm.s32 @!p4 $0x30  }
.Ltmp12:
0xf2: {  	[tilespmem:s5+$0x1D600] =	vst.msk vm0, v17;
	(pc) =	sbr.rel @p3 .LBB2_17-.Ltmp12, $3  }
0xf3: {  	[tilespmem:s5+$0x1D500] =	vst.msk vm0, v19;
	_ =	sdelay $0x1  }
0xf4: {  	s6 =	sadd.s32 $0x10, s6  }
0xf5: {  	s4 =	sadd.s32 $0xFFFFFFFF, s4;
	v17 =	vld [tilespmem:s6+$0x0]  }
.LBB2_18:
0xf6: {  	_ =	sdelay $0x3  }
0xf7: {  	vm0 =	vge.s32 v17, v15;
	vm1 =	vlt.s32 v17, v16  }
0xf8: {  	vm0 =	vmand vm0, vm1  }
0xf9: {  	v15 =	vmpcnt.ones.xlane vm0;
	_ =	sdelay $0x1  }
0xfa: {  	(v2sf) =	vpush v15, $0x0;
	_ =	sdelay $0xb  }
0xfb: {  	s4 =	sadd.s32 @p2 $0x10, s31  }
0xfc: {  	s14 =	smov.u32 @p2 s4;
	s4 =	spop @p2 (v2sf)  }
0xfd: {  	s4 =	sadd.s32 @p2 s30, s4  }
0xfe: {  	s11 =	smov.u32 @p2 s4;
	s5 =	spop (v2sf)  }
0xff: {  	p2 =	slt.s32 s11, $0x30;
	s4 =	smov.u32 s11;
	s11 =	sadd.s32 s11, s5  }
0x100: {  	v15 =	vld [tilespmem:s14+$0x0];
	s4 =	simm.s32 @!p2 $0x30;
	p2 =	slt.s32 s11, $0x1  }
.Ltmp13:
0x101: {  	_ = 	snop;
	(pc) =	sbr.rel @p2 .LBB2_24-.Ltmp13, $3  }
0x102: {  	_ =	sdelay $0x1  }
0x103: {  	[tilespmem:s4+$0x1D600] =	vst.msk vm0, v17  }
0x104: {  	[tilespmem:s4+$0x1D500] =	vst.msk vm0, v15  }
0x105: {  	p2 =	slt.s32 s11, $0x40  }
0x106: {  	s11 =	simm.s32 @!p2 $0x40  }
0x107: {  	p3 =	sne.s32 s11, $0x1  }
.Ltmp14:
0x108: {  	_ = 	snop;
	(pc) =	sbr.rel @!p3 .LBB2_20-.Ltmp14, $4  }
0x109: {  	_ = 	snop  }
0x10a: {  	s4 =	simm.s32 $0x0  }
0x10b: {  	v16 =	vmov s4  }
0x10c: {  	s4 =	simm.s32 $0x1;
	p2 =	por $0x0, $0x0;
	v15 =	vshll.u32 v16, $0x7  }
0x10d: {  	_ =	sdelay $0x3  }
0x10e: {  	v16 =	vld.idx.msk [tilespmem:v16+s22+$0x0], $0xffff;
	_ =	sdelay $0x4  }
0x10f: {  	(v2sf) =	vpush v16, $0x0;
	_ =	sdelay $0xe  }
0x110: {  	s5 =	spop (v2sf)  }
0x111: {  	s5 =	ssub.s32 s5, s9  }
0x112: {  	v16 =	vmov s5  }
0x113: {  	v17 =	vshll.u32 v16, $0x3  }
0x114: {  	v16 =	vand.u32 $0x7F, v16;
	v17 =	vand.u32 $0xFFFFFC00, v17  }
0x115: {  	v16 =	vor.u32 v16, v17  }
0x116: {  	v17 =	vadd.s32 v8, v16;
	_ =	sdelay $0x4  }
0x117: {  	v18 =	vor.u32 v3, v15;
	v17 =	vld.idx.msk [tilespmem:v17+s17+$0x0], $0xffff  }
0x118: {  	v19 =	vadd.s32 v9, v16;
	_ =	sdelay $0x3  }
0x119: {  	[tilespmem:v18+s23+$0x0] =	vst.idx.msk $0xffff, v17  }
0x11a: {  	v18 =	vor.u32 v10, v15;
	v17 =	vld.idx.msk [tilespmem:v19+s17+$0x0], $0xffff  }
0x11b: {  	v19 =	vadd.s32 v11, v16;
	_ =	sdelay $0x3  }
0x11c: {  	[tilespmem:v18+s23+$0x0] =	vst.idx.msk $0xffff, v17  }
0x11d: {  	v18 =	vor.u32 v12, v15;
	v17 =	vld.idx.msk [tilespmem:v19+s17+$0x0], $0xffff  }
0x11e: {  	v19 =	vadd.s32 v13, v16;
	_ =	sdelay $0x1  }
0x11f: {  	p3 =	sne.s32 s11, $0x2  }
.Ltmp15:
0x120: {  	_ = 	snop;
	(pc) =	sbr.rel @!p3 .LBB2_23-.Ltmp15, $4  }
0x121: {  	[tilespmem:v18+s23+$0x0] =	vst.idx.msk $0xffff, v17  }
0x122: {  	v18 =	vor.u32 v14, v15;
	v17 =	vld.idx.msk [tilespmem:v19+s17+$0x0], $0xffff  }
0x123: {  	v16 =	vmov s4  }
0x124: {  	s14 =	simm.s32 $0x2;
	p2 =	por $0x1, $0x1;
	v15 =	vshll.u32 v16, $0x7  }
.LBB2_22:
0x125: {  	_ =	sdelay $0x1  }
0x126: {  	s31 =	smov.u32 s14;
	s14 =	sadd.s32 $0x1, s14;
	[tilespmem:v18+s23+$0x0] =	vst.idx.msk $0xffff, v17  }
0x127: {  	p3 =	sne.s32 s11, s14;
	v16 =	vld.idx.msk [tilespmem:v16+s22+$0x0], $0xffff;
	_ =	sdelay $0x5  }
0x128: {  	(v2sf) =	vpush v16, $0x0;
	_ =	sdelay $0xe  }
0x129: {  	s4 =	spop (v2sf)  }
0x12a: {  	s4 =	ssub.s32 s4, s9  }
0x12b: {  	v16 =	vmov s4  }
0x12c: {  	v17 =	vshll.u32 v16, $0x3  }
0x12d: {  	v16 =	vand.u32 $0x7F, v16;
	v17 =	vand.u32 $0xFFFFFC00, v17  }
0x12e: {  	v16 =	vor.u32 v16, v17  }
0x12f: {  	v17 =	vadd.s32 v8, v16;
	_ =	sdelay $0x4  }
0x130: {  	v17 =	vld.idx.msk [tilespmem:v17+s17+$0x0], $0xffff  }
0x131: {  	v18 =	vor.u32 v3, v15  }
0x132: {  	v19 =	vadd.s32 v9, v16;
	_ =	sdelay $0x3  }
0x133: {  	[tilespmem:v18+s23+$0x0] =	vst.idx.msk $0xffff, v17  }
0x134: {  	v17 =	vld.idx.msk [tilespmem:v19+s17+$0x0], $0xffff  }
0x135: {  	v18 =	vor.u32 v10, v15  }
0x136: {  	v19 =	vadd.s32 v11, v16;
	_ =	sdelay $0x3  }
0x137: {  	[tilespmem:v18+s23+$0x0] =	vst.idx.msk $0xffff, v17  }
0x138: {  	v17 =	vld.idx.msk [tilespmem:v19+s17+$0x0], $0xffff  }
0x139: {  	v18 =	vor.u32 v12, v15  }
0x13a: {  	v16 =	vadd.s32 v13, v16;
	_ =	sdelay $0x3  }
.Ltmp16:
0x13b: {  	[tilespmem:v18+s23+$0x0] =	vst.idx.msk $0xffff, v17;
	(pc) =	sbr.rel @p3 .LBB2_22-.Ltmp16, $4  }
0x13c: {  	v17 =	vld.idx.msk [tilespmem:v16+s17+$0x0], $0xffff  }
0x13d: {  	v18 =	vor.u32 v14, v15  }
0x13e: {  	v16 =	vmov s31  }
0x13f: {  	v15 =	vshll.u32 v16, $0x7  }
.LBB2_23:
0x140: {  	_ =	sdelay $0x3  }
0x141: {  	[tilespmem:v18+s23+$0x0] =	vst.idx.msk @p2 $0xffff, v17  }
0x142: {  	v16 =	vld.idx.msk [tilespmem:v16+s22+$0x0], $0xffff;
	_ =	sdelay $0x4  }
0x143: {  	(v2sf) =	vpush v16, $0x0;
	_ =	sdelay $0xe  }
0x144: {  	s4 =	spop (v2sf)  }
0x145: {  	s4 =	ssub.s32 s4, s9  }
0x146: {  	v58 =	vmov s4  }
0x147: {  	v59 =	vshll.u32 v58, $0x3  }
0x148: {  	v16 =	vand.u32 $0x7F, v58;
	v17 =	vand.u32 $0xFFFFFC00, v59  }
0x149: {  	v16 =	vor.u32 v16, v17  }
0x14a: {  	v17 =	vadd.s32 v8, v16;
	_ =	sdelay $0x4  }
0x14b: {  	v60 =	vor.u32 v3, v15;
	v17 =	vld.idx.msk [tilespmem:v17+s17+$0x0], $0xffff  }
0x14c: {  	v19 =	vadd.s32 v9, v16;
	_ =	sdelay $0x3  }
0x14d: {  	[tilespmem:v60+s23+$0x0] =	vst.idx.msk $0xffff, v17  }
0x14e: {  	v61 =	vor.u32 v10, v15;
	v17 =	vld.idx.msk [tilespmem:v19+s17+$0x0], $0xffff  }
0x14f: {  	v62 =	vadd.s32 v11, v16;
	_ =	sdelay $0x3  }
0x150: {  	[tilespmem:v61+s23+$0x0] =	vst.idx.msk $0xffff, v17  }
0x151: {  	v63 =	vor.u32 v12, v15;
	v17 =	vld.idx.msk [tilespmem:v62+s17+$0x0], $0xffff  }
0x152: {  	v16 =	vadd.s32 v13, v16;
	_ =	sdelay $0x3  }
0x153: {  	[tilespmem:v63+s23+$0x0] =	vst.idx.msk $0xffff, v17  }
0x154: {  	v15 =	vor.u32 v14, v15;
	v16 =	vld.idx.msk [tilespmem:v16+s17+$0x0], $0xffff;
	_ =	sdelay $0x4  }
0x155: {  	[tilespmem:v15+s23+$0x0] =	vst.idx.msk $0xffff, v16  }
.LBB2_24:
0x156: {  	[hbm4b:s8+s24] =	stream.indirect.scatter [tilespmem:s23], [sflag:$0x3], $0x80, s25, s24, $0xb8;
	[tilespmem:$0x1F680] =	vst v63  }
0x157: {  	s4 =	sadd.s32 s7, s12  }
0x158: {  	p2 =	slt.s32 s4, $0xF3F00  }
0x159: {  	s4 =	simm.s32 @!p2 $0xF3F00  }
0x15a: {  	s4 =	sadd.s32 s2, s4  }
0x15b: {  	[tilespmem:s17], [sflag:$0x1] =	stream.strided.gather [hbm4b:s4+s15], $0xC000, s16, s15, $0x38;
	[tilespmem:$0x1F680] =	vst v63  }
0x15c: {  	_ =	swait.ge [sflag:s26], $0xC000  }
0x15d: {  	[sflag:s26] =	ssyncset.done $0x0  }
0x15e: {  	s4 =	simm.s32 @!p1 $0x4;
	[sflag:s26] =	ssyncadd.s32 $0xFFFF4000  }
0x15f: {  	_ =	swait.ge @!p1 [sflag:s4], $0x2000  }
0x160: {  	[sflag:s4] =	ssyncset.done @!p1 $0x0  }
.Ltmp17:
0x161: {  	[sflag:s4] =	ssyncadd.s32 @!p1 $0xFFFFE000;
	(pc) =	sbr.rel @p0 .LBB2_36-.Ltmp17, $4  }
0x162: {  	[tilespmem:$0x1D580] =	vst v4  }
0x163: {  	[tilespmem:$0x1D590] =	vst v5  }
0x164: {  	[tilespmem:$0x1D5A0] =	vst v6  }
0x165: {  	[tilespmem:$0x1D5B0] =	vst v7  }
0x166: {  	p2 =	sne.s32 s0, $0x1  }
.Ltmp18:
0x167: {  	s9 =	sadd.s32 s7, s10;
	(pc) =	sbr.rel @!p2 .LBB2_26-.Ltmp18, $4  }
0x168: {  	p1 =	slt.s32 s9, $0xF3F00  }
0x169: {  	v15 =	vmov s9;
	s9 =	simm.s32 @!p1 $0xF3F00  }
0x16a: {  	s11 =	simm.s32 $0x0;
	s5 =	simm.s32 $0x800;
	s4 =	sadd.s32 $0x300, s9  }
0x16b: {  	s14 =	simm.s32 $0xE80;
	v17 =	vld [tilespmem:s5+$0x0];
	p1 =	por $0x0, $0x0;
	v16 =	vmov s4;
	s4 =	sadd.s32 $0xFFFFFFFF, s0  }
0x16c: {  	_ =	sdelay $0x3  }
0x16d: {  	vm0 =	vge.s32 v17, v15;
	vm1 =	vlt.s32 v17, v16  }
0x16e: {  	vm0 =	vmand vm0, vm1  }
0x16f: {  	v19 =	vmpcnt.ones.xlane vm0;
	_ =	sdelay $0x1  }
0x170: {  	(v2sf) =	vpush v19, $0x0  }
0x171: {  	v18 =	vld [tilespmem:s14+$0x0]  }
0x172: {  	p2 =	sne.s32 s4, $0x1  }
.Ltmp19:
0x173: {  	p1 =	por $0x1, $0x1;
	s5 =	simm.s32 $0x0;
	(pc) =	sbr.rel @!p2 .LBB2_28-.Ltmp19, $4  }
0x174: {  	s5 =	simm.s32 @!p1 $0x30  }
0x175: {  	[tilespmem:s5+$0x1D600] =	vst.msk vm0, v17  }
0x176: {  	s6 =	simm.s32 $0x810;
	s4 =	sadd.s32 $0xFFFFFFFF, s4;
	[tilespmem:s5+$0x1D580] =	vst.msk vm0, v18  }
0x177: {  	s30 =	simm.s32 $0xE80;
	s31 =	simm.s32 $0x0;
	p1 =	por $0x1, $0x1;
	v17 =	vld [tilespmem:s6+$0x0]  }
.LBB2_29:
0x178: {  	p2 =	sne.s32 s4, $0x1;
	_ =	sdelay $0x3  }
0x179: {  	vm0 =	vge.s32 v17, v15;
	vm1 =	vlt.s32 v17, v16  }
0x17a: {  	vm0 =	vmand vm0, vm1  }
0x17b: {  	s30 =	sadd.s32 $0x10, s30;
	v18 =	vmpcnt.ones.xlane vm0  }
0x17c: {  	v19 =	vld [tilespmem:s30+$0x0];
	s5 =	spop (v2sf)  }
0x17d: {  	(v2sf) =	vpush v18, $0x0;
	s31 =	sadd.s32 s31, s5  }
0x17e: {  	p3 =	slt.s32 s31, $0x30;
	s5 =	smov.u32 s31  }
0x17f: {  	s5 =	simm.s32 @!p3 $0x30  }
.Ltmp20:
0x180: {  	[tilespmem:s5+$0x1D600] =	vst.msk vm0, v17;
	(pc) =	sbr.rel @p2 .LBB2_29-.Ltmp20, $3  }
0x181: {  	[tilespmem:s5+$0x1D580] =	vst.msk vm0, v19;
	_ =	sdelay $0x1  }
0x182: {  	s6 =	sadd.s32 $0x10, s6  }
0x183: {  	s4 =	sadd.s32 $0xFFFFFFFF, s4;
	v17 =	vld [tilespmem:s6+$0x0]  }
.LBB2_30:
0x184: {  	_ =	sdelay $0x3  }
0x185: {  	vm0 =	vge.s32 v17, v15;
	vm1 =	vlt.s32 v17, v16  }
0x186: {  	vm0 =	vmand vm0, vm1  }
0x187: {  	v15 =	vmpcnt.ones.xlane vm0;
	_ =	sdelay $0x1  }
0x188: {  	(v2sf) =	vpush v15, $0x0;
	_ =	sdelay $0xb  }
0x189: {  	s4 =	sadd.s32 @p1 $0x10, s30  }
0x18a: {  	s14 =	smov.u32 @p1 s4;
	s4 =	spop @p1 (v2sf)  }
0x18b: {  	s4 =	sadd.s32 @p1 s31, s4  }
0x18c: {  	s11 =	smov.u32 @p1 s4;
	s5 =	spop (v2sf)  }
0x18d: {  	p1 =	slt.s32 s11, $0x30;
	s4 =	smov.u32 s11;
	s11 =	sadd.s32 s11, s5  }
0x18e: {  	v15 =	vld [tilespmem:s14+$0x0];
	s4 =	simm.s32 @!p1 $0x30;
	p1 =	slt.s32 s11, $0x1  }
.Ltmp21:
0x18f: {  	_ = 	snop;
	(pc) =	sbr.rel @p1 .LBB2_36-.Ltmp21, $3  }
0x190: {  	_ =	sdelay $0x1  }
0x191: {  	[tilespmem:s4+$0x1D600] =	vst.msk vm0, v17  }
0x192: {  	[tilespmem:s4+$0x1D580] =	vst.msk vm0, v15  }
0x193: {  	p1 =	slt.s32 s11, $0x40  }
0x194: {  	s11 =	simm.s32 @!p1 $0x40  }
0x195: {  	p2 =	sne.s32 s11, $0x1  }
.Ltmp22:
0x196: {  	_ = 	snop;
	(pc) =	sbr.rel @!p2 .LBB2_32-.Ltmp22, $4  }
0x197: {  	_ = 	snop  }
0x198: {  	s4 =	simm.s32 $0x0  }
0x199: {  	v16 =	vmov s4  }
0x19a: {  	s4 =	simm.s32 $0x1;
	p1 =	por $0x0, $0x0;
	v15 =	vshll.u32 v16, $0x7  }
0x19b: {  	_ =	sdelay $0x3  }
0x19c: {  	v16 =	vld.idx.msk [tilespmem:v16+s22+$0x0], $0xffff;
	_ =	sdelay $0x4  }
0x19d: {  	(v2sf) =	vpush v16, $0x0;
	_ =	sdelay $0xe  }
0x19e: {  	s5 =	spop (v2sf)  }
0x19f: {  	s5 =	ssub.s32 s5, s9  }
0x1a0: {  	v16 =	vmov s5  }
0x1a1: {  	v17 =	vshll.u32 v16, $0x3  }
0x1a2: {  	v16 =	vand.u32 $0x7F, v16;
	v17 =	vand.u32 $0xFFFFFC00, v17  }
0x1a3: {  	v16 =	vor.u32 v16, v17  }
0x1a4: {  	v17 =	vadd.s32 v8, v16;
	_ =	sdelay $0x4  }
0x1a5: {  	v18 =	vor.u32 v3, v15;
	v17 =	vld.idx.msk [tilespmem:v17+s18+$0x0], $0xffff  }
0x1a6: {  	v19 =	vadd.s32 v9, v16;
	_ =	sdelay $0x3  }
0x1a7: {  	[tilespmem:v18+s28+$0x0] =	vst.idx.msk $0xffff, v17  }
0x1a8: {  	v18 =	vor.u32 v10, v15;
	v17 =	vld.idx.msk [tilespmem:v19+s18+$0x0], $0xffff  }
0x1a9: {  	v19 =	vadd.s32 v11, v16;
	_ =	sdelay $0x3  }
0x1aa: {  	[tilespmem:v18+s28+$0x0] =	vst.idx.msk $0xffff, v17  }
0x1ab: {  	v18 =	vor.u32 v12, v15;
	v17 =	vld.idx.msk [tilespmem:v19+s18+$0x0], $0xffff  }
0x1ac: {  	v19 =	vadd.s32 v13, v16;
	_ =	sdelay $0x3  }
0x1ad: {  	p2 =	sne.s32 s11, $0x2;
	[tilespmem:v18+s28+$0x0] =	vst.idx.msk $0xffff, v17  }
.Ltmp23:
0x1ae: {  	v18 =	vor.u32 v14, v15;
	v17 =	vld.idx.msk [tilespmem:v19+s18+$0x0], $0xffff;
	(pc) =	sbr.rel @!p2 .LBB2_35-.Ltmp23, $2  }
0x1af: {  	v16 =	vmov s4;
	_ =	sdelay $0x2  }
0x1b0: {  	s14 =	simm.s32 $0x2;
	p1 =	por $0x1, $0x1;
	v15 =	vshll.u32 v16, $0x7  }
.LBB2_34:
0x1b1: {  	[tilespmem:v18+s28+$0x0] =	vst.idx.msk $0xffff, v17;
	s31 =	smov.u32 s14;
	s14 =	sadd.s32 $0x1, s14  }
0x1b2: {  	p2 =	sne.s32 s11, s14;
	v16 =	vld.idx.msk [tilespmem:v16+s22+$0x0], $0xffff;
	_ =	sdelay $0x5  }
0x1b3: {  	(v2sf) =	vpush v16, $0x0;
	_ =	sdelay $0xe  }
0x1b4: {  	s4 =	spop (v2sf)  }
0x1b5: {  	s4 =	ssub.s32 s4, s9  }
0x1b6: {  	v16 =	vmov s4  }
0x1b7: {  	v17 =	vshll.u32 v16, $0x3  }
0x1b8: {  	v16 =	vand.u32 $0x7F, v16;
	v17 =	vand.u32 $0xFFFFFC00, v17  }
0x1b9: {  	v16 =	vor.u32 v16, v17  }
0x1ba: {  	v17 =	vadd.s32 v8, v16;
	_ =	sdelay $0x4  }
0x1bb: {  	v17 =	vld.idx.msk [tilespmem:v17+s18+$0x0], $0xffff  }
0x1bc: {  	v18 =	vor.u32 v3, v15  }
0x1bd: {  	v19 =	vadd.s32 v9, v16;
	_ =	sdelay $0x3  }
0x1be: {  	[tilespmem:v18+s28+$0x0] =	vst.idx.msk $0xffff, v17  }
0x1bf: {  	v17 =	vld.idx.msk [tilespmem:v19+s18+$0x0], $0xffff  }
0x1c0: {  	v18 =	vor.u32 v10, v15  }
0x1c1: {  	v19 =	vadd.s32 v11, v16;
	_ =	sdelay $0x3  }
0x1c2: {  	[tilespmem:v18+s28+$0x0] =	vst.idx.msk $0xffff, v17  }
0x1c3: {  	v17 =	vld.idx.msk [tilespmem:v19+s18+$0x0], $0xffff  }
0x1c4: {  	v18 =	vor.u32 v12, v15  }
0x1c5: {  	v16 =	vadd.s32 v13, v16;
	_ =	sdelay $0x3  }
.Ltmp24:
0x1c6: {  	[tilespmem:v18+s28+$0x0] =	vst.idx.msk $0xffff, v17;
	(pc) =	sbr.rel @p2 .LBB2_34-.Ltmp24, $4  }
0x1c7: {  	v17 =	vld.idx.msk [tilespmem:v16+s18+$0x0], $0xffff  }
0x1c8: {  	v18 =	vor.u32 v14, v15  }
0x1c9: {  	v16 =	vmov s31  }
0x1ca: {  	v15 =	vshll.u32 v16, $0x7  }
.Ltmp25:
0x1cb: {  	_ = 	snop;
	(pc) =	sbr.rel .LBB2_35-.Ltmp25, $1  }
0x1cc: {  	_ =	sdelay $0x3  }
.LBB2_14:
.Ltmp26:
0x1cd: {  	(pc) =	sbr.rel .LBB2_18-.Ltmp26, $2  }
0x1ce: {  	_ =	sdelay $0x2  }
0x1cf: {  	s31 =	simm.s32 $0xE80;
	s30 =	simm.s32 $0x0  }
.LBB2_26:
.Ltmp27:
0x1d0: {  	(pc) =	sbr.rel .LBB2_30-.Ltmp27, $2  }
0x1d1: {  	_ =	sdelay $0x2  }
0x1d2: {  	s30 =	simm.s32 $0xE80;
	s31 =	simm.s32 $0x0  }
.LBB2_16:
.Ltmp28:
0x1d3: {  	(pc) =	sbr.rel .LBB2_18-.Ltmp28, $2  }
0x1d4: {  	_ =	sdelay $0x2  }
0x1d5: {  	s31 =	simm.s32 $0xE80;
	s30 =	simm.s32 $0x0  }
.LBB2_28:
.Ltmp29:
0x1d6: {  	(pc) =	sbr.rel .LBB2_30-.Ltmp29, $2  }
0x1d7: {  	_ =	sdelay $0x2  }
0x1d8: {  	s30 =	simm.s32 $0xE80;
	s31 =	simm.s32 $0x0  }
.LBB2_20:
.Ltmp30:
0x1d9: {  	(pc) =	sbr.rel .LBB2_23-.Ltmp30, $2  }
0x1da: {  	_ =	sdelay $0x2  }
0x1db: {  	_ = 	snop  }
.LBB2_37:
0x1dc: {  	s11 =	simm.s32 $0x3  }
0x1dd: {  	_ =	swait.ge [sflag:s11], $0x2000  }
0x1de: {  	[sflag:s11] =	ssyncset.done $0x0  }
.Ltmp31:
0x1df: {  	[sflag:s11] =	ssyncadd.s32 $0xFFFFE000;
	(pc) =	sbr.rel @p0 .LBB2_49-.Ltmp31, $4  }
0x1e0: {  	[tilespmem:$0x1D500] =	vst v4  }
0x1e1: {  	[tilespmem:$0x1D510] =	vst v5  }
0x1e2: {  	[tilespmem:$0x1D520] =	vst v6  }
0x1e3: {  	s3 =	rddreg [dreg:$0x9];
	[tilespmem:$0x1D530] =	vst v7  }
0x1e4: {  	p1 =	sne.s32 s0, $0x1  }
.Ltmp32:
0x1e5: {  	_ = 	snop;
	(pc) =	sbr.rel @!p1 .LBB2_39-.Ltmp32, $3  }
0x1e6: {  	_ =	sdelay $0x1  }
0x1e7: {  	s3 =	simm.s32 $0x0;
	s4 =	simm.s32 $0x800  }
0x1e8: {  	s7 =	simm.s32 $0xE80;
	s0 =	sadd.s32 $0xFFFFFFFF, s0;
	p0 =	por $0x0, $0x0;
	v15 =	vld [tilespmem:s4+$0x0]  }
0x1e9: {  	_ =	sdelay $0x3  }
0x1ea: {  	v17 =	vand.u32 $0xFFFFFFC0, v15  }
0x1eb: {  	vm0 =	veq.s32 v17, $0xF4200  }
0x1ec: {  	v17 =	vmpcnt.ones.xlane vm0;
	_ =	sdelay $0x1  }
0x1ed: {  	(v2sf) =	vpush v17, $0x0  }
0x1ee: {  	v16 =	vld [tilespmem:s7+$0x0]  }
0x1ef: {  	p1 =	sne.s32 s0, $0x1  }
.Ltmp33:
0x1f0: {  	p0 =	por $0x1, $0x1;
	s4 =	simm.s32 $0x0;
	(pc) =	sbr.rel @!p1 .LBB2_41-.Ltmp33, $4  }
0x1f1: {  	s4 =	simm.s32 @!p0 $0x30  }
0x1f2: {  	[tilespmem:s4+$0x1D600] =	vst.msk vm0, v15  }
0x1f3: {  	s6 =	sadd.s32 $0xFFFFFFFF, s0;
	[tilespmem:s4+$0x1D500] =	vst.msk vm0, v16;
	s4 =	simm.s32 $0x810  }
0x1f4: {  	s0 =	simm.s32 $0xE80;
	s9 =	simm.s32 $0x0;
	p0 =	por $0x1, $0x1;
	v15 =	vld [tilespmem:s4+$0x0]  }
.LBB2_42:
0x1f5: {  	p1 =	sne.s32 s6, $0x1;
	_ =	sdelay $0x3  }
0x1f6: {  	v16 =	vand.u32 $0xFFFFFFC0, v15  }
0x1f7: {  	vm0 =	veq.s32 v16, $0xF4200  }
0x1f8: {  	s0 =	sadd.s32 $0x10, s0;
	v16 =	vmpcnt.ones.xlane vm0  }
0x1f9: {  	v17 =	vld [tilespmem:s0+$0x0];
	s5 =	spop (v2sf)  }
0x1fa: {  	(v2sf) =	vpush v16, $0x0;
	s9 =	sadd.s32 s9, s5  }
0x1fb: {  	p2 =	slt.s32 s9, $0x30;
	s5 =	smov.u32 s9  }
0x1fc: {  	s5 =	simm.s32 @!p2 $0x30  }
.Ltmp34:
0x1fd: {  	[tilespmem:s5+$0x1D600] =	vst.msk vm0, v15;
	(pc) =	sbr.rel @p1 .LBB2_42-.Ltmp34, $3  }
0x1fe: {  	[tilespmem:s5+$0x1D500] =	vst.msk vm0, v17;
	_ =	sdelay $0x1  }
0x1ff: {  	s4 =	sadd.s32 $0x10, s4  }
0x200: {  	s6 =	sadd.s32 $0xFFFFFFFF, s6;
	v15 =	vld [tilespmem:s4+$0x0]  }
.LBB2_43:
0x201: {  	_ =	sdelay $0x3  }
0x202: {  	v16 =	vand.u32 $0xFFFFFFC0, v15  }
0x203: {  	vm0 =	veq.s32 v16, $0xF4200  }
0x204: {  	v16 =	vmpcnt.ones.xlane vm0;
	_ =	sdelay $0x1  }
0x205: {  	(v2sf) =	vpush v16, $0x0;
	_ =	sdelay $0xb  }
0x206: {  	s0 =	sadd.s32 @p0 $0x10, s0  }
0x207: {  	s7 =	smov.u32 @p0 s0;
	s0 =	spop @p0 (v2sf)  }
0x208: {  	s0 =	sadd.s32 @p0 s9, s0  }
0x209: {  	s3 =	smov.u32 @p0 s0;
	s31 =	spop (v2sf)  }
0x20a: {  	p0 =	slt.s32 s3, $0x30;
	s4 =	smov.u32 s3;
	s0 =	sadd.s32 s3, s31  }
0x20b: {  	v63 =	vld [tilespmem:s7+$0x0];
	s4 =	simm.s32 @!p0 $0x30;
	p0 =	slt.s32 s0, $0x1  }
.Ltmp35:
0x20c: {  	_ = 	snop;
	(pc) =	sbr.rel @p0 .LBB2_49-.Ltmp35, $3  }
0x20d: {  	_ =	sdelay $0x1  }
0x20e: {  	[tilespmem:s4+$0x1D600] =	vst.msk vm0, v15  }
0x20f: {  	[tilespmem:s4+$0x1D500] =	vst.msk vm0, v63;
	s3 =	rddreg [dreg:$0x9]  }
0x210: {  	p0 =	slt.s32 s0, $0x40  }
0x211: {  	s0 =	simm.s32 @!p0 $0x40  }
0x212: {  	p1 =	sne.s32 s0, $0x1  }
.Ltmp36:
0x213: {  	_ = 	snop;
	(pc) =	sbr.rel @!p1 .LBB2_45-.Ltmp36, $4  }
0x214: {  	_ = 	snop  }
0x215: {  	s3 =	simm.s32 $0x0  }
0x216: {  	v16 =	vmov s3  }
0x217: {  	s3 =	simm.s32 $0x1;
	p0 =	por $0x0, $0x0;
	v15 =	vshll.u32 v16, $0x7  }
0x218: {  	_ =	sdelay $0x3  }
0x219: {  	v16 =	vld.idx.msk [tilespmem:v16+s22+$0x0], $0xffff;
	_ =	sdelay $0x4  }
0x21a: {  	(v2sf) =	vpush v16, $0x0;
	_ =	sdelay $0xe  }
0x21b: {  	s4 =	spop (v2sf)  }
0x21c: {  	s4 =	sshll.u32 s4, $0x7  }
0x21d: {  	s4 =	sadd.s32 $0xF85F0000, s4  }
0x21e: {  	v16 =	vor.u32 s4, v3;
	_ =	sdelay $0x4  }
0x21f: {  	v17 =	vor.u32 v3, v15;
	v16 =	vld.idx.msk [tilespmem:v16+s19+$0x0], $0xffff  }
0x220: {  	v18 =	vor.u32 s4, v10;
	_ =	sdelay $0x3  }
0x221: {  	[tilespmem:v17+s23+$0x0] =	vst.idx.msk $0xffff, v16  }
0x222: {  	v17 =	vor.u32 v10, v15;
	v16 =	vld.idx.msk [tilespmem:v18+s19+$0x0], $0xffff  }
0x223: {  	v18 =	vor.u32 s4, v12;
	_ =	sdelay $0x3  }
0x224: {  	[tilespmem:v17+s23+$0x0] =	vst.idx.msk $0xffff, v16  }
0x225: {  	v17 =	vor.u32 v12, v15;
	v16 =	vld.idx.msk [tilespmem:v18+s19+$0x0], $0xffff  }
0x226: {  	v19 =	vor.u32 s4, v14;
	_ =	sdelay $0x3  }
0x227: {  	p1 =	sne.s32 s0, $0x2;
	[tilespmem:v17+s23+$0x0] =	vst.idx.msk $0xffff, v16  }
.Ltmp37:
0x228: {  	v18 =	vor.u32 v14, v15;
	v17 =	vld.idx.msk [tilespmem:v19+s19+$0x0], $0xffff;
	(pc) =	sbr.rel @!p1 .LBB2_48-.Ltmp37, $2  }
0x229: {  	v16 =	vmov s3;
	_ =	sdelay $0x2  }
0x22a: {  	p0 =	por $0x1, $0x1;
	s3 =	simm.s32 $0x2;
	v15 =	vshll.u32 v16, $0x7  }
.LBB2_47:
0x22b: {  	[tilespmem:v18+s23+$0x0] =	vst.idx.msk $0xffff, v17;
	s7 =	smov.u32 s3;
	s3 =	sadd.s32 $0x1, s3  }
0x22c: {  	p1 =	sne.s32 s0, s3;
	v16 =	vld.idx.msk [tilespmem:v16+s22+$0x0], $0xffff;
	_ =	sdelay $0x5  }
0x22d: {  	(v2sf) =	vpush v16, $0x0;
	_ =	sdelay $0xe  }
0x22e: {  	s4 =	spop (v2sf)  }
0x22f: {  	s4 =	sshll.u32 s4, $0x7  }
0x230: {  	s4 =	sadd.s32 $0xF85F0000, s4  }
0x231: {  	v16 =	vor.u32 s4, v3;
	_ =	sdelay $0x4  }
0x232: {  	v16 =	vld.idx.msk [tilespmem:v16+s19+$0x0], $0xffff  }
0x233: {  	v17 =	vor.u32 v3, v15  }
0x234: {  	v18 =	vor.u32 s4, v10;
	_ =	sdelay $0x3  }
0x235: {  	[tilespmem:v17+s23+$0x0] =	vst.idx.msk $0xffff, v16  }
0x236: {  	v16 =	vld.idx.msk [tilespmem:v18+s19+$0x0], $0xffff  }
0x237: {  	v17 =	vor.u32 v10, v15  }
0x238: {  	v18 =	vor.u32 s4, v12;
	_ =	sdelay $0x3  }
0x239: {  	[tilespmem:v17+s23+$0x0] =	vst.idx.msk $0xffff, v16  }
0x23a: {  	v16 =	vld.idx.msk [tilespmem:v18+s19+$0x0], $0xffff  }
0x23b: {  	v17 =	vor.u32 v12, v15  }
0x23c: {  	v18 =	vor.u32 s4, v14;
	_ =	sdelay $0x3  }
.Ltmp38:
0x23d: {  	[tilespmem:v17+s23+$0x0] =	vst.idx.msk $0xffff, v16;
	(pc) =	sbr.rel @p1 .LBB2_47-.Ltmp38, $4  }
0x23e: {  	v17 =	vld.idx.msk [tilespmem:v18+s19+$0x0], $0xffff  }
0x23f: {  	v18 =	vor.u32 v14, v15  }
0x240: {  	v16 =	vmov s7  }
0x241: {  	v15 =	vshll.u32 v16, $0x7  }
.Ltmp39:
0x242: {  	_ = 	snop;
	(pc) =	sbr.rel .LBB2_48-.Ltmp39, $1  }
0x243: {  	_ =	sdelay $0x3  }
.LBB2_39:
.Ltmp40:
0x244: {  	(pc) =	sbr.rel .LBB2_43-.Ltmp40, $2  }
0x245: {  	_ =	sdelay $0x2  }
0x246: {  	s0 =	simm.s32 $0xE80;
	s9 =	simm.s32 $0x0  }
.LBB2_41:
.Ltmp41:
0x247: {  	(pc) =	sbr.rel .LBB2_43-.Ltmp41, $2  }
0x248: {  	_ =	sdelay $0x2  }
0x249: {  	s0 =	simm.s32 $0xE80;
	s9 =	simm.s32 $0x0  }
.LBB2_50:
0x24a: {  	_ =	sfence.sel $0x180000  }
0x24b: {  	[bflag:$0x0] =	sbarrier.arrive $0xFFFF  }
0x24c: {  	_ =	strace $0x90000047  }
0x24d: {  	s0 =	stileid.u32;
	[bflag:$0x2] =	sbarrier.arrive $0xFFFF  }
0x24e: {  	p0 =	sne.s32 s0, $0x0;
	s0 =	rddreg [dreg:$0x5]  }
0x24f: {  	s0 =	sadd.s32 @!p0 $0x100000, s0  }
0x250: {  	[sflag:s0] =	ssyncadd.tile.s32 @!p0 $0x1;
	_ =	shalt  }
.Lfunc_end2:
_tile_overlayer_lowered:
.L_overlay_start_2:
0x251: {  	(tag) =	ssettag $0x2  }
0x252: {  	s0 =	rddreg [dreg:$0x0];
	s2 =	stileid.u32  }
0x253: {  	s1 =	rddreg [dreg:$0x1];
	p0 =	sne.s32 s2, $0x0  }
0x254: {  	s3 =	rddreg [dreg:$0x2];
	[bflag:$0x3] =	sbarrier.arrive $0xFFFF;
	s2 =	simm.s32 @!p0 $0x1C05  }
0x255: {  	[timem:s3], [sflag:s2] =	dma.local @!p0 [hbm:s0], s1  }
0x256: {  	s0 =	simm.s32 @!p0 $0x5  }
0x257: {  	_ =	swait.ge @!p0 [sflag:s0], s1  }
0x258: {  	s1 =	ssub.s32 @!p0 $0x0, s1;
	[sflag:s0] =	ssyncset.done @!p0 $0x0  }
0x259: {  	[sflag:s0] =	ssyncadd.s32 @!p0 s1  }
0x25a: {  	[bflag:$0x3] =	sbarrier.arrive $0xFFFF  }
0x25b: {  	_ =	shalt  }

// kernel: kernel.7.cloned.1.call-start
scs
__scs_entry_jumppad:
0x0: {  	(pc) =	sbr.rel $0x88, $3  }
0x1: {  	(tag) =	ssettag $0x0;
	lr =	simm.s32 $0x1  }
0x2: {  	[smem:$0x3F9C] =	sst lr;
	_ =	strace $0xD0000000  }
0x3: {  	_ = 	snop  }
0x4: {  	_ = 	snop  }
0x5: {  	_ = 	snop  }
0x6: {  	_ = 	snop  }
0x7: {  	_ = 	snop  }
__scs_overlays_trampoline_lowered:
0x8: {  	[smem:$0x3FAB] =	sst s0  }
0x9: {  	[smem:$0x3FAC] =	sst s1  }
0xa: {  	[smem:$0x3FAD] =	sst s2  }
0xb: {  	[smem:$0x3FAE] =	sst s3  }
0xc: {  	[smem:$0x3FAF] =	sst s4  }
0xd: {  	[smem:$0x3FB0] =	sst s5  }
0xe: {  	[smem:$0x3FB1] =	sst s6  }
0xf: {  	[smem:$0x3FB2] =	sst s7  }
0x10: {  	[smem:$0x3FB3] =	sst s8  }
0x11: {  	[smem:$0x3FB4] =	sst s9;
	s0 =	simm.s32 @!p0 $0x0  }
0x12: {  	s1 =	sld [smem:$0x3F9A];
	s0 =	simm.s32 @p0 $0x1  }
0x13: {  	[smem:$0x3FB5] =	sst s0;
	s0 =	simm.s32 @!p1 $0x0  }
0x14: {  	s2 =	sld [smem:$0x3F99];
	s0 =	simm.s32 @p1 $0x1  }
0x15: {  	[smem:$0x3FB6] =	sst s0;
	s0 =	simm.s32 @!p2 $0x0  }
0x16: {  	s3 =	sld [smem:$0x3FDB];
	s0 =	simm.s32 @p2 $0x1  }
0x17: {  	s4 =	simm.s32 $0x1BF5;
	[smem:$0x3FB8] =	sst s0  }
0x18: {  	s0 =	sld [smem:$0x3F9B];
	_ =	swait.ge [sflag:s4], $0x0  }
0x19: {  	s7 =	sld [smem:$0x3F9C]  }
0x1a: {  	s8 =	sadd.s32 $0xFFFFE003, lr  }
0x1b: {  	s9 =	sadd.s32 $0xFFFFFEF7, lr;
	s5 =	simm.s32 $0xFFFFFFFF;
	p2 =	slt.u32 s8, $0xFFFFF086  }
0x1c: {  	p1 =	slt.u32 s9, $0xF7A;
	s5 =	simm.s32 @!p2 $0x0  }
0x1d: {  	s5 =	simm.s32 @p1 $0x1;
	p0 =	seq.s32 s7, s2  }
0x1e: {  	s7 =	smul.u32 @!p0 $0xF7A, s2;
	p2 =	seq.s32 @!p0 s5, $0x0  }
0x1f: {  	s9 =	smul.u32 $0xF7A, s1;
	s8 =	simm.s32 @!p0 $0x1BF5;
	p2 =	por !p2, p0  }
0x20: {  	[sflag:s8] =	ssyncset.s32 @!p0 $0xFFFFF086;
	s6 =	sadd.s32 @!p0 s3, s7;
	s7 =	simm.s32 @!p0 $0x108  }
0x21: {  	s3 =	sadd.s32 s3, s9;
	s6 =	sadd.s32 @!p0 $0x88, s6;
	s7 =	simm.s32 @p2 $0x1082  }
0x22: {  	[simem:s7], [sflag:s8] =	dma.local @!p0 [hbm:s6], $0xF7A  }
0x23: {  	s9 =	sor.u32 $0xD0000000, s2;
	s6 =	simm.s32 $0x108;
	_ =	swait.ge @!p0 [sflag:s8], $0x0  }
0x24: {  	s3 =	sadd.s32 $0x88, s3;
	s6 =	simm.s32 @!p1 $0x1082;
	[sflag:s4] =	ssyncset.s32 $0xFFFFF086  }
0x25: {  	[simem:s6], [sflag:s4] =	dma.local [hbm:s3], $0xF7A  }
0x26: {  	[smem:$0x3F9C] =	sst s1;
	(tag) =	ssettag s2;
	_ =	strace s9  }
0x27: {  	s1 =	sld [smem:$0x3FAC]  }
0x28: {  	s2 =	sld [smem:$0x3FAD]  }
0x29: {  	s4 =	sld [smem:$0x3FAF]  }
0x2a: {  	p0 =	seq.s32 s5, $0x0;
	s5 =	sld [smem:$0x3FB0]  }
0x2b: {  	s6 =	sld [smem:$0x3FB1]  }
0x2c: {  	s7 =	sld [smem:$0x3FB2]  }
0x2d: {  	s3 =	simm.s32 $0x108;
	s8 =	sld [smem:$0x3FB3]  }
0x2e: {  	s3 =	simm.s32 @!p0 $0x1082;
	s9 =	sld [smem:$0x3FB4]  }
0x2f: {  	lr =	sadd.s32 s0, s3;
	s0 =	sld [smem:$0x3FAB]  }
0x30: {  	s3 =	sld [smem:$0x3FAE]  }
0x31: {  	[smem:$0x3FB7] =	sst s10  }
0x32: {  	s10 =	sld [smem:$0x3FB5];
	_ =	sdelay $0x3  }
0x33: {  	p0 =	seq.s32 s10, $0x1;
	s10 =	sld [smem:$0x3FB7];
	_ =	sdelay $0x3  }
0x34: {  	[smem:$0x3FB7] =	sst s10  }
0x35: {  	s10 =	sld [smem:$0x3FB6];
	_ =	sdelay $0x3  }
0x36: {  	p1 =	seq.s32 s10, $0x1;
	s10 =	sld [smem:$0x3FB7];
	_ =	sdelay $0x3  }
0x37: {  	[smem:$0x3FB7] =	sst s10  }
0x38: {  	s10 =	sld [smem:$0x3FB8]  }
0x39: {  	_ = 	snop;
	(pc) =	sbr.ind lr, $3  }
0x3a: {  	_ = 	snop  }
0x3b: {  	_ = 	snop  }
0x3c: {  	p2 =	seq.s32 s10, $0x1;
	s10 =	sld [smem:$0x3FB7]  }
0x3d: {  	_ =	shalt  }
0x3e: {  	_ =	shalt  }
0x3f: {  	_ =	shalt  }
0x40: {  	_ =	shalt  }
0x41: {  	_ =	shalt  }
0x42: {  	_ =	shalt  }
0x43: {  	_ =	shalt  }
0x44: {  	_ =	shalt  }
0x45: {  	_ =	shalt  }
0x46: {  	_ =	shalt  }
0x47: {  	_ =	shalt  }
0x48: {  	_ =	shalt  }
0x49: {  	_ =	shalt  }
0x4a: {  	_ =	shalt  }
0x4b: {  	_ =	shalt  }
0x4c: {  	_ =	shalt  }
0x4d: {  	_ =	shalt  }
0x4e: {  	_ =	shalt  }
0x4f: {  	_ =	shalt  }
0x50: {  	_ =	shalt  }
0x51: {  	_ =	shalt  }
0x52: {  	_ =	shalt  }
0x53: {  	_ =	shalt  }
0x54: {  	_ =	shalt  }
0x55: {  	_ =	shalt  }
0x56: {  	_ =	shalt  }
0x57: {  	_ =	shalt  }
0x58: {  	_ =	shalt  }
0x59: {  	_ =	shalt  }
0x5a: {  	_ =	shalt  }
0x5b: {  	_ =	shalt  }
0x5c: {  	_ =	shalt  }
0x5d: {  	_ =	shalt  }
0x5e: {  	_ =	shalt  }
0x5f: {  	_ =	shalt  }
0x60: {  	_ =	shalt  }
0x61: {  	_ =	shalt  }
0x62: {  	_ =	shalt  }
0x63: {  	_ =	shalt  }
0x64: {  	_ =	shalt  }
0x65: {  	_ =	shalt  }
0x66: {  	_ =	shalt  }
0x67: {  	_ =	shalt  }
0x68: {  	_ =	shalt  }
0x69: {  	_ =	shalt  }
0x6a: {  	_ =	shalt  }
0x6b: {  	_ =	shalt  }
0x6c: {  	_ =	shalt  }
0x6d: {  	_ =	shalt  }
0x6e: {  	_ =	shalt  }
0x6f: {  	_ =	shalt  }
0x70: {  	_ =	shalt  }
0x71: {  	_ =	shalt  }
0x72: {  	_ =	shalt  }
0x73: {  	_ =	shalt  }
0x74: {  	_ =	shalt  }
0x75: {  	_ =	shalt  }
0x76: {  	_ =	shalt  }
0x77: {  	_ =	shalt  }
0x78: {  	_ =	shalt  }
0x79: {  	_ =	shalt  }
0x7a: {  	_ =	shalt  }
0x7b: {  	_ =	shalt  }
0x7c: {  	_ =	shalt  }
0x7d: {  	_ =	shalt  }
0x7e: {  	_ =	shalt  }
0x7f: {  	_ =	shalt  }
0x80: {  	_ =	shalt  }
0x81: {  	_ =	shalt  }
0x82: {  	_ =	shalt  }
0x83: {  	_ =	shalt  }
0x84: {  	_ =	shalt  }
0x85: {  	_ =	shalt  }
0x86: {  	_ =	shalt  }
0x87: {  	_ =	shalt  }
.Lfunc_end0:
.L_simem_size_0:
called_computation.1_lowered:
.L_overlay_start_0:
0x88: {  	s2 =	sld [smem:$0x3FD9]  }
0x89: {  	s3 =	sld [smem:$0x3FFE];
	_ =	sdelay $0x1  }
0x8a: {  	s1 =	srdreg.scid  }
0x8b: {  	s0 =	sand.u32 $0x1, s1  }
0x8c: {  	s17 =	sshll.u32 s0, $0xA;
	s2 =	sadd.s32 s3, s2  }
0x8d: {  	s2 =	sadd.s32 s2, s17  }
0x8e: {  	[smem:$0x3FC3] =	sst s2  }
0x8f: {  	_ = 	snop  }
0x90: {  	s2 =	sld [smem:$0x3FC8]  }
0x91: {  	s18 =	sld [smem:$0x3FD0];
	(tm) =	ssettm $0x1  }
0x92: {  	s4 =	sld [smem:$0x3FFB];
	_ =	sdelay $0x3  }
0x93: {  	_ =	strace s4  }
0x94: {  	s4 =	sld [smem:$0x3FFC];
	_ =	sdelay $0x3  }
0x95: {  	_ =	strace s4  }
0x96: {  	s4 =	sld [smem:$0x3FFD];
	_ =	sdelay $0x3  }
0x97: {  	_ =	strace s4  }
0x98: {  	_ =	strace $0x8FFFFFFF  }
0x99: {  	s19 =	sld [smem:$0x3FDB];
	_ =	sdelay $0x1  }
0x9a: {  	s5 =	simm.s32 $_scs_section_size  }
0x9b: {  	s6 =	simm.s32 $_size__tile_overlayer_lowered;
	s7 =	simm.s32 $_tile_overlayer_lowered  }
0x9c: {  	s22 =	simm.s32 $0x1BFF;
	s21 =	sshll.u32 s7, $0x1;
	s4 =	sadd.s32 s5, s19  }
0x9d: {  	s8 =	simm.s32 $0x0;
	s20 =	sshll.u32 s6, $0x1;
	s6 =	sadd.s32 s21, s4  }
0x9e: {  	[timem:s8], [sflag:s22] =	dma.local [hbm:s6], s20  }
0x9f: {  	_ =	swait.ge [sflag:s22], s20  }
0xa0: {  	s5 =	ssub.s32 $0x0, s20;
	[sflag:s22] =	ssyncset.done $0x0  }
0xa1: {  	[sflag:s22] =	ssyncadd.s32 s5;
	_ =	sdelay $0x1  }
0xa2: {  	s23 =	simm.s32 $0x1B8B  }
0xa3: {  	_ =	swait.ge [sflag:s23], $0x1  }
0xa4: {  	[sflag:s23] =	ssyncset.done $0x0  }
0xa5: {  	s25 =	simm.s32 $0x1B8E;
	s24 =	sld [smem:$0x3FFE];
	[sflag:s23] =	ssyncadd.s32 $0xFFFFFFFF  }
0xa6: {  	s26 =	simm.s32 $execute0_lowered;
	[smem:$0x3FD2] =	sst s25  }
0xa7: {  	s6 =	sshll.u32 s26, $0x1;
	_ =	strace $0x80000049;
	[dreg:$0x1] =	wrdreg $0xFFFFFFFF  }
0xa8: {  	s28 =	simm.s32 $_size_execute0_lowered;
	s4 =	sadd.s32 s4, s6;
	[dreg:$0x0] =	wrdreg $0x0  }
0xa9: {  	s6 =	sshll.u32 s28, $0x1;
	[dreg:$0x2] =	wrdreg s4  }
0xaa: {  	[dreg:$0x3] =	wrdreg s6  }
0xab: {  	[dreg:$0x4] =	wrdreg $0xC0  }
0xac: {  	_ =	task [dreg:s8], $0x5FFFF  }
0xad: {  	[dreg:$0x1] =	wrdreg $0xFFFFFFFF  }
0xae: {  	[dreg:$0x0] =	wrdreg $0x60  }
0xaf: {  	[dreg:$0x2] =	wrdreg s24  }
0xb0: {  	[dreg:$0x3] =	wrdreg s2  }
0xb1: {  	[dreg:$0x4] =	wrdreg s18  }
0xb2: {  	[dreg:$0x5] =	wrdreg $0x9  }
0xb3: {  	_ =	task.clear_ibuf [dreg:s8], $0x6FFFF;
	_ =	strace $0x90000049  }
0xb4: {  	s29 =	simm.s32 $0x9;
	_ =	strace $0x8000004B  }
0xb5: {  	_ =	swait.ge [sflag:s29], $0x1  }
0xb6: {  	[sflag:s29] =	ssyncadd.s32 $0xFFFFFFFF  }
0xb7: {  	_ =	strace $0x9000004B  }
0xb8: {  	_ =	sfence  }
0xb9: {  	s30 =	sld [smem:$0x0];
	_ =	sdelay $0x2  }
0xba: {  	s31 =	sshll.u32 s1, $0xD;
	s1 =	sshrl.u32 s1, $0x2  }
0xbb: {  	s3 =	sand.u32 $0x4000, s31;
	s1 =	sadd.s32 s1, s30  }
0xbc: {  	s0 =	sor.u32 s3, s0;
	s1 =	sshll.u32 s1, $0x11  }
0xbd: {  	s0 =	sor.u32 s1, s0  }
0xbe: {  	s0 =	sadd.s32 $0x8F2B, s0  }
0xbf: {  	[sflag:s0] =	ssyncadd.remote.s32 $0x1  }
0xc0: {  	_ =	sfence.sel $0xFFFF  }
0xc1: {  	[dreg:$0x0] =	wrdreg $0xFFFFFFFF;
	(pc) =	sbr.abs _section_cstart, $3  }
0xc2: {  	[dreg:$0x1] =	wrdreg $0xFFFFFFFF  }
0xc3: {  	_ =	task.clear_ibuf [dreg:s8], $0x2FFFF;
	_ =	strace $0x9FFFFFFF  }
0xc4: {  	(tm) =	ssettm $0x7FFFFFFF  }
0xc5: {  	_ =	shalt  }
tec
execute0_lowered:
.L_overlay_start_1:
0x0: {  	(tag) =	ssettag $0x1  }
0x1: {  	s3 =	rddreg [dreg:$0x0];
	s1 =	srdreg.scid  }
0x2: {  	s4 =	rddreg [dreg:$0x1];
	s0 =	stileid.u32  }
0x3: {  	s9 =	rddreg [dreg:$0x2];
	s2 =	simm.s32 $0x0;
	s12 =	simm.s32 $0x10200  }
0x4: {  	s13 =	simm.s32 $0x200;
	s14 =	simm.s32 $0x8200;
	s15 =	simm.s32 $0x1  }
0x5: {  	s16 =	simm.s32 $0x17600;
	s17 =	simm.s32 $0x0;
	s5 =	sand.u32 $0x1, s1  }
0x6: {  	s6 =	sshll.u32 s0, $0xA;
	s1 =	rddreg [dreg:$0x3];
	s7 =	sshll.u32 s5, $0x9  }
0x7: {  	[smem:$0x7FF] =	sst s2;
	s5 =	ssub.s32 $0x2, s5;
	s6 =	sor.u32 s7, s6  }
0x8: {  	_ =	strace $0x8000004A;
	s31 =	sshrl.u32 s5, $0x1;
	s7 =	sshll.u32 s6, $0x4  }
0x9: {  	s10 =	sshrl.u32 s6, $0x3;
	s11 =	ssub.s32 s5, s31;
	s8 =	sadd.s32 s7, s3  }
0xa: {  	s3 =	sadd.s32 $0x80E00, s3;
	s4 =	sadd.s32 s4, s10;
	s9 =	sadd.s32 s9, s10  }
0xb: {  	v0 =	vlaneseq.u32;
	s10 =	smax.u32 s11, $0x1;
	s11 =	simm.s32 $0x2;
	s5 =	sadd.s32 $0xA00, s8  }
0xc: {  	v0 =	vmul.u32 $0x80, v0;
	s6 =	sadd.s32 $0x40A00, s8;
	s7 =	sadd.s32 $0x1A00, s8;
	s8 =	sadd.s32 $0x41A00, s8  }
.LBB2_1:
0xd: {  	[tilespmem:s2], [sflag:$0x2] =	stream.linear.gather [hbm4b:s4+s2], $0x200, $0x38;
	[tilespmem:$0x17800] =	vst v63  }
0xe: {  	_ =	swait.ge [sflag:s11], $0x200  }
0xf: {  	[sflag:s11] =	ssyncset.done $0x0  }
0x10: {  	[sflag:s11] =	ssyncadd.s32 $0xFFFFFE00  }
0x11: {  	[tilespmem:s12], [sflag:$0x2] =	stream.linear.gather [hbm4b:s3+s2], $0x7300, $0x38;
	[tilespmem:$0x17800] =	vst v63  }
0x12: {  	_ =	swait.ge [sflag:s11], $0x7300  }
0x13: {  	[sflag:s11] =	ssyncset.done $0x0  }
0x14: {  	[sflag:s11] =	ssyncadd.s32 $0xFFFF8D00  }
0x15: {  	[tilespmem:s13], [sflag:$0x1] =	stream.linear.gather [hbm4b:s5+s2], $0x8000, $0x38;
	[tilespmem:$0x17800] =	vst v63  }
0x16: {  	_ = 	snop  }
0x17: {  	[tilespmem:s14], [sflag:$0x1] =	stream.linear.gather [hbm4b:s6+s2], $0x8000, $0x38;
	[tilespmem:$0x17800] =	vst v63  }
0x18: {  	_ =	swait.ge [sflag:s15], $0x8000  }
0x19: {  	[sflag:s15] =	ssyncset.done $0x0  }
0x1a: {  	[sflag:s15] =	ssyncadd.s32 $0xFFFF8000  }
0x1b: {  	_ =	swait.ge [sflag:s15], $0x8000  }
0x1c: {  	[sflag:s15] =	ssyncset.done $0x0  }
0x1d: {  	s18 =	simm.s32 $0x0;
	[sflag:s15] =	ssyncadd.s32 $0xFFFF8000  }
.LBB2_2:
0x1e: {  	s19 =	sshll.u32 s18, $0x4  }
0x1f: {  	v2 =	vmov s19  }
0x20: {  	v3 =	vshll.u32 v2, $0x7  }
0x21: {  	s20 =	simm.s32 $0x0;
	v3 =	vor.u32 v0, v3  }
0x22: {  	s26 =	simm.s32 $0x3;
	v7 =	vor.u32 s20, v3  }
0x23: {  	s28 =	simm.s32 $0x2;
	v1 =	vld [tilespmem:s19+$0x0];
	v11 =	vor.u32 s26, v3  }
0x24: {  	s29 =	simm.s32 $0x1;
	v18 =	vor.u32 s28, v3  }
0x25: {  	v24 =	vor.u32 s29, v3  }
0x26: {  	v4 =	vor.u32 $0x20, v3  }
0x27: {  	v9 =	vor.u32 s20, v4;
	v14 =	vld.idx.msk [tilespmem:v7+s14+$0x0], $0xffff  }
0x28: {  	v13 =	vor.u32 s26, v4;
	v1 =	vshll.u32 v1, $0x7;
	v21 =	vld.idx.msk [tilespmem:v11+s14+$0x0], $0xffff  }
0x29: {  	v5 =	vor.u32 s20, v1;
	v26 =	vld.idx.msk [tilespmem:v18+s14+$0x0], $0xffff  }
0x2a: {  	v20 =	vor.u32 s28, v4;
	v31 =	vld.idx.msk [tilespmem:v24+s14+$0x0], $0xffff  }
0x2b: {  	v8 =	vor.u32 s26, v1;
	v35 =	vld.idx.msk [tilespmem:v7+s13+$0x0], $0xffff  }
0x2c: {  	v25 =	vor.u32 s29, v4;
	v2 =	vor.u32 $0x20, v1;
	v15 =	vld.idx.msk [tilespmem:v9+s14+$0x0], $0xffff  }
0x2d: {  	v6 =	vor.u32 s20, v2;
	v22 =	vld.idx.msk [tilespmem:v13+s14+$0x0], $0xffff  }
0x2e: {  	v10 =	vld.idx.msk [tilespmem:v5+s12+$0x0], $0xffff;
	v5 =	vor.u32 s26, v2  }
0x2f: {  	v16 =	vor.u32 s28, v2;
	v27 =	vld.idx.msk [tilespmem:v20+s14+$0x0], $0xffff  }
0x30: {  	v17 =	vld.idx.msk [tilespmem:v8+s12+$0x0], $0xffff;
	v8 =	vor.u32 s29, v2  }
0x31: {  	v33 =	vld.idx.msk [tilespmem:v25+s14+$0x0], $0xffff  }
0x32: {  	v12 =	vld.idx.msk [tilespmem:v6+s12+$0x0], $0xffff;
	v6 =	vor.u32 s28, v1  }
0x33: {  	v19 =	vld.idx.msk [tilespmem:v5+s12+$0x0], $0xffff;
	v5 =	vor.u32 s29, v1  }
0x34: {  	s30 =	simm.s32 $0x4;
	v16 =	vld.idx.msk [tilespmem:v16+s12+$0x0], $0xffff  }
0x35: {  	v32 =	vimm.f32 $0.0e+00;
	s31 =	simm.s32 $0x7;
	v29 =	vor.u32 s30, v1;
	v34 =	vor.u32 s30, v2;
	v30 =	vld.idx.msk [tilespmem:v8+s12+$0x0], $0xffff  }
0x36: {  	v40 =	vor.u32 s31, v2;
	v38 =	vld.idx.msk [tilespmem:v9+s13+$0x0], $0xffff;
	v36 =	vmul.f32 v14, v10;
	v10 =	vmul.f32 v15, v10  }
0x37: {  	v7 =	vor.u32 s31, v4;
	v23 =	vld.idx.msk [tilespmem:v6+s12+$0x0], $0xffff;
	v37 =	vmul.f32 v15, v12;
	v12 =	vmul.f32 v14, v12  }
0x38: {  	v8 =	vor.u32 s31, v3;
	v62 =	vmul.f32 v21, v17;
	v17 =	vmul.f32 v22, v17;
	v28 =	vld.idx.msk [tilespmem:v5+s12+$0x0], $0xffff  }
0x39: {  	v24 =	vld.idx.msk [tilespmem:v24+s13+$0x0], $0xffff;
	v42 =	vmul.f32 v27, v16;
	v16 =	vmul.f32 v26, v16;
	v10 =	vsub.f32 v10, v12  }
0x3a: {  	v43 =	vld.idx.msk [tilespmem:v18+s13+$0x0], $0xffff;
	v6 =	vor.u32 s30, v3;
	v39 =	vmul.f32 v22, v19;
	v18 =	vmul.f32 v33, v30  }
0x3b: {  	v20 =	vld.idx.msk [tilespmem:v20+s13+$0x0], $0xffff;
	v14 =	vor.u32 s31, v1;
	v12 =	vmul.f32 v31, v30;
	v10 =	vmul.f32 v10, v38  }
0x3c: {  	v63 =	vadd.f32 v37, v36;
	v22 =	vld.idx.msk [tilespmem:v25+s13+$0x0], $0xffff;
	v15 =	vmul.f32 v26, v23;
	v23 =	vmul.f32 v27, v23  }
0x3d: {  	v11 =	vld.idx.msk [tilespmem:v11+s13+$0x0], $0xffff;
	v5 =	vor.u32 s30, v4;
	v25 =	vmul.f32 v31, v28;
	v28 =	vmul.f32 v33, v28  }
0x3e: {  	v9 =	vld.idx.msk [tilespmem:v29+s12+$0x0], $0xffff;
	v27 =	vadd.f32 v42, v15;
	v23 =	vsub.f32 v23, v16;
	v16 =	vmul.f32 v21, v19  }
0x3f: {  	v18 =	vadd.f32 v18, v25;
	v25 =	vld.idx.msk [tilespmem:v13+s13+$0x0], $0xffff;
	v13 =	vmul.f32 v63, v35;
	v26 =	vsub.f32 v28, v12  }
0x40: {  	v15 =	vld.idx.msk [tilespmem:v6+s14+$0x0], $0xffff;
	v21 =	vmul.f32 v27, v43;
	v17 =	vsub.f32 v17, v16;
	v20 =	vmul.f32 v23, v20  }
0x41: {  	s22 =	simm.s32 $0x6;
	v16 =	vld.idx.msk [tilespmem:v14+s12+$0x0], $0xffff;
	v10 =	vadd.f32 v10, v13;
	v13 =	vmul.f32 v18, v24;
	v19 =	vmul.f32 v26, v22  }
0x42: {  	v41 =	vor.u32 s22, v1;
	v12 =	vld.idx.msk [tilespmem:v34+s12+$0x0], $0xffff;
	v21 =	vadd.f32 v20, v21;
	v22 =	vadd.f32 v39, v62  }
0x43: {  	v44 =	vor.u32 s22, v2;
	v20 =	vld.idx.msk [tilespmem:v7+s14+$0x0], $0xffff;
	v14 =	vadd.f32 v10, v32;
	v19 =	vadd.f32 v19, v13  }
0x44: {  	v18 =	vld.idx.msk [tilespmem:v5+s14+$0x0], $0xffff;
	v13 =	vor.u32 s22, v3;
	v23 =	vmul.f32 v22, v11  }
0x45: {  	s21 =	simm.s32 $0x5;
	v10 =	vld.idx.msk [tilespmem:v40+s12+$0x0], $0xffff;
	v26 =	vmul.f32 v17, v25;
	v19 =	vadd.f32 v19, v14;
	v14 =	vor.u32 s22, v4  }
0x46: {  	v24 =	vor.u32 s21, v1;
	v11 =	vld.idx.msk [tilespmem:v8+s14+$0x0], $0xffff  }
0x47: {  	v25 =	vor.u32 s21, v2;
	v17 =	vld.idx.msk [tilespmem:v41+s12+$0x0], $0xffff;
	v23 =	vadd.f32 v26, v23;
	v22 =	vadd.f32 v21, v19  }
0x48: {  	s20 =	simm.s32 $0x8;
	v21 =	vor.u32 s21, v3;
	v19 =	vld.idx.msk [tilespmem:v44+s12+$0x0], $0xffff  }
.LBB2_3:
0x49: {  	p0 =	slt.u32 s20, $0x1C;
	v26 =	vor.u32 s21, v4;
	v27 =	vld.idx.msk [tilespmem:v13+s14+$0x0], $0xffff;
	v22 =	vadd.f32 v23, v22  }
0x4a: {  	v23 =	vld.idx.msk [tilespmem:v14+s14+$0x0], $0xffff  }
0x4b: {  	v24 =	vld.idx.msk [tilespmem:v24+s12+$0x0], $0xffff  }
0x4c: {  	v28 =	vor.u32 s20, v1;
	v25 =	vld.idx.msk [tilespmem:v25+s12+$0x0], $0xffff  }
0x4d: {  	v29 =	vld.idx.msk [tilespmem:v21+s14+$0x0], $0xffff  }
0x4e: {  	v30 =	vor.u32 s20, v3;
	v31 =	vor.u32 s20, v4;
	v32 =	vor.u32 s20, v2;
	s21 =	sadd.s32 $0x3, s20;
	v33 =	vld.idx.msk [tilespmem:v26+s14+$0x0], $0xffff  }
0x4f: {  	v36 =	vmul.f32 v15, v9;
	v37 =	vmul.f32 v18, v12;
	v34 =	vor.u32 s21, v3;
	v35 =	vld.idx.msk [tilespmem:v6+s13+$0x0], $0xffff;
	v6 =	vmovc v30  }
0x50: {  	v18 =	vmul.f32 v18, v9;
	v12 =	vmul.f32 v15, v12;
	v30 =	vor.u32 s21, v4;
	v38 =	vld.idx.msk [tilespmem:v5+s13+$0x0], $0xffff;
	v5 =	vmovc v31  }
0x51: {  	v39 =	vmul.f32 v20, v10;
	v31 =	vmul.f32 v11, v16;
	v9 =	vld.idx.msk [tilespmem:v28+s12+$0x0], $0xffff;
	v28 =	vor.u32 s21, v1  }
0x52: {  	s22 =	sadd.s32 $0x2, s20;
	v40 =	vor.u32 s21, v2;
	v15 =	vmul.f32 v27, v17;
	v16 =	vmul.f32 v20, v16;
	v21 =	vld.idx.msk [tilespmem:v21+s13+$0x0], $0xffff  }
0x53: {  	v41 =	vor.u32 s22, v1;
	v42 =	vmul.f32 v23, v19;
	v20 =	vld.idx.msk [tilespmem:v26+s13+$0x0], $0xffff;
	v26 =	vmul.f32 v29, v24  }
0x54: {  	v43 =	vor.u32 s22, v2;
	v44 =	vmul.f32 v33, v25;
	v24 =	vmul.f32 v33, v24;
	v13 =	vld.idx.msk [tilespmem:v13+s13+$0x0], $0xffff  }
0x55: {  	v12 =	vsub.f32 v18, v12;
	v18 =	vmul.f32 v29, v25;
	v33 =	vadd.f32 v37, v36;
	v14 =	vld.idx.msk [tilespmem:v14+s13+$0x0], $0xffff  }
0x56: {  	v17 =	vmul.f32 v23, v17;
	v19 =	vmul.f32 v27, v19;
	v25 =	vadd.f32 v44, v26;
	v8 =	vld.idx.msk [tilespmem:v8+s13+$0x0], $0xffff  }
0x57: {  	v23 =	vmul.f32 v33, v35;
	v26 =	vmul.f32 v12, v38;
	v18 =	vsub.f32 v24, v18;
	v24 =	vld.idx.msk [tilespmem:v7+s13+$0x0], $0xffff  }
0x58: {  	v10 =	vmul.f32 v11, v10;
	v17 =	vsub.f32 v17, v19;
	v7 =	vadd.f32 v42, v15;
	v12 =	vld.idx.msk [tilespmem:v32+s12+$0x0], $0xffff  }
0x59: {  	v11 =	vadd.f32 v26, v23;
	v19 =	vmul.f32 v25, v21;
	v20 =	vmul.f32 v18, v20;
	v15 =	vld.idx.msk [tilespmem:v6+s14+$0x0], $0xffff  }
0x5a: {  	v25 =	vadd.f32 v39, v31;
	v23 =	vsub.f32 v16, v10;
	v21 =	vmul.f32 v7, v13;
	v18 =	vld.idx.msk [tilespmem:v5+s14+$0x0], $0xffff  }
0x5b: {  	v22 =	vadd.f32 v11, v22;
	v19 =	vadd.f32 v20, v19;
	v17 =	vmul.f32 v17, v14;
	v16 =	vld.idx.msk [tilespmem:v28+s12+$0x0], $0xffff  }
.Ltmp0:
0x5c: {  	v13 =	vor.u32 s22, v3;
	v14 =	vor.u32 s22, v4;
	v26 =	vmul.f32 v25, v8;
	v8 =	vmovc v34;
	v7 =	vmovc v30;
	v10 =	vld.idx.msk [tilespmem:v40+s12+$0x0], $0xffff;
	(pc) =	sbr.rel @p0 .LBB2_3-.Ltmp0, $4  }
0x5d: {  	s21 =	sadd.s32 $0x1, s20;
	v19 =	vadd.f32 v19, v22;
	v21 =	vadd.f32 v17, v21;
	v23 =	vmul.f32 v23, v24;
	v11 =	vld.idx.msk [tilespmem:v34+s14+$0x0], $0xffff  }
0x5e: {  	v24 =	vor.u32 s21, v1;
	v20 =	vld.idx.msk [tilespmem:v30+s14+$0x0], $0xffff  }
0x5f: {  	v25 =	vor.u32 s21, v2;
	v22 =	vadd.f32 v21, v19;
	v23 =	vadd.f32 v23, v26;
	v17 =	vld.idx.msk [tilespmem:v41+s12+$0x0], $0xffff  }
0x60: {  	s20 =	sadd.s32 $0x4, s20;
	v21 =	vor.u32 s21, v3;
	v19 =	vld.idx.msk [tilespmem:v43+s12+$0x0], $0xffff  }
0x61: {  	_ =	sdelay $0x3  }
0x62: {  	v1 =	vor.u32 s21, v4;
	v2 =	vld.idx.msk [tilespmem:v13+s14+$0x0], $0xffff  }
0x63: {  	v3 =	vld.idx.msk [tilespmem:v14+s14+$0x0], $0xffff  }
0x64: {  	v44 =	vld.idx.msk [tilespmem:v24+s12+$0x0], $0xffff  }
0x65: {  	v46 =	vld.idx.msk [tilespmem:v21+s14+$0x0], $0xffff  }
0x66: {  	v45 =	vld.idx.msk [tilespmem:v25+s12+$0x0], $0xffff;
	v27 =	vmul.f32 v15, v9;
	v28 =	vmul.f32 v18, v12  }
0x67: {  	v47 =	vmul.f32 v18, v9;
	v48 =	vmul.f32 v15, v12;
	v26 =	vld.idx.msk [tilespmem:v1+s14+$0x0], $0xffff  }
0x68: {  	v6 =	vld.idx.msk [tilespmem:v6+s13+$0x0], $0xffff;
	v49 =	vmul.f32 v11, v16;
	v50 =	vmul.f32 v20, v10  }
0x69: {  	v5 =	vld.idx.msk [tilespmem:v5+s13+$0x0], $0xffff;
	v51 =	vmul.f32 v20, v16;
	v29 =	vmul.f32 v2, v17  }
0x6a: {  	v52 =	vld.idx.msk [tilespmem:v21+s13+$0x0], $0xffff;
	v53 =	vmul.f32 v46, v44;
	v30 =	vmul.f32 v3, v19  }
0x6b: {  	v56 =	vadd.f32 v28, v27;
	v1 =	vld.idx.msk [tilespmem:v1+s13+$0x0], $0xffff;
	v57 =	vmul.f32 v46, v45;
	v3 =	vmul.f32 v3, v17  }
0x6c: {  	v55 =	vld.idx.msk [tilespmem:v13+s13+$0x0], $0xffff;
	v9 =	vsub.f32 v47, v48;
	v54 =	vmul.f32 v26, v45;
	v4 =	vmul.f32 v26, v44  }
0x6d: {  	v22 =	vadd.f32 v23, v22;
	v58 =	vld.idx.msk [tilespmem:v14+s13+$0x0], $0xffff;
	v2 =	vmul.f32 v2, v19;
	v6 =	vmul.f32 v56, v6  }
0x6e: {  	v8 =	vld.idx.msk [tilespmem:v8+s13+$0x0], $0xffff;
	v5 =	vmul.f32 v9, v5;
	v21 =	vadd.f32 v54, v53;
	v4 =	vsub.f32 v4, v57  }
0x6f: {  	v7 =	vld.idx.msk [tilespmem:v7+s13+$0x0], $0xffff;
	v59 =	vadd.f32 v30, v29;
	v2 =	vsub.f32 v3, v2;
	v3 =	vmul.f32 v11, v10  }
0x70: {  	v5 =	vadd.f32 v5, v6;
	v60 =	vmul.f32 v21, v52;
	v1 =	vmul.f32 v4, v1  }
0x71: {  	v62 =	vadd.f32 v50, v49;
	v61 =	vmul.f32 v59, v55;
	v3 =	vsub.f32 v51, v3  }
0x72: {  	v5 =	vadd.f32 v5, v22;
	v2 =	vmul.f32 v2, v58;
	v1 =	vadd.f32 v1, v60  }
0x73: {  	v63 =	vmul.f32 v62, v8  }
0x74: {  	s18 =	sadd.s32 $0x1, s18;
	v2 =	vadd.f32 v2, v61;
	v3 =	vmul.f32 v3, v7;
	v1 =	vadd.f32 v1, v5  }
0x75: {  	p0 =	sne.s32 s18, $0x10  }
.Ltmp1:
0x76: {  	v1 =	vadd.f32 v2, v1;
	v2 =	vadd.f32 v3, v63;
	(pc) =	sbr.rel @p0 .LBB2_2-.Ltmp1, $3  }
0x77: {  	_ = 	snop  }
0x78: {  	v1 =	vadd.f32 v2, v1;
	_ =	sdelay $0x1  }
0x79: {  	[tilespmem:s19+$0x17600] =	vst v1  }
0x7a: {  	s18 =	simm.s32 $0x0  }
0x7b: {  	[tilespmem:s13], [sflag:$0x1] =	stream.linear.gather [hbm4b:s7+s18], $0x8000, $0x38;
	[tilespmem:$0x17800] =	vst v63  }
0x7c: {  	_ = 	snop  }
0x7d: {  	[tilespmem:s14], [sflag:$0x1] =	stream.linear.gather [hbm4b:s8+s18], $0x8000, $0x38;
	[tilespmem:$0x17800] =	vst v63  }
0x7e: {  	_ =	swait.ge [sflag:s15], $0x8000  }
0x7f: {  	[sflag:s15] =	ssyncset.done $0x0  }
0x80: {  	[sflag:s15] =	ssyncadd.s32 $0xFFFF8000  }
0x81: {  	_ =	swait.ge [sflag:s15], $0x8000  }
0x82: {  	[sflag:s15] =	ssyncset.done $0x0  }
0x83: {  	s19 =	simm.s32 $0x0;
	[sflag:s15] =	ssyncadd.s32 $0xFFFF8000  }
.LBB2_6:
0x84: {  	s21 =	sshll.u32 s19, $0x4  }
0x85: {  	v2 =	vmov s21  }
0x86: {  	v3 =	vshll.u32 v2, $0x7  }
0x87: {  	v3 =	vor.u32 v0, v3  }
0x88: {  	s26 =	simm.s32 $0x3;
	s20 =	sor.u32 $0x100, s21;
	v7 =	vor.u32 s18, v3  }
0x89: {  	s28 =	simm.s32 $0x2;
	v1 =	vld [tilespmem:s20+$0x0];
	v11 =	vor.u32 s26, v3  }
0x8a: {  	s29 =	simm.s32 $0x1;
	v18 =	vor.u32 s28, v3  }
0x8b: {  	v24 =	vor.u32 s29, v3  }
0x8c: {  	v4 =	vor.u32 $0x20, v3  }
0x8d: {  	v9 =	vor.u32 s18, v4;
	v14 =	vld.idx.msk [tilespmem:v7+s14+$0x0], $0xffff  }
0x8e: {  	v13 =	vor.u32 s26, v4;
	v1 =	vshll.u32 v1, $0x7;
	v21 =	vld.idx.msk [tilespmem:v11+s14+$0x0], $0xffff  }
0x8f: {  	v5 =	vor.u32 s18, v1;
	v26 =	vld.idx.msk [tilespmem:v18+s14+$0x0], $0xffff  }
0x90: {  	v20 =	vor.u32 s28, v4;
	v31 =	vld.idx.msk [tilespmem:v24+s14+$0x0], $0xffff  }
0x91: {  	v8 =	vor.u32 s26, v1;
	v35 =	vld.idx.msk [tilespmem:v7+s13+$0x0], $0xffff  }
0x92: {  	v25 =	vor.u32 s29, v4;
	v2 =	vor.u32 $0x20, v1;
	v15 =	vld.idx.msk [tilespmem:v9+s14+$0x0], $0xffff  }
0x93: {  	v6 =	vor.u32 s18, v2;
	v22 =	vld.idx.msk [tilespmem:v13+s14+$0x0], $0xffff  }
0x94: {  	v10 =	vld.idx.msk [tilespmem:v5+s12+$0x0], $0xffff;
	v5 =	vor.u32 s26, v2  }
0x95: {  	v16 =	vor.u32 s28, v2;
	v27 =	vld.idx.msk [tilespmem:v20+s14+$0x0], $0xffff  }
0x96: {  	v17 =	vld.idx.msk [tilespmem:v8+s12+$0x0], $0xffff;
	v8 =	vor.u32 s29, v2  }
0x97: {  	v33 =	vld.idx.msk [tilespmem:v25+s14+$0x0], $0xffff  }
0x98: {  	v12 =	vld.idx.msk [tilespmem:v6+s12+$0x0], $0xffff;
	v6 =	vor.u32 s28, v1  }
0x99: {  	v19 =	vld.idx.msk [tilespmem:v5+s12+$0x0], $0xffff;
	v5 =	vor.u32 s29, v1  }
0x9a: {  	s30 =	simm.s32 $0x4;
	v16 =	vld.idx.msk [tilespmem:v16+s12+$0x0], $0xffff  }
0x9b: {  	v32 =	vimm.f32 $0.0e+00;
	s31 =	simm.s32 $0x7;
	v29 =	vor.u32 s30, v1;
	v34 =	vor.u32 s30, v2;
	v30 =	vld.idx.msk [tilespmem:v8+s12+$0x0], $0xffff  }
0x9c: {  	v7 =	vor.u32 s31, v4;
	v38 =	vld.idx.msk [tilespmem:v9+s13+$0x0], $0xffff;
	v36 =	vmul.f32 v14, v10;
	v10 =	vmul.f32 v15, v10  }
0x9d: {  	v40 =	vor.u32 s31, v2;
	v23 =	vld.idx.msk [tilespmem:v6+s12+$0x0], $0xffff;
	v37 =	vmul.f32 v15, v12;
	v12 =	vmul.f32 v14, v12  }
0x9e: {  	v8 =	vor.u32 s31, v3;
	v62 =	vmul.f32 v21, v17;
	v17 =	vmul.f32 v22, v17;
	v28 =	vld.idx.msk [tilespmem:v5+s12+$0x0], $0xffff  }
0x9f: {  	v24 =	vld.idx.msk [tilespmem:v24+s13+$0x0], $0xffff;
	v42 =	vmul.f32 v27, v16;
	v16 =	vmul.f32 v26, v16;
	v10 =	vsub.f32 v10, v12  }
0xa0: {  	v43 =	vld.idx.msk [tilespmem:v18+s13+$0x0], $0xffff;
	v6 =	vor.u32 s30, v3;
	v39 =	vmul.f32 v22, v19;
	v18 =	vmul.f32 v33, v30  }
0xa1: {  	v20 =	vld.idx.msk [tilespmem:v20+s13+$0x0], $0xffff;
	v14 =	vor.u32 s31, v1;
	v12 =	vmul.f32 v31, v30;
	v10 =	vmul.f32 v10, v38  }
0xa2: {  	v63 =	vadd.f32 v37, v36;
	v22 =	vld.idx.msk [tilespmem:v25+s13+$0x0], $0xffff;
	v15 =	vmul.f32 v26, v23;
	v23 =	vmul.f32 v27, v23  }
0xa3: {  	v11 =	vld.idx.msk [tilespmem:v11+s13+$0x0], $0xffff;
	v5 =	vor.u32 s30, v4;
	v25 =	vmul.f32 v31, v28;
	v28 =	vmul.f32 v33, v28  }
0xa4: {  	v9 =	vld.idx.msk [tilespmem:v29+s12+$0x0], $0xffff;
	v27 =	vadd.f32 v42, v15;
	v23 =	vsub.f32 v23, v16;
	v16 =	vmul.f32 v21, v19  }
0xa5: {  	v18 =	vadd.f32 v18, v25;
	v25 =	vld.idx.msk [tilespmem:v13+s13+$0x0], $0xffff;
	v13 =	vmul.f32 v63, v35;
	v26 =	vsub.f32 v28, v12  }
0xa6: {  	v15 =	vld.idx.msk [tilespmem:v6+s14+$0x0], $0xffff;
	v21 =	vmul.f32 v27, v43;
	v17 =	vsub.f32 v17, v16;
	v20 =	vmul.f32 v23, v20  }
0xa7: {  	s23 =	simm.s32 $0x6;
	v16 =	vld.idx.msk [tilespmem:v14+s12+$0x0], $0xffff;
	v10 =	vadd.f32 v10, v13;
	v13 =	vmul.f32 v18, v24;
	v19 =	vmul.f32 v26, v22  }
0xa8: {  	v41 =	vor.u32 s23, v1;
	v12 =	vld.idx.msk [tilespmem:v34+s12+$0x0], $0xffff;
	v21 =	vadd.f32 v20, v21;
	v22 =	vadd.f32 v39, v62  }
0xa9: {  	v44 =	vor.u32 s23, v2;
	v20 =	vld.idx.msk [tilespmem:v7+s14+$0x0], $0xffff;
	v14 =	vadd.f32 v10, v32;
	v19 =	vadd.f32 v19, v13  }
0xaa: {  	v18 =	vld.idx.msk [tilespmem:v5+s14+$0x0], $0xffff;
	v13 =	vor.u32 s23, v3;
	v23 =	vmul.f32 v22, v11  }
0xab: {  	s22 =	simm.s32 $0x5;
	v10 =	vld.idx.msk [tilespmem:v40+s12+$0x0], $0xffff;
	v26 =	vmul.f32 v17, v25;
	v19 =	vadd.f32 v19, v14;
	v14 =	vor.u32 s23, v4  }
0xac: {  	v24 =	vor.u32 s22, v1;
	v11 =	vld.idx.msk [tilespmem:v8+s14+$0x0], $0xffff  }
0xad: {  	v25 =	vor.u32 s22, v2;
	v17 =	vld.idx.msk [tilespmem:v41+s12+$0x0], $0xffff;
	v23 =	vadd.f32 v26, v23;
	v22 =	vadd.f32 v21, v19  }
0xae: {  	s21 =	simm.s32 $0x8;
	v21 =	vor.u32 s22, v3;
	v19 =	vld.idx.msk [tilespmem:v44+s12+$0x0], $0xffff  }
.LBB2_7:
0xaf: {  	p0 =	slt.u32 s21, $0x1C;
	v26 =	vor.u32 s22, v4;
	v27 =	vld.idx.msk [tilespmem:v13+s14+$0x0], $0xffff;
	v22 =	vadd.f32 v23, v22  }
0xb0: {  	v23 =	vld.idx.msk [tilespmem:v14+s14+$0x0], $0xffff  }
0xb1: {  	v24 =	vld.idx.msk [tilespmem:v24+s12+$0x0], $0xffff  }
0xb2: {  	v28 =	vor.u32 s21, v1;
	v25 =	vld.idx.msk [tilespmem:v25+s12+$0x0], $0xffff  }
0xb3: {  	v29 =	vld.idx.msk [tilespmem:v21+s14+$0x0], $0xffff  }
0xb4: {  	v30 =	vor.u32 s21, v3;
	v31 =	vor.u32 s21, v4;
	v32 =	vor.u32 s21, v2;
	s22 =	sadd.s32 $0x3, s21;
	v33 =	vld.idx.msk [tilespmem:v26+s14+$0x0], $0xffff  }
0xb5: {  	v36 =	vmul.f32 v15, v9;
	v37 =	vmul.f32 v18, v12;
	v34 =	vor.u32 s22, v3;
	v35 =	vld.idx.msk [tilespmem:v6+s13+$0x0], $0xffff;
	v6 =	vmovc v30  }
0xb6: {  	v18 =	vmul.f32 v18, v9;
	v12 =	vmul.f32 v15, v12;
	v30 =	vor.u32 s22, v4;
	v38 =	vld.idx.msk [tilespmem:v5+s13+$0x0], $0xffff;
	v5 =	vmovc v31  }
0xb7: {  	v39 =	vmul.f32 v20, v10;
	v31 =	vmul.f32 v11, v16;
	v9 =	vld.idx.msk [tilespmem:v28+s12+$0x0], $0xffff;
	v28 =	vor.u32 s22, v1  }
0xb8: {  	s23 =	sadd.s32 $0x2, s21;
	v40 =	vor.u32 s22, v2;
	v15 =	vmul.f32 v27, v17;
	v16 =	vmul.f32 v20, v16;
	v21 =	vld.idx.msk [tilespmem:v21+s13+$0x0], $0xffff  }
0xb9: {  	v41 =	vor.u32 s23, v1;
	v42 =	vmul.f32 v23, v19;
	v20 =	vld.idx.msk [tilespmem:v26+s13+$0x0], $0xffff;
	v26 =	vmul.f32 v29, v24  }
0xba: {  	v43 =	vor.u32 s23, v2;
	v44 =	vmul.f32 v33, v25;
	v24 =	vmul.f32 v33, v24;
	v13 =	vld.idx.msk [tilespmem:v13+s13+$0x0], $0xffff  }
0xbb: {  	v12 =	vsub.f32 v18, v12;
	v18 =	vmul.f32 v29, v25;
	v33 =	vadd.f32 v37, v36;
	v14 =	vld.idx.msk [tilespmem:v14+s13+$0x0], $0xffff  }
0xbc: {  	v17 =	vmul.f32 v23, v17;
	v19 =	vmul.f32 v27, v19;
	v25 =	vadd.f32 v44, v26;
	v8 =	vld.idx.msk [tilespmem:v8+s13+$0x0], $0xffff  }
0xbd: {  	v23 =	vmul.f32 v33, v35;
	v26 =	vmul.f32 v12, v38;
	v18 =	vsub.f32 v24, v18;
	v24 =	vld.idx.msk [tilespmem:v7+s13+$0x0], $0xffff  }
0xbe: {  	v10 =	vmul.f32 v11, v10;
	v17 =	vsub.f32 v17, v19;
	v7 =	vadd.f32 v42, v15;
	v12 =	vld.idx.msk [tilespmem:v32+s12+$0x0], $0xffff  }
0xbf: {  	v11 =	vadd.f32 v26, v23;
	v19 =	vmul.f32 v25, v21;
	v20 =	vmul.f32 v18, v20;
	v15 =	vld.idx.msk [tilespmem:v6+s14+$0x0], $0xffff  }
0xc0: {  	v25 =	vadd.f32 v39, v31;
	v23 =	vsub.f32 v16, v10;
	v21 =	vmul.f32 v7, v13;
	v18 =	vld.idx.msk [tilespmem:v5+s14+$0x0], $0xffff  }
0xc1: {  	v22 =	vadd.f32 v11, v22;
	v19 =	vadd.f32 v20, v19;
	v17 =	vmul.f32 v17, v14;
	v16 =	vld.idx.msk [tilespmem:v28+s12+$0x0], $0xffff  }
.Ltmp2:
0xc2: {  	v13 =	vor.u32 s23, v3;
	v14 =	vor.u32 s23, v4;
	v26 =	vmul.f32 v25, v8;
	v8 =	vmovc v34;
	v7 =	vmovc v30;
	v10 =	vld.idx.msk [tilespmem:v40+s12+$0x0], $0xffff;
	(pc) =	sbr.rel @p0 .LBB2_7-.Ltmp2, $4  }
0xc3: {  	s22 =	sadd.s32 $0x1, s21;
	v19 =	vadd.f32 v19, v22;
	v21 =	vadd.f32 v17, v21;
	v23 =	vmul.f32 v23, v24;
	v11 =	vld.idx.msk [tilespmem:v34+s14+$0x0], $0xffff  }
0xc4: {  	v24 =	vor.u32 s22, v1;
	v20 =	vld.idx.msk [tilespmem:v30+s14+$0x0], $0xffff  }
0xc5: {  	v25 =	vor.u32 s22, v2;
	v22 =	vadd.f32 v21, v19;
	v23 =	vadd.f32 v23, v26;
	v17 =	vld.idx.msk [tilespmem:v41+s12+$0x0], $0xffff  }
0xc6: {  	s21 =	sadd.s32 $0x4, s21;
	v21 =	vor.u32 s22, v3;
	v19 =	vld.idx.msk [tilespmem:v43+s12+$0x0], $0xffff  }
0xc7: {  	_ =	sdelay $0x3  }
0xc8: {  	v1 =	vor.u32 s22, v4;
	v2 =	vld.idx.msk [tilespmem:v13+s14+$0x0], $0xffff  }
0xc9: {  	v3 =	vld.idx.msk [tilespmem:v14+s14+$0x0], $0xffff  }
0xca: {  	v44 =	vld.idx.msk [tilespmem:v24+s12+$0x0], $0xffff  }
0xcb: {  	v46 =	vld.idx.msk [tilespmem:v21+s14+$0x0], $0xffff  }
0xcc: {  	v45 =	vld.idx.msk [tilespmem:v25+s12+$0x0], $0xffff;
	v27 =	vmul.f32 v15, v9;
	v28 =	vmul.f32 v18, v12  }
0xcd: {  	v47 =	vmul.f32 v18, v9;
	v48 =	vmul.f32 v15, v12;
	v26 =	vld.idx.msk [tilespmem:v1+s14+$0x0], $0xffff  }
0xce: {  	v6 =	vld.idx.msk [tilespmem:v6+s13+$0x0], $0xffff;
	v49 =	vmul.f32 v11, v16;
	v50 =	vmul.f32 v20, v10  }
0xcf: {  	v5 =	vld.idx.msk [tilespmem:v5+s13+$0x0], $0xffff;
	v51 =	vmul.f32 v20, v16;
	v29 =	vmul.f32 v2, v17  }
0xd0: {  	v52 =	vld.idx.msk [tilespmem:v21+s13+$0x0], $0xffff;
	v53 =	vmul.f32 v46, v44;
	v30 =	vmul.f32 v3, v19  }
0xd1: {  	v56 =	vadd.f32 v28, v27;
	v1 =	vld.idx.msk [tilespmem:v1+s13+$0x0], $0xffff;
	v57 =	vmul.f32 v46, v45;
	v3 =	vmul.f32 v3, v17  }
0xd2: {  	v55 =	vld.idx.msk [tilespmem:v13+s13+$0x0], $0xffff;
	v9 =	vsub.f32 v47, v48;
	v54 =	vmul.f32 v26, v45;
	v4 =	vmul.f32 v26, v44  }
0xd3: {  	v22 =	vadd.f32 v23, v22;
	v58 =	vld.idx.msk [tilespmem:v14+s13+$0x0], $0xffff;
	v2 =	vmul.f32 v2, v19;
	v6 =	vmul.f32 v56, v6  }
0xd4: {  	v8 =	vld.idx.msk [tilespmem:v8+s13+$0x0], $0xffff;
	v5 =	vmul.f32 v9, v5;
	v21 =	vadd.f32 v54, v53;
	v4 =	vsub.f32 v4, v57  }
0xd5: {  	v7 =	vld.idx.msk [tilespmem:v7+s13+$0x0], $0xffff;
	v59 =	vadd.f32 v30, v29;
	v2 =	vsub.f32 v3, v2;
	v3 =	vmul.f32 v11, v10  }
0xd6: {  	v5 =	vadd.f32 v5, v6;
	v60 =	vmul.f32 v21, v52;
	v1 =	vmul.f32 v4, v1  }
0xd7: {  	v62 =	vadd.f32 v50, v49;
	v61 =	vmul.f32 v59, v55;
	v3 =	vsub.f32 v51, v3  }
0xd8: {  	v5 =	vadd.f32 v5, v22;
	v2 =	vmul.f32 v2, v58;
	v1 =	vadd.f32 v1, v60  }
0xd9: {  	v63 =	vmul.f32 v62, v8  }
0xda: {  	s19 =	sadd.s32 $0x1, s19;
	v2 =	vadd.f32 v2, v61;
	v3 =	vmul.f32 v3, v7;
	v1 =	vadd.f32 v1, v5  }
0xdb: {  	p0 =	sne.s32 s19, $0x10  }
.Ltmp3:
0xdc: {  	v1 =	vadd.f32 v2, v1;
	v2 =	vadd.f32 v3, v63;
	(pc) =	sbr.rel @p0 .LBB2_6-.Ltmp3, $3  }
0xdd: {  	_ = 	snop  }
0xde: {  	v1 =	vadd.f32 v2, v1;
	_ =	sdelay $0x1  }
0xdf: {  	[tilespmem:s20+$0x17600] =	vst v1  }
0xe0: {  	s17 =	sadd.s32 $0x1, s17  }
0xe1: {  	p0 =	sne.s32 s17, s10  }
.Ltmp4:
0xe2: {  	_ = 	snop;
	(pc) =	sbr.rel @p0 .LBB2_1-.Ltmp4, $4  }
0xe3: {  	[hbm4b:s9+s2] =	stream.linear.scatter [tilespmem:s16], [sflag:$0x2], $0x200, $0x38;
	[tilespmem:$0x17800] =	vst v63  }
0xe4: {  	_ =	swait.ge [sflag:s11], $0x200  }
0xe5: {  	[sflag:s11] =	ssyncset.done $0x0  }
0xe6: {  	[sflag:s11] =	ssyncadd.s32 $0xFFFFFE00  }
0xe7: {  	_ =	sfence.sel $0x180000  }
0xe8: {  	[bflag:$0x0] =	sbarrier.arrive $0xFFFF  }
0xe9: {  	p0 =	sne.s32 s0, $0x0;
	_ =	strace $0x9000004A  }
0xea: {  	s0 =	sadd.s32 @!p0 $0x100000, s1;
	[bflag:$0x2] =	sbarrier.arrive $0xFFFF  }
0xeb: {  	[sflag:s0] =	ssyncadd.tile.s32 @!p0 $0x1;
	_ =	shalt  }
.Lfunc_end2:
_tile_overlayer_lowered:
.L_overlay_start_2:
0xec: {  	(tag) =	ssettag $0x2  }
0xed: {  	s0 =	rddreg [dreg:$0x0];
	s2 =	stileid.u32  }
0xee: {  	s1 =	rddreg [dreg:$0x1];
	p0 =	sne.s32 s2, $0x0  }
0xef: {  	s3 =	rddreg [dreg:$0x2];
	[bflag:$0x3] =	sbarrier.arrive $0xFFFF;
	s2 =	simm.s32 @!p0 $0x1C02  }
0xf0: {  	[timem:s3], [sflag:s2] =	dma.local @!p0 [hbm:s0], s1  }
0xf1: {  	s0 =	simm.s32 @!p0 $0x2  }
0xf2: {  	_ =	swait.ge @!p0 [sflag:s0], s1  }
0xf3: {  	s1 =	ssub.s32 @!p0 $0x0, s1;
	[sflag:s0] =	ssyncset.done @!p0 $0x0  }
0xf4: {  	[sflag:s0] =	ssyncadd.s32 @!p0 s1  }
0xf5: {  	[bflag:$0x3] =	sbarrier.arrive $0xFFFF  }
0xf6: {  	_ =	shalt  }

</sc_bundles>
